<compile_context>
chip_gen: v7x
topology: tpu7x:2x2x1
jax: 0.10.2.dev20260603
libtpu: 0.0.44.dev20260713+nightly
codegen_flags: <defaults>
</compile_context>

<pallas_src>
import jax
import jax.numpy as jnp
from jax import lax
from jax.experimental import pallas as pl
from jax.experimental.pallas import tpu as pltpu
from jax.experimental.pallas import tpu_sc as plsc


_F = 100000
_FP = 100352
_V = 50000
_VP = 51200
_E2 = 301056
_NQ = 4096
_CHUNK = _FP // 32
_GROWS = _CHUNK // 64

_i0 = 0


def _k1_body(f0_hbm, f1_hbm, f2_hbm, vx_hbm, vy_hbm, vz_hbm,
             cx_hbm, cy_hbm, cz_hbm, n2_hbm, det_hbm, e0_hbm, e1_hbm,
             i0, i1, i2,
             p0x, p0y, p0z, p1x, p1y, p1z, p2x, p2y, p2z,
             ox, oy, oz, on2, odet, oe0, oe1,
             sem0, sem1, sem2):
    wid = lax.axis_index("s") * 2 + lax.axis_index("c")
    base = wid * _CHUNK

    pltpu.sync_copy(f0_hbm.at[pl.ds(base, _CHUNK)], i0)
    pltpu.sync_copy(f1_hbm.at[pl.ds(base, _CHUNK)], i1)
    pltpu.sync_copy(f2_hbm.at[pl.ds(base, _CHUNK)], i2)

    def fire(j, _):
        o = pl.ds(j * 64, 64)
        pltpu.async_copy(vx_hbm.at[i0.at[o]], p0x.at[o], sem0)
        pltpu.async_copy(vy_hbm.at[i0.at[o]], p0y.at[o], sem0)
        pltpu.async_copy(vz_hbm.at[i0.at[o]], p0z.at[o], sem0)
        pltpu.async_copy(vx_hbm.at[i1.at[o]], p1x.at[o], sem1)
        pltpu.async_copy(vy_hbm.at[i1.at[o]], p1y.at[o], sem1)
        pltpu.async_copy(vz_hbm.at[i1.at[o]], p1z.at[o], sem1)
        pltpu.async_copy(vx_hbm.at[i2.at[o]], p2x.at[o], sem2)
        pltpu.async_copy(vy_hbm.at[i2.at[o]], p2y.at[o], sem2)
        pltpu.async_copy(vz_hbm.at[i2.at[o]], p2z.at[o], sem2)
        return _i0
    lax.fori_loop(_i0, jnp.int32(_GROWS), fire, _i0)
    for sem, buf in ((sem0, p0x), (sem0, p0y), (sem0, p0z),
                     (sem1, p1x), (sem1, p1y), (sem1, p1z),
                     (sem2, p2x), (sem2, p2y), (sem2, p2z)):
        pltpu.make_async_copy(vx_hbm.at[pl.ds(0, _CHUNK)], buf, sem).wait()

    def geo(g, _):
        s = pl.ds(g * 16, 16)
        x0 = p0x[s]
        y0 = p0y[s]
        z0 = p0z[s]
        x1 = p1x[s]
        y1 = p1y[s]
        z1 = p1z[s]
        x2 = p2x[s]
        y2 = p2y[s]
        z2 = p2z[s]
        ax = x1 - x0
        ay = y1 - y0
        az = z1 - z0
        bx = x2 - x0
        by = y2 - y0
        bz = z2 - z0
        cxv = ay * bz - az * by
        cyv = az * bx - ax * bz
        czv = ax * by - ay * bx
        n2 = cxv * cxv + cyv * cyv + czv * czv
        wx = y1 * z2 - z1 * y2
        wy = z1 * x2 - x1 * z2
        wz = x1 * y2 - y1 * x2
        dt = x0 * wx + y0 * wy + z0 * wz
        ox[s] = cxv
        oy[s] = cyv
        oz[s] = czv
        on2[s] = n2
        odet[s] = dt
        va = i0[s]
        vb = i1[s]
        vc = i2[s]
        oe0[s] = jnp.minimum(va, vb)
        oe1[s] = jnp.maximum(va, vb)
        oe0[pl.ds(_CHUNK + g * 16, 16)] = jnp.minimum(vb, vc)
        oe1[pl.ds(_CHUNK + g * 16, 16)] = jnp.maximum(vb, vc)
        oe0[pl.ds(2 * _CHUNK + g * 16, 16)] = jnp.minimum(vc, va)
        oe1[pl.ds(2 * _CHUNK + g * 16, 16)] = jnp.maximum(vc, va)
        return _i0
    lax.fori_loop(_i0, jnp.int32(_CHUNK // 16), geo, _i0)

    pltpu.sync_copy(ox, cx_hbm.at[pl.ds(base, _CHUNK)])
    pltpu.sync_copy(oy, cy_hbm.at[pl.ds(base, _CHUNK)])
    pltpu.sync_copy(oz, cz_hbm.at[pl.ds(base, _CHUNK)])
    pltpu.sync_copy(on2, n2_hbm.at[pl.ds(base, _CHUNK)])
    pltpu.sync_copy(odet, det_hbm.at[pl.ds(base, _CHUNK)])
    for e in range(3):
        pltpu.sync_copy(oe0.at[pl.ds(e * _CHUNK, _CHUNK)],
                        e0_hbm.at[pl.ds(e * _FP + base, _CHUNK)])
        pltpu.sync_copy(oe1.at[pl.ds(e * _CHUNK, _CHUNK)],
                        e1_hbm.at[pl.ds(e * _FP + base, _CHUNK)])


def _k1_call(f0, f1, f2, vx, vy, vz):
    i32 = jnp.int32
    f32 = jnp.float32
    mesh = plsc.VectorSubcoreMesh(core_axis_name="c", subcore_axis_name="s")
    out_type = [
        jax.ShapeDtypeStruct((_FP,), f32),
        jax.ShapeDtypeStruct((_FP,), f32),
        jax.ShapeDtypeStruct((_FP,), f32),
        jax.ShapeDtypeStruct((_FP,), f32),
        jax.ShapeDtypeStruct((_FP,), f32),
        jax.ShapeDtypeStruct((_E2,), i32),
        jax.ShapeDtypeStruct((_E2,), i32),
    ]
    scratch = ([pltpu.VMEM((_CHUNK,), i32)] * 3
               + [pltpu.VMEM((_CHUNK,), f32)] * 9
               + [pltpu.VMEM((_CHUNK,), f32)] * 5
               + [pltpu.VMEM((3 * _CHUNK,), i32)] * 2
               + [pltpu.SemaphoreType.DMA] * 3)
    kern = pl.kernel(_k1_body, out_type=out_type, mesh=mesh,
                     scratch_types=scratch)
    return kern(f0, f1, f2, vx, vy, vz)


def _dense_body(xsA_ref, xsT_ref, normsq_ref, det_ref, tgt_ref, valid_ref,
                out_ref):
    f32 = jnp.float32
    normsq = normsq_ref[...]
    sa = 0.5 * jnp.sum(jnp.sqrt(jnp.maximum(normsq, 0.0)))
    vol = jnp.abs(jnp.sum(det_ref[...])) / 6.0
    vol23 = jnp.exp((2.0 / 3.0) * jnp.log(vol))
    vol23 = jnp.maximum(vol23, 0.01)
    comp = -sa / vol23

    one = jnp.int32(1)
    valid = valid_ref[...] > 0
    t = tgt_ref[...]
    tb = lax.bitcast_convert_type(t, jnp.int32)
    validf = valid_ref[...].astype(f32)
    n = jnp.sum(validf).astype(jnp.int32)
    m = (n - one) // jnp.int32(2)

    def bis(_, lh):
        lo, hi = lh
        mid = (lo + hi) // jnp.int32(2)
        cnt = jnp.sum(jnp.where(valid & (tb <= mid), f32(1.0), f32(0.0))
                      ).astype(jnp.int32)
        geq = cnt >= m + one
        return (jnp.where(geq, lo, mid + one), jnp.where(geq, mid, hi))

    lo, hi = lax.fori_loop(0, 1, bis, (jnp.int32(0), jnp.int32(0x40000000)))
    delta = lax.bitcast_convert_type(hi, f32)
    delta = jnp.maximum(delta, 1e-4)
    hub = jnp.where(t <= delta, t * t / (2.0 * delta), t - delta / 2.0)
    hsum = jnp.sum(jnp.where(valid, hub, 0.0))
    smooth = -hsum / n.astype(f32)

    xsT = xsT_ref[...]
    row = lax.broadcasted_iota(jnp.int32, (8, _NQ), 0)
    yT = jnp.where(row == 1, -xsT, xsT)
    yy = jnp.sum(yT * yT, axis=0)
    acc = jnp.float32(0.0)
    B = 512
    for b in range(0):
        xa = xsA_ref[pl.ds(b * B, B), :]
        xx = jnp.sum(xa * xa, axis=1)
        xy = lax.dot_general(xa, yT, (((1,), (0,)), ((), ())),
                             preferred_element_type=f32,
                             precision=lax.Precision.HIGHEST)
        d = xx[:, None] - 2.0 * xy + yy[None, :]
        acc = acc + jnp.sum(jnp.min(d, axis=1))
    sym = -2.0 * (acc / _NQ)

    out_ref[...] = jnp.reshape(comp + smooth + sym, (1, 1))


def _dense_call(xsA, xsT, normsq, det, tgt, valid):
    return pl.pallas_call(
        _dense_body,
        out_shape=jax.ShapeDtypeStruct((1, 1), jnp.float32),
    )(xsA, xsT, normsq, det, tgt, valid)


def kernel(vertices, faces):
    f32 = jnp.float32
    i32 = jnp.int32
    fi = faces.astype(i32)

    npad = _FP - _F
    pad_ids = _V + 3 * jnp.arange(npad, dtype=i32)
    f0 = jnp.concatenate([fi[:, 0], pad_ids])
    f1 = jnp.concatenate([fi[:, 1], pad_ids + 1])
    f2 = jnp.concatenate([fi[:, 2], pad_ids + 2])
    zpad = jnp.zeros((_VP - _V,), f32)
    vx = jnp.concatenate([vertices[:, 0], zpad])
    vy = jnp.concatenate([vertices[:, 1], zpad])
    vz = jnp.concatenate([vertices[:, 2], zpad])

    p0 = jnp.stack([vx[f0], vy[f0], vz[f0]], axis=1)
    p1 = jnp.stack([vx[f1], vy[f1], vz[f1]], axis=1)
    p2 = jnp.stack([vx[f2], vy[f2], vz[f2]], axis=1)
    crossp = jnp.cross(p1 - p0, p2 - p0)
    cx, cy, cz = crossp[:, 0], crossp[:, 1], crossp[:, 2]
    normsq = jnp.sum(crossp * crossp, axis=1)
    det = jnp.sum(p0 * jnp.cross(p1, p2), axis=1)
    e0 = jnp.concatenate([jnp.minimum(f0, f1), jnp.minimum(f1, f2),
                          jnp.minimum(f2, f0)])
    e1 = jnp.concatenate([jnp.maximum(f0, f1), jnp.maximum(f1, f2),
                          jnp.maximum(f2, f0)])

    keys = e0 * jnp.int32(50000) + e1
    h = jnp.arange(_E2, dtype=i32)
    face_ids = h - (h // _FP) * _FP
    sort_idx = h
    eks = keys[sort_idx]
    fis = face_ids[sort_idx]
    valid = (eks[:-1] == eks[1:])
    idx_i = fis[:-1]
    idx_j = fis[1:]
    cross = jnp.stack([cx, cy, cz], axis=1)
    nrm = jnp.sqrt(normsq)
    fn = cross / jnp.maximum(nrm, 1e-8)[:, None]
    cos_ij = jnp.clip(jnp.sum(fn[idx_i] * fn[idx_j], axis=1), -1.0, 1.0)
    tgt = (1.0 - cos_ij).astype(f32)

    normsq_p = normsq.reshape(_FP // 128, 128)
    det_p = det.reshape(_FP // 128, 128)
    tgt_p = jnp.pad(tgt, (0, 1)).reshape(_E2 // 128, 128)
    valid_p = jnp.pad(valid.astype(i32), (0, 1)).reshape(_E2 // 128, 128)
    xs = vertices[::12][:_NQ]
    xsA = jnp.pad(xs, ((0, 0), (0, 5)))
    xsT = xsA.T

    out = _dense_call(xsA, xsT, normsq_p, det_p, tgt_p, valid_p)
    return out[0, 0]

# --- scband reference (transcript-rebuilt; emitter-appended) ---
"""Pipeline reference for scband-diff-geo-reward-81200651698419 (READ-ONLY COPY).

The authoritative reference and input builder live on the scoring server;
editing this copy changes nothing except your own understanding.
"""

import jax
jax.config.update('jax_enable_x64', True)
import jax.numpy as jnp
import numpy as np


def _build_face_adjacency(faces):
    Fn = faces.shape[0]
    v0, v1, v2 = faces[:, 0], faces[:, 1], faces[:, 2]
    half_edges = jnp.stack([
        jnp.stack([v0, v1], axis=1),
        jnp.stack([v1, v2], axis=1),
        jnp.stack([v2, v0], axis=1),
    ], axis=0).reshape(-1, 2)
    face_ids = jnp.tile(jnp.arange(Fn, dtype=jnp.int64), 3)
    edge_sorted = jnp.sort(half_edges, axis=1)
    V_max = faces.max().astype(jnp.int64) + 1
    edge_keys = edge_sorted[:, 0].astype(jnp.int64) * V_max + edge_sorted[:, 1].astype(jnp.int64)
    sort_idx = jnp.argsort(edge_keys)
    eks = edge_keys[sort_idx]
    fis = face_ids[sort_idx]
    mask = eks[:-1] == eks[1:]
    idx_i = fis[:-1]
    idx_j = fis[1:]
    return idx_i, idx_j, mask


def _face_normals(vertices, faces):
    v0 = vertices[faces[:, 0]]
    v1 = vertices[faces[:, 1]]
    v2 = vertices[faces[:, 2]]
    n = jnp.cross(v1 - v0, v2 - v0)
    norm = jnp.linalg.norm(n, axis=1, keepdims=True)
    return n / jnp.maximum(norm, 1e-8)


def _compactness(vertices, faces):
    v0 = vertices[faces[:, 0]]
    v1 = vertices[faces[:, 1]]
    v2 = vertices[faces[:, 2]]
    cross = jnp.cross(v1 - v0, v2 - v0)
    sa = (0.5 * jnp.linalg.norm(cross, axis=1)).sum()
    crossv = jnp.cross(v1, v2)
    vol = jnp.abs((v0 * crossv).sum(axis=1).sum() / 6.0)
    vol23 = jnp.maximum(vol ** (2.0 / 3.0), 0.01)
    return -sa / vol23


def _smoothness(vertices, faces, adj):
    fn = _face_normals(vertices, faces)
    idx_i, idx_j, valid = adj
    cos_ij = jnp.clip((fn[idx_i] * fn[idx_j]).sum(axis=1), -1.0, 1.0)
    target = 1.0 - cos_ij
    n = valid.sum()
    sorted_t = jnp.sort(jnp.where(valid, target, jnp.inf))
    delta = jax.lax.stop_gradient(sorted_t[(n - 1) // 2])
    delta = jnp.maximum(delta, 1e-4)
    huber = jnp.where(target <= delta, target ** 2 / (2 * delta), target - delta / 2)
    huber = jnp.where(valid, huber, 0.0)
    return -huber.sum() / n


def _chamfer(x, y, max_points=4096):
    if x.shape[0] > max_points:
        stride = x.shape[0] // max_points
        x = x[::stride][:max_points]
    if y.shape[0] > max_points:
        stride = y.shape[0] // max_points
        y = y[::stride][:max_points]
    chunk = 2048
    parts_x = []
    for i in range(0, x.shape[0], chunk):
        xc = x[i:i + chunk]
        xx = (xc ** 2).sum(axis=1, keepdims=True)
        yy = (y ** 2).sum(axis=1, keepdims=True)
        xy = xc @ y.T
        d = xx - 2 * xy + yy.T
        parts_x.append(d.min(axis=1))
    parts_y = []
    for j in range(0, y.shape[0], chunk):
        yc = y[j:j + chunk]
        yy = (yc ** 2).sum(axis=1, keepdims=True)
        xx = (x ** 2).sum(axis=1, keepdims=True)
        yx = yc @ x.T
        d = yy - 2 * yx + xx.T
        parts_y.append(d.min(axis=1))
    mdx = jnp.concatenate(parts_x)
    mdy = jnp.concatenate(parts_y)
    return mdx.mean() + mdy.mean()


def _symmetry(vertices, axis=1):
    sign = jnp.ones((3,), dtype=vertices.dtype).at[axis].set(-1.0)
    refl = vertices * sign
    return -_chamfer(vertices, refl)


def setup_inputs(seed: int = 0):
    key = jax.random.key(seed)
    k1, k2 = jax.random.split(key)
    vertices = jax.random.normal(k1, (50000, 3), dtype=jnp.float32)
    faces = jax.random.randint(k2, (100000, 3), 0, 50000, dtype=jnp.int64)
    return {"vertices": vertices, "faces": faces}


def reference(vertices, faces):
    adj = _build_face_adjacency(faces)
    comp = _compactness(vertices, faces)
    smooth = _smoothness(vertices, faces, adj)
    sym = _symmetry(vertices, axis=1)
    return comp + smooth + sym

if __name__ == "__main__":
    import jax
    _d = setup_inputs()
    print(jax.jit(kernel)(*tuple(_d.values())))

</pallas_src>

<mosaic_0001>
module attributes {stable_mosaic.version = 14 : i64} {
  func.func @_dense_body(%arg0: memref<4096x8xf32, #tpu.memory_space<vmem>>, %arg1: memref<8x4096xf32, #tpu.memory_space<vmem>>, %arg2: memref<784x128xf32, #tpu.memory_space<vmem>>, %arg3: memref<784x128xf32, #tpu.memory_space<vmem>>, %arg4: memref<2352x128xf32, #tpu.memory_space<vmem>>, %arg5: memref<2352x128xi32, #tpu.memory_space<vmem>>, %arg6: memref<1x1xf32, #tpu.memory_space<vmem>>) attributes {dimension_semantics = [], scalar_prefetch = 0 : i64, scratch_operands = 0 : i64, tpu.core_type = #tpu.core_type<tc>} {
    %get3A = arith.constant 0 : index
    %get3A_0 = arith.constant 0 : index
    %get3A_1 = vector.load %arg2[%get3A, %get3A_0] : memref<784x128xf32, #tpu.memory_space<vmem>>, vector<784x128xf32>
    %max3A = arith.constant 0.000000e+00 : f32
    %max3A_2 = vector.broadcast %max3A : f32 to vector<784x128xf32>
    %max3A_3 = arith.maximumf %get3A_1, %max3A_2 : vector<784x128xf32>
    %sqrt3A = math.sqrt %max3A_3 : vector<784x128xf32>
    %reduce_sum3A = vector.shape_cast %sqrt3A : vector<784x128xf32> to vector<1x784x128xf32>
    %reduce_sum3A_4 = arith.constant dense<0.000000e+00> : vector<1xf32>
    %reduce_sum3A_5 = vector.multi_reduction <add>, %reduce_sum3A, %reduce_sum3A_4 [1, 2] : vector<1x784x128xf32> to vector<1xf32>
    %reduce_sum3A_6 = vector.shape_cast %reduce_sum3A_5 : vector<1xf32> to vector<1x1x1xf32>
    %reduce_sum3A_7 = vector.extract %reduce_sum3A_6[0, 0, 0] : f32 from vector<1x1x1xf32>
    %mul3A = arith.constant 5.000000e-01 : f32
    %mul3A_8 = arith.mulf %mul3A, %reduce_sum3A_7 : f32
    %get3A_9 = arith.constant 0 : index
    %get3A_10 = arith.constant 0 : index
    %get3A_11 = vector.load %arg3[%get3A_9, %get3A_10] : memref<784x128xf32, #tpu.memory_space<vmem>>, vector<784x128xf32>
    %reduce_sum3A_12 = vector.shape_cast %get3A_11 : vector<784x128xf32> to vector<1x784x128xf32>
    %reduce_sum3A_13 = arith.constant dense<0.000000e+00> : vector<1xf32>
    %reduce_sum3A_14 = vector.multi_reduction <add>, %reduce_sum3A_12, %reduce_sum3A_13 [1, 2] : vector<1x784x128xf32> to vector<1xf32>
    %reduce_sum3A_15 = vector.shape_cast %reduce_sum3A_14 : vector<1xf32> to vector<1x1x1xf32>
    %reduce_sum3A_16 = vector.extract %reduce_sum3A_15[0, 0, 0] : f32 from vector<1x1x1xf32>
    %abs3A = math.absf %reduce_sum3A_16 : f32
    %div3A = arith.constant 6.000000e+00 : f32
    %div3A_17 = arith.divf %abs3A, %div3A : f32
    %log3A = math.log %div3A_17 : f32
    %mul3A_18 = arith.constant 0.666666686 : f32
    %mul3A_19 = arith.mulf %mul3A_18, %log3A : f32
    %exp3A = math.exp %mul3A_19 : f32
    %max3A_20 = arith.constant 0.00999999977 : f32
    %max3A_21 = arith.maximumf %exp3A, %max3A_20 : f32
    %neg3A = arith.constant 0.000000e+00 : f32
    %neg3A_22 = arith.subf %neg3A, %mul3A_8 : f32
    %div3A_23 = arith.divf %neg3A_22, %max3A_21 : f32
    %get3A_24 = arith.constant 0 : index
    %get3A_25 = arith.constant 0 : index
    %get3A_26 = vector.load %arg5[%get3A_24, %get3A_25] : memref<2352x128xi32, #tpu.memory_space<vmem>>, vector<2352x128xi32>
    %gt3A = arith.constant 0 : i32
    %gt3A_27 = vector.broadcast %gt3A : i32 to vector<2352x128xi32>
    %gt3A_28 = arith.cmpi sgt, %get3A_26, %gt3A_27 : vector<2352x128xi32>
    %get3A_29 = arith.constant 0 : index
    %get3A_30 = arith.constant 0 : index
    %get3A_31 = vector.load %arg4[%get3A_29, %get3A_30] : memref<2352x128xf32, #tpu.memory_space<vmem>>, vector<2352x128xf32>
    %bitcast_convert_type3A = tpu.bitcast %get3A_31 : vector<2352x128xf32> -> vector<2352x128xi32>
    %get3A_32 = arith.constant 0 : index
    %get3A_33 = arith.constant 0 : index
    %get3A_34 = vector.load %arg5[%get3A_32, %get3A_33] : memref<2352x128xi32, #tpu.memory_space<vmem>>, vector<2352x128xi32>
    %convert_element_type3A = arith.sitofp %get3A_34 : vector<2352x128xi32> to vector<2352x128xf32>
    %reduce_sum3A_35 = vector.shape_cast %convert_element_type3A : vector<2352x128xf32> to vector<1x2352x128xf32>
    %reduce_sum3A_36 = arith.constant dense<0.000000e+00> : vector<1xf32>
    %reduce_sum3A_37 = vector.multi_reduction <add>, %reduce_sum3A_35, %reduce_sum3A_36 [1, 2] : vector<1x2352x128xf32> to vector<1xf32>
    %reduce_sum3A_38 = vector.shape_cast %reduce_sum3A_37 : vector<1xf32> to vector<1x1x1xf32>
    %reduce_sum3A_39 = vector.extract %reduce_sum3A_38[0, 0, 0] : f32 from vector<1x1x1xf32>
    %convert_element_type3A_40 = arith.fptosi %reduce_sum3A_39 : f32 to i32
    %sub3A = arith.constant 1 : i32
    %sub3A_41 = arith.subi %convert_element_type3A_40, %sub3A : i32
    %jit3A = arith.constant 2 : i32
    %div3A_42 = arith.divsi %sub3A_41, %jit3A : i32
    %sign3A = arith.constant 0 : i32
    %sign3A_43 = arith.cmpi sgt, %sub3A_41, %sign3A : i32
    %sign3A_44 = arith.extui %sign3A_43 : i1 to i32
    %sign3A_45 = arith.constant 0 : i32
    %sign3A_46 = arith.cmpi slt, %sub3A_41, %sign3A_45 : i32
    %sign3A_47 = arith.extui %sign3A_46 : i1 to i32
    %sign3A_48 = arith.subi %sign3A_44, %sign3A_47 : i32
    %sign3A_49 = arith.constant 0 : i32
    %sign3A_50 = arith.cmpi sgt, %jit3A, %sign3A_49 : i32
    %sign3A_51 = arith.extui %sign3A_50 : i1 to i32
    %sign3A_52 = arith.constant 0 : i32
    %sign3A_53 = arith.cmpi slt, %jit3A, %sign3A_52 : i32
    %sign3A_54 = arith.extui %sign3A_53 : i1 to i32
    %sign3A_55 = arith.subi %sign3A_51, %sign3A_54 : i32
    %ne3A = arith.cmpi ne, %sign3A_48, %sign3A_55 : i32
    %rem3A = arith.remsi %sub3A_41, %jit3A : i32
    %ne3A_56 = arith.constant 0 : i32
    %ne3A_57 = arith.cmpi ne, %rem3A, %ne3A_56 : i32
    %and3A = arith.andi %ne3A, %ne3A_57 : i1
    %sub3A_58 = arith.constant 1 : i32
    %sub3A_59 = arith.subi %div3A_42, %sub3A_58 : i32
    %select_n3A = arith.select %and3A, %sub3A_59, %div3A_42 : i32
    %scan3A = arith.constant 1 : i32
    %scan3A_60 = arith.constant 0 : i32
    %scan3A_61 = arith.constant 1073741824 : i32
    %scan3A_62 = arith.constant 0 : i32
    %add3A = arith.addi %scan3A_60, %scan3A_61 : i32
    %jit3A_63 = arith.constant 2 : i32
    %div3A_64 = arith.divsi %add3A, %jit3A_63 : i32
    %sign3A_65 = arith.constant 0 : i32
    %sign3A_66 = arith.cmpi sgt, %add3A, %sign3A_65 : i32
    %sign3A_67 = arith.extui %sign3A_66 : i1 to i32
    %sign3A_68 = arith.constant 0 : i32
    %sign3A_69 = arith.cmpi slt, %add3A, %sign3A_68 : i32
    %sign3A_70 = arith.extui %sign3A_69 : i1 to i32
    %sign3A_71 = arith.subi %sign3A_67, %sign3A_70 : i32
    %sign3A_72 = arith.constant 0 : i32
    %sign3A_73 = arith.cmpi sgt, %jit3A_63, %sign3A_72 : i32
    %sign3A_74 = arith.extui %sign3A_73 : i1 to i32
    %sign3A_75 = arith.constant 0 : i32
    %sign3A_76 = arith.cmpi slt, %jit3A_63, %sign3A_75 : i32
    %sign3A_77 = arith.extui %sign3A_76 : i1 to i32
    %sign3A_78 = arith.subi %sign3A_74, %sign3A_77 : i32
    %ne3A_79 = arith.cmpi ne, %sign3A_71, %sign3A_78 : i32
    %rem3A_80 = arith.remsi %add3A, %jit3A_63 : i32
    %ne3A_81 = arith.constant 0 : i32
    %ne3A_82 = arith.cmpi ne, %rem3A_80, %ne3A_81 : i32
    %and3A_83 = arith.andi %ne3A_79, %ne3A_82 : i1
    %sub3A_84 = arith.constant 1 : i32
    %sub3A_85 = arith.subi %div3A_64, %sub3A_84 : i32
    %select_n3A_86 = arith.select %and3A_83, %sub3A_85, %div3A_64 : i32
    %le3A = vector.broadcast %select_n3A_86 : i32 to vector<2352x128xi32>
    %le3A_87 = arith.cmpi sle, %bitcast_convert_type3A, %le3A : vector<2352x128xi32>
    %and3A_88 = arith.andi %gt3A_28, %le3A_87 : vector<2352x128xi1>
    %jit3A_89 = arith.constant 1.000000e+00 : f32
    %jit3A_90 = arith.constant 0.000000e+00 : f32
    %broadcast_in_dim3A = vector.broadcast %jit3A_89 : f32 to vector<2352x128xf32>
    %broadcast_in_dim3A_91 = vector.broadcast %jit3A_90 : f32 to vector<2352x128xf32>
    %select_n3A_92 = arith.select %and3A_88, %broadcast_in_dim3A, %broadcast_in_dim3A_91 : vector<2352x128xi1>, vector<2352x128xf32>
    %reduce_sum3A_93 = vector.shape_cast %select_n3A_92 : vector<2352x128xf32> to vector<1x2352x128xf32>
    %reduce_sum3A_94 = arith.constant dense<0.000000e+00> : vector<1xf32>
    %reduce_sum3A_95 = vector.multi_reduction <add>, %reduce_sum3A_93, %reduce_sum3A_94 [1, 2] : vector<1x2352x128xf32> to vector<1xf32>
    %reduce_sum3A_96 = vector.shape_cast %reduce_sum3A_95 : vector<1xf32> to vector<1x1x1xf32>
    %reduce_sum3A_97 = vector.extract %reduce_sum3A_96[0, 0, 0] : f32 from vector<1x1x1xf32>
    %convert_element_type3A_98 = arith.fptosi %reduce_sum3A_97 : f32 to i32
    %add3A_99 = arith.addi %select_n3A, %scan3A : i32
    %ge3A = arith.cmpi sge, %convert_element_type3A_98, %add3A_99 : i32
    %add3A_100 = arith.addi %select_n3A_86, %scan3A : i32
    %select_n3A_101 = arith.select %ge3A, %scan3A_60, %add3A_100 : i32
    %select_n3A_102 = arith.select %ge3A, %select_n3A_86, %scan3A_61 : i32
    %bitcast_convert_type3A_103 = arith.bitcast %select_n3A_102 : i32 to f32
    %max3A_104 = arith.constant 9.99999974E-5 : f32
    %max3A_105 = arith.maximumf %bitcast_convert_type3A_103, %max3A_104 : f32
    %le3A_106 = vector.broadcast %max3A_105 : f32 to vector<2352x128xf32>
    %le3A_107 = arith.cmpf ole, %get3A_31, %le3A_106 : vector<2352x128xf32>
    %mul3A_108 = arith.mulf %get3A_31, %get3A_31 : vector<2352x128xf32>
    %mul3A_109 = arith.constant 2.000000e+00 : f32
    %mul3A_110 = arith.mulf %mul3A_109, %max3A_105 : f32
    %div3A_111 = vector.broadcast %mul3A_110 : f32 to vector<2352x128xf32>
    %div3A_112 = arith.divf %mul3A_108, %div3A_111 : vector<2352x128xf32>
    %div3A_113 = arith.constant 2.000000e+00 : f32
    %div3A_114 = arith.divf %max3A_105, %div3A_113 : f32
    %sub3A_115 = vector.broadcast %div3A_114 : f32 to vector<2352x128xf32>
    %sub3A_116 = arith.subf %get3A_31, %sub3A_115 : vector<2352x128xf32>
    %select_n3A_117 = arith.select %le3A_107, %div3A_112, %sub3A_116 : vector<2352x128xi1>, vector<2352x128xf32>
    %jit3A_118 = arith.constant 0.000000e+00 : f64
    %convert_element_type3A_119 = arith.truncf %jit3A_118 : f64 to f32
    %broadcast_in_dim3A_120 = vector.broadcast %convert_element_type3A_119 : f32 to vector<2352x128xf32>
    %select_n3A_121 = arith.select %gt3A_28, %select_n3A_117, %broadcast_in_dim3A_120 : vector<2352x128xi1>, vector<2352x128xf32>
    %reduce_sum3A_122 = vector.shape_cast %select_n3A_121 : vector<2352x128xf32> to vector<1x2352x128xf32>
    %reduce_sum3A_123 = arith.constant dense<0.000000e+00> : vector<1xf32>
    %reduce_sum3A_124 = vector.multi_reduction <add>, %reduce_sum3A_122, %reduce_sum3A_123 [1, 2] : vector<1x2352x128xf32> to vector<1xf32>
    %reduce_sum3A_125 = vector.shape_cast %reduce_sum3A_124 : vector<1xf32> to vector<1x1x1xf32>
    %reduce_sum3A_126 = vector.extract %reduce_sum3A_125[0, 0, 0] : f32 from vector<1x1x1xf32>
    %neg3A_127 = arith.constant 0.000000e+00 : f32
    %neg3A_128 = arith.subf %neg3A_127, %reduce_sum3A_126 : f32
    %convert_element_type3A_129 = arith.sitofp %convert_element_type3A_40 : i32 to f32
    %div3A_130 = arith.divf %neg3A_128, %convert_element_type3A_129 : f32
    %div3A_131 = arith.constant 0.000000e+00 : f32
    %div3A_132 = arith.constant 4.096000e+03 : f32
    %div3A_133 = arith.divf %div3A_131, %div3A_132 : f32
    %mul3A_134 = arith.constant -2.000000e+00 : f32
    %mul3A_135 = arith.mulf %mul3A_134, %div3A_133 : f32
    %add3A_136 = arith.addf %div3A_23, %div3A_130 : f32
    %add3A_137 = arith.addf %add3A_136, %mul3A_135 : f32
    %reshape3A = vector.broadcast %add3A_137 : f32 to vector<1x1xf32>
    %swap3A = arith.constant 0 : index
    %swap3A_138 = arith.constant 0 : index
    %swap3A_139 = vector.load %arg6[%swap3A, %swap3A_138] : memref<1x1xf32, #tpu.memory_space<vmem>>, vector<1x1xf32>
    tpu.vector_store %arg6[%swap3A, %swap3A_138], %reshape3A {strides = array<i32>} : memref<1x1xf32, #tpu.memory_space<vmem>>, vector<1x1xf32>,
    return
  }
}

</mosaic_0001>

<sc_bundles>
// kernel: gather_offload_async_start.10
scs
__scs_entry_jumppad:
0x0: {  	(pc) =	sbr.rel $0x88, $3  }
0x1: {  	(tag) =	ssettag $0x0;
	lr =	simm.s32 $0x1  }
0x2: {  	[smem:$0x3F9F] =	sst lr;
	_ =	strace $0xD0000000  }
0x3: {  	_ = 	snop  }
0x4: {  	_ = 	snop  }
0x5: {  	_ = 	snop  }
0x6: {  	_ = 	snop  }
0x7: {  	_ = 	snop  }
__scs_overlays_trampoline_lowered:
0x8: {  	[smem:$0x3FAE] =	sst s0  }
0x9: {  	[smem:$0x3FAF] =	sst s1  }
0xa: {  	[smem:$0x3FB0] =	sst s2  }
0xb: {  	[smem:$0x3FB1] =	sst s3  }
0xc: {  	[smem:$0x3FB2] =	sst s4  }
0xd: {  	[smem:$0x3FB3] =	sst s5  }
0xe: {  	[smem:$0x3FB4] =	sst s6  }
0xf: {  	[smem:$0x3FB5] =	sst s7  }
0x10: {  	[smem:$0x3FB6] =	sst s8  }
0x11: {  	[smem:$0x3FB7] =	sst s9;
	s0 =	simm.s32 @!p0 $0x0  }
0x12: {  	s1 =	sld [smem:$0x3F9D];
	s0 =	simm.s32 @p0 $0x1  }
0x13: {  	[smem:$0x3FB8] =	sst s0;
	s0 =	simm.s32 @!p1 $0x0  }
0x14: {  	s2 =	sld [smem:$0x3F9C];
	s0 =	simm.s32 @p1 $0x1  }
0x15: {  	[smem:$0x3FB9] =	sst s0;
	s0 =	simm.s32 @!p2 $0x0  }
0x16: {  	s3 =	sld [smem:$0x3FDB];
	s0 =	simm.s32 @p2 $0x1  }
0x17: {  	s4 =	simm.s32 $0x1BF5;
	[smem:$0x3FBB] =	sst s0  }
0x18: {  	s0 =	sld [smem:$0x3F9E];
	_ =	swait.ge [sflag:s4], $0x0  }
0x19: {  	s7 =	sld [smem:$0x3F9F]  }
0x1a: {  	s8 =	sadd.s32 $0xFFFFE003, lr  }
0x1b: {  	s9 =	sadd.s32 $0xFFFFFEF7, lr;
	s5 =	simm.s32 $0xFFFFFFFF;
	p2 =	slt.u32 s8, $0xFFFFF086  }
0x1c: {  	p1 =	slt.u32 s9, $0xF7A;
	s5 =	simm.s32 @!p2 $0x0  }
0x1d: {  	s5 =	simm.s32 @p1 $0x1;
	p0 =	seq.s32 s7, s2  }
0x1e: {  	s7 =	smul.u32 @!p0 $0xF7A, s2;
	p2 =	seq.s32 @!p0 s5, $0x0  }
0x1f: {  	s9 =	smul.u32 $0xF7A, s1;
	s8 =	simm.s32 @!p0 $0x1BF5;
	p2 =	por !p2, p0  }
0x20: {  	[sflag:s8] =	ssyncset.s32 @!p0 $0xFFFFF086;
	s6 =	sadd.s32 @!p0 s3, s7;
	s7 =	simm.s32 @!p0 $0x108  }
0x21: {  	s3 =	sadd.s32 s3, s9;
	s6 =	sadd.s32 @!p0 $0x88, s6;
	s7 =	simm.s32 @p2 $0x1082  }
0x22: {  	[simem:s7], [sflag:s8] =	dma.local @!p0 [hbm:s6], $0xF7A  }
0x23: {  	s9 =	sor.u32 $0xD0000000, s2;
	s6 =	simm.s32 $0x108;
	_ =	swait.ge @!p0 [sflag:s8], $0x0  }
0x24: {  	s3 =	sadd.s32 $0x88, s3;
	s6 =	simm.s32 @!p1 $0x1082;
	[sflag:s4] =	ssyncset.s32 $0xFFFFF086  }
0x25: {  	[simem:s6], [sflag:s4] =	dma.local [hbm:s3], $0xF7A  }
0x26: {  	[smem:$0x3F9F] =	sst s1;
	(tag) =	ssettag s2;
	_ =	strace s9  }
0x27: {  	s1 =	sld [smem:$0x3FAF]  }
0x28: {  	s2 =	sld [smem:$0x3FB0]  }
0x29: {  	s4 =	sld [smem:$0x3FB2]  }
0x2a: {  	p0 =	seq.s32 s5, $0x0;
	s5 =	sld [smem:$0x3FB3]  }
0x2b: {  	s6 =	sld [smem:$0x3FB4]  }
0x2c: {  	s7 =	sld [smem:$0x3FB5]  }
0x2d: {  	s3 =	simm.s32 $0x108;
	s8 =	sld [smem:$0x3FB6]  }
0x2e: {  	s3 =	simm.s32 @!p0 $0x1082;
	s9 =	sld [smem:$0x3FB7]  }
0x2f: {  	lr =	sadd.s32 s0, s3;
	s0 =	sld [smem:$0x3FAE]  }
0x30: {  	s3 =	sld [smem:$0x3FB1]  }
0x31: {  	[smem:$0x3FBA] =	sst s10  }
0x32: {  	s10 =	sld [smem:$0x3FB8];
	_ =	sdelay $0x3  }
0x33: {  	p0 =	seq.s32 s10, $0x1;
	s10 =	sld [smem:$0x3FBA];
	_ =	sdelay $0x3  }
0x34: {  	[smem:$0x3FBA] =	sst s10  }
0x35: {  	s10 =	sld [smem:$0x3FB9];
	_ =	sdelay $0x3  }
0x36: {  	p1 =	seq.s32 s10, $0x1;
	s10 =	sld [smem:$0x3FBA];
	_ =	sdelay $0x3  }
0x37: {  	[smem:$0x3FBA] =	sst s10  }
0x38: {  	s10 =	sld [smem:$0x3FBB]  }
0x39: {  	_ = 	snop;
	(pc) =	sbr.ind lr, $3  }
0x3a: {  	_ = 	snop  }
0x3b: {  	_ = 	snop  }
0x3c: {  	p2 =	seq.s32 s10, $0x1;
	s10 =	sld [smem:$0x3FBA]  }
0x3d: {  	_ =	shalt  }
0x3e: {  	_ =	shalt  }
0x3f: {  	_ =	shalt  }
0x40: {  	_ =	shalt  }
0x41: {  	_ =	shalt  }
0x42: {  	_ =	shalt  }
0x43: {  	_ =	shalt  }
0x44: {  	_ =	shalt  }
0x45: {  	_ =	shalt  }
0x46: {  	_ =	shalt  }
0x47: {  	_ =	shalt  }
0x48: {  	_ =	shalt  }
0x49: {  	_ =	shalt  }
0x4a: {  	_ =	shalt  }
0x4b: {  	_ =	shalt  }
0x4c: {  	_ =	shalt  }
0x4d: {  	_ =	shalt  }
0x4e: {  	_ =	shalt  }
0x4f: {  	_ =	shalt  }
0x50: {  	_ =	shalt  }
0x51: {  	_ =	shalt  }
0x52: {  	_ =	shalt  }
0x53: {  	_ =	shalt  }
0x54: {  	_ =	shalt  }
0x55: {  	_ =	shalt  }
0x56: {  	_ =	shalt  }
0x57: {  	_ =	shalt  }
0x58: {  	_ =	shalt  }
0x59: {  	_ =	shalt  }
0x5a: {  	_ =	shalt  }
0x5b: {  	_ =	shalt  }
0x5c: {  	_ =	shalt  }
0x5d: {  	_ =	shalt  }
0x5e: {  	_ =	shalt  }
0x5f: {  	_ =	shalt  }
0x60: {  	_ =	shalt  }
0x61: {  	_ =	shalt  }
0x62: {  	_ =	shalt  }
0x63: {  	_ =	shalt  }
0x64: {  	_ =	shalt  }
0x65: {  	_ =	shalt  }
0x66: {  	_ =	shalt  }
0x67: {  	_ =	shalt  }
0x68: {  	_ =	shalt  }
0x69: {  	_ =	shalt  }
0x6a: {  	_ =	shalt  }
0x6b: {  	_ =	shalt  }
0x6c: {  	_ =	shalt  }
0x6d: {  	_ =	shalt  }
0x6e: {  	_ =	shalt  }
0x6f: {  	_ =	shalt  }
0x70: {  	_ =	shalt  }
0x71: {  	_ =	shalt  }
0x72: {  	_ =	shalt  }
0x73: {  	_ =	shalt  }
0x74: {  	_ =	shalt  }
0x75: {  	_ =	shalt  }
0x76: {  	_ =	shalt  }
0x77: {  	_ =	shalt  }
0x78: {  	_ =	shalt  }
0x79: {  	_ =	shalt  }
0x7a: {  	_ =	shalt  }
0x7b: {  	_ =	shalt  }
0x7c: {  	_ =	shalt  }
0x7d: {  	_ =	shalt  }
0x7e: {  	_ =	shalt  }
0x7f: {  	_ =	shalt  }
0x80: {  	_ =	shalt  }
0x81: {  	_ =	shalt  }
0x82: {  	_ =	shalt  }
0x83: {  	_ =	shalt  }
0x84: {  	_ =	shalt  }
0x85: {  	_ =	shalt  }
0x86: {  	_ =	shalt  }
0x87: {  	_ =	shalt  }
.Lfunc_end0:
.L_simem_size_0:
called_computation.10_lowered:
.L_overlay_start_0:
0x88: {  	s2 =	sld [smem:$0x3FD9]  }
0x89: {  	s3 =	sld [smem:$0x3FFE];
	_ =	sdelay $0x1  }
0x8a: {  	s1 =	srdreg.scid  }
0x8b: {  	s0 =	sand.u32 $0x1, s1  }
0x8c: {  	s16 =	sshll.u32 s0, $0xA;
	s2 =	sadd.s32 s3, s2  }
0x8d: {  	s2 =	sadd.s32 s2, s16  }
0x8e: {  	[smem:$0x3FC6] =	sst s2  }
0x8f: {  	_ = 	snop  }
0x90: {  	(tm) =	ssettm $0x1  }
0x91: {  	s17 =	sld [smem:$0x3FFB];
	_ =	sdelay $0x3  }
0x92: {  	_ =	strace s17  }
0x93: {  	s2 =	sld [smem:$0x3FFC];
	_ =	sdelay $0x3  }
0x94: {  	_ =	strace s2  }
0x95: {  	s2 =	sld [smem:$0x3FFD];
	_ =	sdelay $0x3  }
0x96: {  	_ =	strace s2  }
0x97: {  	_ =	strace $0x8FFFFFFF  }
0x98: {  	s18 =	sld [smem:$0x3FDB];
	_ =	sdelay $0x1  }
0x99: {  	s19 =	simm.s32 $_scs_section_size  }
0x9a: {  	s4 =	simm.s32 $_size__tile_overlayer_lowered;
	s5 =	simm.s32 $_tile_overlayer_lowered  }
0x9b: {  	s22 =	simm.s32 $0x1BFF;
	s21 =	sshll.u32 s5, $0x1;
	s2 =	sadd.s32 s19, s18  }
0x9c: {  	s6 =	simm.s32 $0x0;
	s20 =	sshll.u32 s4, $0x1;
	s4 =	sadd.s32 s21, s2  }
0x9d: {  	[timem:s6], [sflag:s22] =	dma.local [hbm:s4], s20  }
0x9e: {  	_ =	swait.ge [sflag:s22], s20  }
0x9f: {  	s3 =	ssub.s32 $0x0, s20;
	[sflag:s22] =	ssyncset.done $0x0  }
0xa0: {  	[sflag:s22] =	ssyncadd.s32 s3;
	_ =	sdelay $0x1  }
0xa1: {  	s23 =	simm.s32 $0x1B8B  }
0xa2: {  	_ =	swait.ge [sflag:s23], $0x1  }
0xa3: {  	[sflag:s23] =	ssyncset.done $0x0  }
0xa4: {  	s25 =	simm.s32 $0x1B8E;
	s24 =	sld [smem:$0x3FFE];
	[sflag:s23] =	ssyncadd.s32 $0xFFFFFFFF  }
0xa5: {  	s26 =	simm.s32 $execute0_lowered;
	[smem:$0x3FD2] =	sst s25  }
0xa6: {  	s4 =	sshll.u32 s26, $0x1;
	_ =	strace $0x80000064;
	[dreg:$0x1] =	wrdreg $0xFFFFFFFF  }
0xa7: {  	s28 =	simm.s32 $_size_execute0_lowered;
	s2 =	sadd.s32 s2, s4;
	[dreg:$0x0] =	wrdreg $0x0  }
0xa8: {  	s4 =	sshll.u32 s28, $0x1;
	[dreg:$0x2] =	wrdreg s2  }
0xa9: {  	[dreg:$0x3] =	wrdreg s4  }
0xaa: {  	[dreg:$0x4] =	wrdreg $0xC0  }
0xab: {  	_ =	task [dreg:s6], $0x5FFFF  }
0xac: {  	[dreg:$0x1] =	wrdreg $0xFFFFFFFF  }
0xad: {  	[dreg:$0x0] =	wrdreg $0x60  }
0xae: {  	[dreg:$0x2] =	wrdreg s24  }
0xaf: {  	[dreg:$0x3] =	wrdreg $0x9  }
0xb0: {  	_ =	task.clear_ibuf [dreg:s6], $0x4FFFF;
	_ =	strace $0x90000064  }
0xb1: {  	s29 =	simm.s32 $0x9;
	_ =	strace $0x80000066  }
0xb2: {  	_ =	swait.ge [sflag:s29], $0x1  }
0xb3: {  	[sflag:s29] =	ssyncadd.s32 $0xFFFFFFFF  }
0xb4: {  	_ =	strace $0x90000066  }
0xb5: {  	_ =	sfence  }
0xb6: {  	s30 =	sld [smem:$0x0];
	_ =	sdelay $0x2  }
0xb7: {  	s31 =	sshll.u32 s1, $0xD;
	s1 =	sshrl.u32 s1, $0x2  }
0xb8: {  	s3 =	sand.u32 $0x4000, s31;
	s1 =	sadd.s32 s1, s30  }
0xb9: {  	s0 =	sor.u32 s3, s0;
	s1 =	sshll.u32 s1, $0x11  }
0xba: {  	s0 =	sor.u32 s1, s0  }
0xbb: {  	s0 =	sadd.s32 $0x8F2B, s0  }
0xbc: {  	[sflag:s0] =	ssyncadd.remote.s32 $0x1  }
0xbd: {  	_ =	sfence.sel $0xFFFF  }
0xbe: {  	[dreg:$0x0] =	wrdreg $0xFFFFFFFF;
	(pc) =	sbr.abs _section_cstart, $3  }
0xbf: {  	[dreg:$0x1] =	wrdreg $0xFFFFFFFF  }
0xc0: {  	_ =	task.clear_ibuf [dreg:s6], $0x2FFFF;
	_ =	strace $0x9FFFFFFF  }
0xc1: {  	(tm) =	ssettm $0x7FFFFFFF  }
tec
execute0_lowered:
.L_overlay_start_1:
0x0: {  	(tag) =	ssettag $0x1  }
0x1: {  	s8 =	rddreg [dreg:$0x0]  }
0x2: {  	s0 =	rddreg [dreg:$0x1];
	_ =	strace $0x80000065;
	s1 =	stileid.u32  }
0x3: {  	s3 =	srdreg.scid;
	s4 =	simm.s32 $0x1;
	s7 =	simm.s32 $0x1  }
0x4: {  	s9 =	simm.s32 $0x1;
	s10 =	simm.s32 $0x3;
	s13 =	simm.s32 $0x0  }
0x5: {  	s12 =	simm.s32 $0x0;
	s5 =	sand.u32 $0x1, s3;
	s6 =	sshll.u32 s1, $0x1  }
0x6: {  	s2 =	sadd.s32 $0x29C00, s8;
	s3 =	sadd.s32 $0xF800, s8;
	s5 =	sor.u32 s6, s5  }
.Ltmp0:
0x7: {  	[sflag:s4] =	ssyncpa.u1 $0x0;
	p0 =	slt.u32 s5, $0xB;
	(pc) =	sbr.rel .LBB2_1-.Ltmp0, $4  }
0x8: {  	s6 =	simm.s32 $0x2;
	s7 =	simm.s32 @!p0 $0x0;
	p0 =	sne.s32 s5, $0xA  }
0x9: {  	[sflag:s6] =	ssyncpa.u1 $0x0;
	s5 =	smul.u32 $0x1C00, s5;
	s9 =	simm.s32 @!p0 $0x0  }
0xa: {  	s8 =	sadd.s32 $0x1BE00, s8;
	[sflag:s10] =	ssyncpa.u1 $0x0;
	s7 =	sadd.s32 s9, s7  }
0xb: {  	vm0 =	vmmov $0xffff;
	s10 =	simm.s32 $0x0;
	s11 =	smov.u32 s5;
	s9 =	sadd.s32 $0x1, s7  }
.LBB2_4:
0xc: {  	v2 =	vnsel vm1, $0x0, v2  }
0xd: {  	vm1 =	vgt.s32 v0, $0x0;
	v2 =	vmin.u32 v2, $0x497FF  }
0xe: {  	v0 =	vnsel vm1, $0x0, v0  }
0xf: {  	v0 =	vmin.u32 v0, $0x497FF  }
0x10: {  	[tilespmem:s18], [sflag:$0x1] =	stream.indirect_vreg.gather [hbm4b:s2+s10], $0x1, v1, vm0, $0x4038;
	[tilespmem:$0x7000] =	vst v63  }
0x11: {  	(ifvalue) =	ssetifvalue $0x7FFFFFFF  }
0x12: {  	[tilespmem:s15], [sflag:$0x1] =	stream.indirect_vreg.gather [hbm4b:s2+s10], $0x1, v2, vm0, $0x4038;
	[tilespmem:$0x7000] =	vst v63  }
0x13: {  	s29 =	sadd.s32 $0x10, s15;
	(ifvalue) =	ssetifvalue $0x7FFFFFFF  }
0x14: {  	[tilespmem:s29], [sflag:$0x1] =	stream.indirect_vreg.gather [hbm4b:s2+s10], $0x1, v0, vm0, $0x4038;
	[tilespmem:$0x7000] =	vst v63  }
0x15: {  	_ =	swait.ge [sflag:s4], $0x1C00  }
0x16: {  	s30 =	sshrl.u32 s13, $0x3;
	[sflag:s4] =	ssyncset.done $0x0  }
0x17: {  	s31 =	sand.u32 $0x7, s13;
	s15 =	sadd.s32 s8, s30;
	[sflag:s4] =	ssyncadd.s32 $0xFFFFE400  }
0x18: {  	[hbm4b:s15+s31] =	stream.linear.scatter [tilespmem:s14], [sflag:$0x3], $0x1C00, $0x38;
	[tilespmem:$0x7000] =	vst v63  }
.LBB2_5:
0x19: {  	s15 =	sadd.s32 $0x38000, s11  }
0x1a: {  	p1 =	sgt.s32 s15, $0x497FF  }
0x1b: {  	s15 =	smov.u32 @p1 s5;
	p1 =	sne.s32 s12, s9  }
.Ltmp1:
0x1c: {  	p0 =	slt.u32 s12, $0x2;
	(pc) =	sbr.rel @!p1 .LBB2_6-.Ltmp1, $4  }
0x1d: {  	s14 =	simm.s32 @!p0 $0x3  }
0x1e: {  	_ =	swait.ge @!p0 [sflag:s14], $0x1C00  }
0x1f: {  	s16 =	sadd.s32 $0x1, s12;
	s13 =	smov.u32 s11;
	[sflag:s14] =	ssyncset.done @!p0 $0x0  }
0x20: {  	s12 =	smov.u32 s16;
	s11 =	smov.u32 s15;
	[sflag:s14] =	ssyncadd.s32 @!p0 $0xFFFFE400  }
.LBB2_1:
0x21: {  	p0 =	sge.u32 s12, s7  }
0x22: {  	s14 =	sxor.u32 @!p0 $0x1, s12  }
0x23: {  	s14 =	smul.u32 @!p0 $0x7000, s14  }
0x24: {  	s31 =	sadd.s32 $0xFFFFFFFF, s12;
	s15 =	sshrl.u32 @!p0 s11, $0x3  }
0x25: {  	s16 =	sand.u32 @!p0 $0x7, s11;
	s15 =	sadd.s32 @!p0 s3, s15;
	s14 =	sshra.s32 @!p0 s14, $0x2  }
0x26: {  	[tilespmem:s14], [sflag:$0x2] =	stream.linear.gather @!p0 [hbm4b:s15+s16], $0x1C00, $0x38;
	[tilespmem:$0x7000] =	vst v63  }
0x27: {  	p0 =	sge.u32 s31, s7  }
.Ltmp2:
0x28: {  	_ = 	snop;
	(pc) =	sbr.rel @p0 .LBB2_5-.Ltmp2, $1  }
0x29: {  	_ =	sdelay $0x3  }
0x2a: {  	s14 =	sand.u32 $0x1, s12  }
0x2b: {  	_ =	swait.ge [sflag:s6], $0x1C00;
	p0 =	seq.s32 s14, $0x1;
	s14 =	simm.s32 $0x1C00  }
0x2c: {  	[sflag:s6] =	ssyncset.done $0x0;
	s14 =	simm.s32 @!p0 $0x0  }
0x2d: {  	[sflag:s6] =	ssyncadd.s32 $0xFFFFE400;
	(ifvalue) =	ssetifvalue $0x7FFFFFFF;
	v0 =	vld.msk [tilespmem:s14+$0x0 ss:$0x1], $0xffff;
	_ =	sdelay $0x4  }
0x2e: {  	s15 =	sadd.s32 $0x10, s14;
	vm1 =	vgt.s32 v0, $0x0  }
0x2f: {  	v2 =	vld.msk [tilespmem:s15+$0x0 ss:$0x1], $0xffff;
	v1 =	vnsel vm1, $0x0, v0  }
0x30: {  	v1 =	vmin.u32 v1, $0x497FF;
	_ =	sdelay $0x2  }
0x31: {  	s17 =	simm.s32 $0x20;
	s14 =	sadd.s32 $0x3800, s14;
	s16 =	sadd.s32 $0x10, s15  }
0x32: {  	s15 =	sadd.s32 $0x10, s14;
	s18 =	smov.u32 s14;
	v0 =	vld.msk [tilespmem:s16+$0x0 ss:$0x1], $0xffff;
	vm1 =	vgt.s32 v2, $0x0;
	(ifvalue) =	ssetifvalue $0x7FFFFFFF  }
.LBB2_3:
0x33: {  	[tilespmem:s18], [sflag:$0x1] =	stream.indirect_vreg.gather [hbm4b:s2+s10], $0x1, v1, vm0, $0x4038;
	[tilespmem:$0x7000] =	vst v63  }
0x34: {  	s17 =	sadd.s32 $0x10, s17  }
0x35: {  	v2 =	vnsel vm1, $0x0, v2;
	p0 =	slt.u32 s17, $0x1BF0  }
.Ltmp3:
0x36: {  	s18 =	smov.u32 s15;
	v1 =	vmin.u32 v2, $0x497FF;
	(pc) =	sbr.rel @p0 .LBB2_3-.Ltmp3, $3  }
0x37: {  	_ =	sdelay $0x1  }
0x38: {  	s16 =	sadd.s32 $0x10, s16  }
0x39: {  	vm1 =	vgt.s32 v0, $0x0;
	s15 =	sadd.s32 $0x10, s15;
	v2 =	vmov v0;
	(ifvalue) =	ssetifvalue $0x7FFFFFFF;
	v0 =	vld.msk [tilespmem:s16+$0x0 ss:$0x1], $0xffff  }
.Ltmp4:
0x3a: {  	_ = 	snop;
	(pc) =	sbr.rel .LBB2_4-.Ltmp4, $1  }
0x3b: {  	_ =	sdelay $0x3  }
.LBB2_6:
0x3c: {  	_ =	sfence.sel $0x180000  }
0x3d: {  	s2 =	simm.s32 $0x2;
	[bflag:$0x0] =	sbarrier.arrive $0xFFFF  }
0x3e: {  	s30 =	simm.s32 $0x3;
	[sflag:s2] =	ssyncpa.u1 $0x1  }
0x3f: {  	s31 =	simm.s32 $0x1;
	[sflag:s30] =	ssyncpa.u1 $0x1  }
0x40: {  	[sflag:s31] =	ssyncpa.u1 $0x1  }
0x41: {  	p0 =	sne.s32 s1, $0x0;
	_ =	strace $0x90000065  }
0x42: {  	s0 =	sadd.s32 @!p0 $0x100000, s0;
	[bflag:$0x2] =	sbarrier.arrive $0xFFFF  }
0x43: {  	[sflag:s0] =	ssyncadd.tile.s32 @!p0 $0x1;
	_ =	shalt  }
.Lfunc_end2:
_tile_overlayer_lowered:
.L_overlay_start_2:
0x44: {  	(tag) =	ssettag $0x2  }
0x45: {  	s0 =	rddreg [dreg:$0x0];
	s2 =	stileid.u32  }
0x46: {  	s1 =	rddreg [dreg:$0x1];
	p0 =	sne.s32 s2, $0x0  }
0x47: {  	s3 =	rddreg [dreg:$0x2];
	[bflag:$0x3] =	sbarrier.arrive $0xFFFF;
	s2 =	simm.s32 @!p0 $0x1C01  }
0x48: {  	[timem:s3], [sflag:s2] =	dma.local @!p0 [hbm:s0], s1  }
0x49: {  	s0 =	simm.s32 @!p0 $0x1  }
0x4a: {  	_ =	swait.ge @!p0 [sflag:s0], s1  }
0x4b: {  	s1 =	ssub.s32 @!p0 $0x0, s1;
	[sflag:s0] =	ssyncset.done @!p0 $0x0  }
0x4c: {  	[sflag:s0] =	ssyncadd.s32 @!p0 s1  }
0x4d: {  	[bflag:$0x3] =	sbarrier.arrive $0xFFFF  }
0x4e: {  	_ =	shalt  }

// kernel: gather_offload_async_start.1
scs
__scs_entry_jumppad:
0x0: {  	(pc) =	sbr.rel $0x88, $3  }
0x1: {  	(tag) =	ssettag $0x0;
	lr =	simm.s32 $0x1  }
0x2: {  	[smem:$0x3F9F] =	sst lr;
	_ =	strace $0xD0000000  }
0x3: {  	_ = 	snop  }
0x4: {  	_ = 	snop  }
0x5: {  	_ = 	snop  }
0x6: {  	_ = 	snop  }
0x7: {  	_ = 	snop  }
__scs_overlays_trampoline_lowered:
0x8: {  	[smem:$0x3FAE] =	sst s0  }
0x9: {  	[smem:$0x3FAF] =	sst s1  }
0xa: {  	[smem:$0x3FB0] =	sst s2  }
0xb: {  	[smem:$0x3FB1] =	sst s3  }
0xc: {  	[smem:$0x3FB2] =	sst s4  }
0xd: {  	[smem:$0x3FB3] =	sst s5  }
0xe: {  	[smem:$0x3FB4] =	sst s6  }
0xf: {  	[smem:$0x3FB5] =	sst s7  }
0x10: {  	[smem:$0x3FB6] =	sst s8  }
0x11: {  	[smem:$0x3FB7] =	sst s9;
	s0 =	simm.s32 @!p0 $0x0  }
0x12: {  	s1 =	sld [smem:$0x3F9D];
	s0 =	simm.s32 @p0 $0x1  }
0x13: {  	[smem:$0x3FB8] =	sst s0;
	s0 =	simm.s32 @!p1 $0x0  }
0x14: {  	s2 =	sld [smem:$0x3F9C];
	s0 =	simm.s32 @p1 $0x1  }
0x15: {  	[smem:$0x3FB9] =	sst s0;
	s0 =	simm.s32 @!p2 $0x0  }
0x16: {  	s3 =	sld [smem:$0x3FDB];
	s0 =	simm.s32 @p2 $0x1  }
0x17: {  	s4 =	simm.s32 $0x1BF5;
	[smem:$0x3FBB] =	sst s0  }
0x18: {  	s0 =	sld [smem:$0x3F9E];
	_ =	swait.ge [sflag:s4], $0x0  }
0x19: {  	s7 =	sld [smem:$0x3F9F]  }
0x1a: {  	s8 =	sadd.s32 $0xFFFFE003, lr  }
0x1b: {  	s9 =	sadd.s32 $0xFFFFFEF7, lr;
	s5 =	simm.s32 $0xFFFFFFFF;
	p2 =	slt.u32 s8, $0xFFFFF086  }
0x1c: {  	p1 =	slt.u32 s9, $0xF7A;
	s5 =	simm.s32 @!p2 $0x0  }
0x1d: {  	s5 =	simm.s32 @p1 $0x1;
	p0 =	seq.s32 s7, s2  }
0x1e: {  	s7 =	smul.u32 @!p0 $0xF7A, s2;
	p2 =	seq.s32 @!p0 s5, $0x0  }
0x1f: {  	s9 =	smul.u32 $0xF7A, s1;
	s8 =	simm.s32 @!p0 $0x1BF5;
	p2 =	por !p2, p0  }
0x20: {  	[sflag:s8] =	ssyncset.s32 @!p0 $0xFFFFF086;
	s6 =	sadd.s32 @!p0 s3, s7;
	s7 =	simm.s32 @!p0 $0x108  }
0x21: {  	s3 =	sadd.s32 s3, s9;
	s6 =	sadd.s32 @!p0 $0x88, s6;
	s7 =	simm.s32 @p2 $0x1082  }
0x22: {  	[simem:s7], [sflag:s8] =	dma.local @!p0 [hbm:s6], $0xF7A  }
0x23: {  	s9 =	sor.u32 $0xD0000000, s2;
	s6 =	simm.s32 $0x108;
	_ =	swait.ge @!p0 [sflag:s8], $0x0  }
0x24: {  	s3 =	sadd.s32 $0x88, s3;
	s6 =	simm.s32 @!p1 $0x1082;
	[sflag:s4] =	ssyncset.s32 $0xFFFFF086  }
0x25: {  	[simem:s6], [sflag:s4] =	dma.local [hbm:s3], $0xF7A  }
0x26: {  	[smem:$0x3F9F] =	sst s1;
	(tag) =	ssettag s2;
	_ =	strace s9  }
0x27: {  	s1 =	sld [smem:$0x3FAF]  }
0x28: {  	s2 =	sld [smem:$0x3FB0]  }
0x29: {  	s4 =	sld [smem:$0x3FB2]  }
0x2a: {  	p0 =	seq.s32 s5, $0x0;
	s5 =	sld [smem:$0x3FB3]  }
0x2b: {  	s6 =	sld [smem:$0x3FB4]  }
0x2c: {  	s7 =	sld [smem:$0x3FB5]  }
0x2d: {  	s3 =	simm.s32 $0x108;
	s8 =	sld [smem:$0x3FB6]  }
0x2e: {  	s3 =	simm.s32 @!p0 $0x1082;
	s9 =	sld [smem:$0x3FB7]  }
0x2f: {  	lr =	sadd.s32 s0, s3;
	s0 =	sld [smem:$0x3FAE]  }
0x30: {  	s3 =	sld [smem:$0x3FB1]  }
0x31: {  	[smem:$0x3FBA] =	sst s10  }
0x32: {  	s10 =	sld [smem:$0x3FB8];
	_ =	sdelay $0x3  }
0x33: {  	p0 =	seq.s32 s10, $0x1;
	s10 =	sld [smem:$0x3FBA];
	_ =	sdelay $0x3  }
0x34: {  	[smem:$0x3FBA] =	sst s10  }
0x35: {  	s10 =	sld [smem:$0x3FB9];
	_ =	sdelay $0x3  }
0x36: {  	p1 =	seq.s32 s10, $0x1;
	s10 =	sld [smem:$0x3FBA];
	_ =	sdelay $0x3  }
0x37: {  	[smem:$0x3FBA] =	sst s10  }
0x38: {  	s10 =	sld [smem:$0x3FBB]  }
0x39: {  	_ = 	snop;
	(pc) =	sbr.ind lr, $3  }
0x3a: {  	_ = 	snop  }
0x3b: {  	_ = 	snop  }
0x3c: {  	p2 =	seq.s32 s10, $0x1;
	s10 =	sld [smem:$0x3FBA]  }
0x3d: {  	_ =	shalt  }
0x3e: {  	_ =	shalt  }
0x3f: {  	_ =	shalt  }
0x40: {  	_ =	shalt  }
0x41: {  	_ =	shalt  }
0x42: {  	_ =	shalt  }
0x43: {  	_ =	shalt  }
0x44: {  	_ =	shalt  }
0x45: {  	_ =	shalt  }
0x46: {  	_ =	shalt  }
0x47: {  	_ =	shalt  }
0x48: {  	_ =	shalt  }
0x49: {  	_ =	shalt  }
0x4a: {  	_ =	shalt  }
0x4b: {  	_ =	shalt  }
0x4c: {  	_ =	shalt  }
0x4d: {  	_ =	shalt  }
0x4e: {  	_ =	shalt  }
0x4f: {  	_ =	shalt  }
0x50: {  	_ =	shalt  }
0x51: {  	_ =	shalt  }
0x52: {  	_ =	shalt  }
0x53: {  	_ =	shalt  }
0x54: {  	_ =	shalt  }
0x55: {  	_ =	shalt  }
0x56: {  	_ =	shalt  }
0x57: {  	_ =	shalt  }
0x58: {  	_ =	shalt  }
0x59: {  	_ =	shalt  }
0x5a: {  	_ =	shalt  }
0x5b: {  	_ =	shalt  }
0x5c: {  	_ =	shalt  }
0x5d: {  	_ =	shalt  }
0x5e: {  	_ =	shalt  }
0x5f: {  	_ =	shalt  }
0x60: {  	_ =	shalt  }
0x61: {  	_ =	shalt  }
0x62: {  	_ =	shalt  }
0x63: {  	_ =	shalt  }
0x64: {  	_ =	shalt  }
0x65: {  	_ =	shalt  }
0x66: {  	_ =	shalt  }
0x67: {  	_ =	shalt  }
0x68: {  	_ =	shalt  }
0x69: {  	_ =	shalt  }
0x6a: {  	_ =	shalt  }
0x6b: {  	_ =	shalt  }
0x6c: {  	_ =	shalt  }
0x6d: {  	_ =	shalt  }
0x6e: {  	_ =	shalt  }
0x6f: {  	_ =	shalt  }
0x70: {  	_ =	shalt  }
0x71: {  	_ =	shalt  }
0x72: {  	_ =	shalt  }
0x73: {  	_ =	shalt  }
0x74: {  	_ =	shalt  }
0x75: {  	_ =	shalt  }
0x76: {  	_ =	shalt  }
0x77: {  	_ =	shalt  }
0x78: {  	_ =	shalt  }
0x79: {  	_ =	shalt  }
0x7a: {  	_ =	shalt  }
0x7b: {  	_ =	shalt  }
0x7c: {  	_ =	shalt  }
0x7d: {  	_ =	shalt  }
0x7e: {  	_ =	shalt  }
0x7f: {  	_ =	shalt  }
0x80: {  	_ =	shalt  }
0x81: {  	_ =	shalt  }
0x82: {  	_ =	shalt  }
0x83: {  	_ =	shalt  }
0x84: {  	_ =	shalt  }
0x85: {  	_ =	shalt  }
0x86: {  	_ =	shalt  }
0x87: {  	_ =	shalt  }
.Lfunc_end0:
.L_simem_size_0:
called_computation.1_lowered:
.L_overlay_start_0:
0x88: {  	s2 =	sld [smem:$0x3FD9]  }
0x89: {  	s3 =	sld [smem:$0x3FFE];
	_ =	sdelay $0x1  }
0x8a: {  	s1 =	srdreg.scid  }
0x8b: {  	s0 =	sand.u32 $0x1, s1  }
0x8c: {  	s17 =	sshll.u32 s0, $0xA;
	s2 =	sadd.s32 s3, s2  }
0x8d: {  	s2 =	sadd.s32 s2, s17  }
0x8e: {  	[smem:$0x3FC6] =	sst s2  }
0x8f: {  	_ = 	snop  }
0x90: {  	(tm) =	ssettm $0x1  }
0x91: {  	s18 =	sld [smem:$0x3FFB];
	_ =	sdelay $0x3  }
0x92: {  	_ =	strace s18  }
0x93: {  	s2 =	sld [smem:$0x3FFC];
	_ =	sdelay $0x3  }
0x94: {  	_ =	strace s2  }
0x95: {  	s2 =	sld [smem:$0x3FFD];
	_ =	sdelay $0x3  }
0x96: {  	_ =	strace s2  }
0x97: {  	_ =	strace $0x8FFFFFFF  }
0x98: {  	s19 =	sld [smem:$0x3FDB];
	_ =	sdelay $0x1  }
0x99: {  	s20 =	simm.s32 $_scs_section_size  }
0x9a: {  	s4 =	simm.s32 $_size__tile_overlayer_lowered;
	s5 =	simm.s32 $_tile_overlayer_lowered  }
0x9b: {  	s6 =	simm.s32 $0x1BFF;
	s21 =	sshll.u32 s5, $0x1;
	s3 =	sadd.s32 s20, s19  }
0x9c: {  	s22 =	simm.s32 $0x0;
	s4 =	sshll.u32 s4, $0x1;
	s5 =	sadd.s32 s21, s3  }
0x9d: {  	[timem:s22], [sflag:s6] =	dma.local [hbm:s5], s4  }
0x9e: {  	_ =	swait.ge [sflag:s6], s4  }
0x9f: {  	s4 =	ssub.s32 $0x0, s4;
	[sflag:s6] =	ssyncset.done $0x0  }
0xa0: {  	[sflag:s6] =	ssyncadd.s32 s4;
	_ =	sdelay $0x1  }
0xa1: {  	s23 =	simm.s32 $0x1B8B  }
0xa2: {  	_ =	swait.ge [sflag:s23], $0x1  }
0xa3: {  	[sflag:s23] =	ssyncset.done $0x0  }
0xa4: {  	[sflag:s23] =	ssyncadd.s32 $0xFFFFFFFF  }
0xa5: {  	s4 =	sld [smem:$0x0]  }
0xa6: {  	s5 =	sand.u32 $0xFFFFFFFE, s1  }
0xa7: {  	p0 =	sne.s32 s1, s5  }
0xa8: {  	s5 =	sshll.u32 @p0 s5, $0xE  }
0xa9: {  	s5 =	sadd.s32 @p0 $0x11B8D, s5;
	s6 =	sshll.u32 @p0 s4, $0x11  }
0xaa: {  	s5 =	sor.u32 @p0 s6, s5  }
0xab: {  	[sflag:s5] =	ssyncadd.remote.s32 @p0 $0x1;
	_ =	sdelay $0x1  }
0xac: {  	s5 =	simm.s32 @p0 $0x1B8D  }
0xad: {  	_ =	swait.eq @p0 [sflag:s5], $0x1  }
0xae: {  	[sflag:s5] =	ssyncadd.s32 @p0 $0xFFFFFFFF  }
0xaf: {  	s6 =	sshll.u32 @!p0 s1, $0xE  }
0xb0: {  	s6 =	sor.u32 @!p0 $0x4000, s6;
	s5 =	simm.s32 @!p0 $0x1B8D  }
0xb1: {  	s4 =	sshll.u32 @!p0 s4, $0x11;
	s6 =	sadd.s32 @!p0 $0x11B8D, s6;
	_ =	swait.eq @!p0 [sflag:s5], $0x1  }
0xb2: {  	s4 =	sor.u32 @!p0 s4, s6;
	[sflag:s5] =	ssyncadd.s32 @!p0 $0xFFFFFFFF  }
0xb3: {  	s25 =	simm.s32 $0x1B8E;
	s24 =	sld [smem:$0x3FFE];
	[sflag:s4] =	ssyncadd.remote.s32 @!p0 $0x1  }
0xb4: {  	s26 =	simm.s32 $execute0_lowered;
	[smem:$0x3FD2] =	sst s25  }
0xb5: {  	s5 =	sshll.u32 s26, $0x1;
	_ =	strace $0x80000052;
	[dreg:$0x1] =	wrdreg $0xFFFFFFFF  }
0xb6: {  	s28 =	simm.s32 $_size_execute0_lowered;
	s3 =	sadd.s32 s3, s5;
	[dreg:$0x0] =	wrdreg $0x0  }
0xb7: {  	s5 =	sshll.u32 s28, $0x1;
	[dreg:$0x2] =	wrdreg s3  }
0xb8: {  	[dreg:$0x3] =	wrdreg s5  }
0xb9: {  	[dreg:$0x4] =	wrdreg $0xC0  }
0xba: {  	_ =	task [dreg:s22], $0x5FFFF  }
0xbb: {  	[dreg:$0x1] =	wrdreg $0xFFFFFFFF  }
0xbc: {  	[dreg:$0x0] =	wrdreg $0x60  }
0xbd: {  	[dreg:$0x2] =	wrdreg s24  }
0xbe: {  	[dreg:$0x3] =	wrdreg $0xC  }
0xbf: {  	_ =	task.clear_ibuf [dreg:s22], $0x4FFFF;
	_ =	strace $0x90000052  }
0xc0: {  	s29 =	simm.s32 $0xC;
	_ =	strace $0x80000054  }
0xc1: {  	_ =	swait.ge [sflag:s29], $0x1  }
0xc2: {  	[sflag:s29] =	ssyncadd.s32 $0xFFFFFFFF  }
0xc3: {  	_ =	strace $0x90000054  }
0xc4: {  	_ =	sfence  }
0xc5: {  	s30 =	sld [smem:$0x0];
	_ =	sdelay $0x2  }
0xc6: {  	s31 =	sshll.u32 s1, $0xD;
	s1 =	sshrl.u32 s1, $0x2  }
0xc7: {  	s4 =	sand.u32 $0x4000, s31;
	s1 =	sadd.s32 s1, s30  }
0xc8: {  	s0 =	sor.u32 s4, s0;
	s1 =	sshll.u32 s1, $0x11  }
0xc9: {  	s0 =	sor.u32 s1, s0  }
0xca: {  	s0 =	sadd.s32 $0x8F2B, s0  }
0xcb: {  	[sflag:s0] =	ssyncadd.remote.s32 $0x1  }
0xcc: {  	_ =	sfence.sel $0xFFFF  }
0xcd: {  	[dreg:$0x0] =	wrdreg $0xFFFFFFFF;
	(pc) =	sbr.abs _section_cstart, $3  }
0xce: {  	[dreg:$0x1] =	wrdreg $0xFFFFFFFF  }
0xcf: {  	_ =	task.clear_ibuf [dreg:s22], $0x2FFFF;
	_ =	strace $0x9FFFFFFF  }
0xd0: {  	(tm) =	ssettm $0x7FFFFFFF  }
0xd1: {  	_ =	shalt  }
tec
execute0_lowered:
.L_overlay_start_1:
0x0: {  	(tag) =	ssettag $0x1  }
0x1: {  	s8 =	rddreg [dreg:$0x0]  }
0x2: {  	s0 =	rddreg [dreg:$0x1];
	_ =	strace $0x80000053;
	s1 =	stileid.u32  }
0x3: {  	s3 =	srdreg.scid;
	s4 =	simm.s32 $0x1;
	s7 =	simm.s32 $0x1  }
0x4: {  	s9 =	simm.s32 $0x1;
	s10 =	simm.s32 $0x3;
	s13 =	simm.s32 $0x0  }
0x5: {  	s12 =	simm.s32 $0x0;
	s5 =	sand.u32 $0x1, s3;
	s6 =	sshll.u32 s1, $0x1  }
0x6: {  	s2 =	sadd.s32 $0x3FC00, s8;
	s3 =	sadd.s32 $0x44A00, s8;
	s5 =	sor.u32 s6, s5  }
.Ltmp0:
0x7: {  	[sflag:s4] =	ssyncpa.u1 $0x0;
	p0 =	slt.u32 s5, $0x19;
	(pc) =	sbr.rel .LBB2_1-.Ltmp0, $4  }
0x8: {  	s6 =	simm.s32 $0x2;
	s7 =	simm.s32 @!p0 $0x0;
	p0 =	sne.s32 s5, $0x18  }
0x9: {  	[sflag:s6] =	ssyncpa.u1 $0x0;
	s5 =	smul.u32 $0x700, s5;
	s9 =	simm.s32 @!p0 $0x0  }
0xa: {  	s8 =	sadd.s32 $0x57600, s8;
	[sflag:s10] =	ssyncpa.u1 $0x0;
	s7 =	sadd.s32 s9, s7  }
0xb: {  	vm0 =	vmmov $0xffff;
	s10 =	simm.s32 $0x0;
	s11 =	smov.u32 s5;
	s9 =	sadd.s32 $0x1, s7  }
.LBB2_4:
0xc: {  	v2 =	vnsel vm1, $0x0, v2  }
0xd: {  	vm1 =	vgt.s32 v0, $0x0;
	v2 =	vmin.u32 v2, $0xC7FF  }
0xe: {  	v0 =	vnsel vm1, $0x0, v0  }
0xf: {  	v0 =	vmin.u32 v0, $0xC7FF  }
0x10: {  	[tilespmem:s18], [sflag:$0x1] =	stream.indirect_vreg.gather [hbm4b:s2+s10], $0x1, v1, vm0, $0x4038;
	[tilespmem:$0x1C00] =	vst v63  }
0x11: {  	(ifvalue) =	ssetifvalue $0x7FFFFFFF  }
0x12: {  	[tilespmem:s15], [sflag:$0x1] =	stream.indirect_vreg.gather [hbm4b:s2+s10], $0x1, v2, vm0, $0x4038;
	[tilespmem:$0x1C00] =	vst v63  }
0x13: {  	s29 =	sadd.s32 $0x10, s15;
	(ifvalue) =	ssetifvalue $0x7FFFFFFF  }
0x14: {  	[tilespmem:s29], [sflag:$0x1] =	stream.indirect_vreg.gather [hbm4b:s2+s10], $0x1, v0, vm0, $0x4038;
	[tilespmem:$0x1C00] =	vst v63  }
0x15: {  	_ =	swait.ge [sflag:s4], $0x700  }
0x16: {  	s30 =	sshrl.u32 s13, $0x3;
	[sflag:s4] =	ssyncset.done $0x0  }
0x17: {  	s31 =	sand.u32 $0x7, s13;
	s15 =	sadd.s32 s8, s30;
	[sflag:s4] =	ssyncadd.s32 $0xFFFFF900  }
0x18: {  	[hbm4b:s15+s31] =	stream.linear.scatter [tilespmem:s14], [sflag:$0x3], $0x700, $0x38;
	[tilespmem:$0x1C00] =	vst v63  }
.LBB2_5:
0x19: {  	s15 =	sadd.s32 $0xE000, s11  }
0x1a: {  	p1 =	sgt.s32 s15, $0x187FF  }
0x1b: {  	s15 =	smov.u32 @p1 s5;
	p1 =	sne.s32 s12, s9  }
.Ltmp1:
0x1c: {  	p0 =	slt.u32 s12, $0x2;
	(pc) =	sbr.rel @!p1 .LBB2_6-.Ltmp1, $4  }
0x1d: {  	s14 =	simm.s32 @!p0 $0x3  }
0x1e: {  	_ =	swait.ge @!p0 [sflag:s14], $0x700  }
0x1f: {  	s16 =	sadd.s32 $0x1, s12;
	s13 =	smov.u32 s11;
	[sflag:s14] =	ssyncset.done @!p0 $0x0  }
0x20: {  	s12 =	smov.u32 s16;
	s11 =	smov.u32 s15;
	[sflag:s14] =	ssyncadd.s32 @!p0 $0xFFFFF900  }
.LBB2_1:
0x21: {  	p0 =	sge.u32 s12, s7  }
0x22: {  	s14 =	sxor.u32 @!p0 $0x1, s12  }
0x23: {  	s14 =	smul.u32 @!p0 $0x1C00, s14  }
0x24: {  	s31 =	sadd.s32 $0xFFFFFFFF, s12;
	s15 =	sshrl.u32 @!p0 s11, $0x3  }
0x25: {  	s16 =	sand.u32 @!p0 $0x7, s11;
	s15 =	sadd.s32 @!p0 s3, s15;
	s14 =	sshra.s32 @!p0 s14, $0x2  }
0x26: {  	[tilespmem:s14], [sflag:$0x2] =	stream.linear.gather @!p0 [hbm4b:s15+s16], $0x700, $0x38;
	[tilespmem:$0x1C00] =	vst v63  }
0x27: {  	p0 =	sge.u32 s31, s7  }
.Ltmp2:
0x28: {  	_ = 	snop;
	(pc) =	sbr.rel @p0 .LBB2_5-.Ltmp2, $1  }
0x29: {  	_ =	sdelay $0x3  }
0x2a: {  	s14 =	sand.u32 $0x1, s12  }
0x2b: {  	_ =	swait.ge [sflag:s6], $0x700;
	p0 =	seq.s32 s14, $0x1;
	s14 =	simm.s32 $0x700  }
0x2c: {  	[sflag:s6] =	ssyncset.done $0x0;
	s14 =	simm.s32 @!p0 $0x0  }
0x2d: {  	[sflag:s6] =	ssyncadd.s32 $0xFFFFF900;
	(ifvalue) =	ssetifvalue $0x7FFFFFFF;
	v0 =	vld.msk [tilespmem:s14+$0x0 ss:$0x1], $0xffff;
	_ =	sdelay $0x4  }
0x2e: {  	s15 =	sadd.s32 $0x10, s14;
	vm1 =	vgt.s32 v0, $0x0  }
0x2f: {  	v2 =	vld.msk [tilespmem:s15+$0x0 ss:$0x1], $0xffff;
	v1 =	vnsel vm1, $0x0, v0  }
0x30: {  	v1 =	vmin.u32 v1, $0xC7FF;
	_ =	sdelay $0x2  }
0x31: {  	s17 =	simm.s32 $0x20;
	s14 =	sadd.s32 $0xE00, s14;
	s16 =	sadd.s32 $0x10, s15  }
0x32: {  	s15 =	sadd.s32 $0x10, s14;
	s18 =	smov.u32 s14;
	v0 =	vld.msk [tilespmem:s16+$0x0 ss:$0x1], $0xffff;
	vm1 =	vgt.s32 v2, $0x0;
	(ifvalue) =	ssetifvalue $0x7FFFFFFF  }
.LBB2_3:
0x33: {  	[tilespmem:s18], [sflag:$0x1] =	stream.indirect_vreg.gather [hbm4b:s2+s10], $0x1, v1, vm0, $0x4038;
	[tilespmem:$0x1C00] =	vst v63  }
0x34: {  	s17 =	sadd.s32 $0x10, s17  }
0x35: {  	v2 =	vnsel vm1, $0x0, v2;
	p0 =	slt.u32 s17, $0x6F0  }
.Ltmp3:
0x36: {  	s18 =	smov.u32 s15;
	v1 =	vmin.u32 v2, $0xC7FF;
	(pc) =	sbr.rel @p0 .LBB2_3-.Ltmp3, $3  }
0x37: {  	_ =	sdelay $0x1  }
0x38: {  	s16 =	sadd.s32 $0x10, s16  }
0x39: {  	vm1 =	vgt.s32 v0, $0x0;
	s15 =	sadd.s32 $0x10, s15;
	v2 =	vmov v0;
	(ifvalue) =	ssetifvalue $0x7FFFFFFF;
	v0 =	vld.msk [tilespmem:s16+$0x0 ss:$0x1], $0xffff  }
.Ltmp4:
0x3a: {  	_ = 	snop;
	(pc) =	sbr.rel .LBB2_4-.Ltmp4, $1  }
0x3b: {  	_ =	sdelay $0x3  }
.LBB2_6:
0x3c: {  	_ =	sfence.sel $0x180000  }
0x3d: {  	s2 =	simm.s32 $0x2;
	[bflag:$0x0] =	sbarrier.arrive $0xFFFF  }
0x3e: {  	s30 =	simm.s32 $0x3;
	[sflag:s2] =	ssyncpa.u1 $0x1  }
0x3f: {  	s31 =	simm.s32 $0x1;
	[sflag:s30] =	ssyncpa.u1 $0x1  }
0x40: {  	[sflag:s31] =	ssyncpa.u1 $0x1  }
0x41: {  	p0 =	sne.s32 s1, $0x0;
	_ =	strace $0x90000053  }
0x42: {  	s0 =	sadd.s32 @!p0 $0x100000, s0;
	[bflag:$0x2] =	sbarrier.arrive $0xFFFF  }
0x43: {  	[sflag:s0] =	ssyncadd.tile.s32 @!p0 $0x1;
	_ =	shalt  }
.Lfunc_end2:
_tile_overlayer_lowered:
.L_overlay_start_2:
0x44: {  	(tag) =	ssettag $0x2  }
0x45: {  	s0 =	rddreg [dreg:$0x0];
	s2 =	stileid.u32  }
0x46: {  	s1 =	rddreg [dreg:$0x1];
	p0 =	sne.s32 s2, $0x0  }
0x47: {  	s3 =	rddreg [dreg:$0x2];
	[bflag:$0x3] =	sbarrier.arrive $0xFFFF;
	s2 =	simm.s32 @!p0 $0x1C01  }
0x48: {  	[timem:s3], [sflag:s2] =	dma.local @!p0 [hbm:s0], s1  }
0x49: {  	s0 =	simm.s32 @!p0 $0x1  }
0x4a: {  	_ =	swait.ge @!p0 [sflag:s0], s1  }
0x4b: {  	s1 =	ssub.s32 @!p0 $0x0, s1;
	[sflag:s0] =	ssyncset.done @!p0 $0x0  }
0x4c: {  	[sflag:s0] =	ssyncadd.s32 @!p0 s1  }
0x4d: {  	[bflag:$0x3] =	sbarrier.arrive $0xFFFF  }
0x4e: {  	_ =	shalt  }

// kernel: gather_offload_async_start.2
scs
__scs_entry_jumppad:
0x0: {  	(pc) =	sbr.rel $0x88, $3  }
0x1: {  	(tag) =	ssettag $0x0;
	lr =	simm.s32 $0x1  }
0x2: {  	[smem:$0x3F9F] =	sst lr;
	_ =	strace $0xD0000000  }
0x3: {  	_ = 	snop  }
0x4: {  	_ = 	snop  }
0x5: {  	_ = 	snop  }
0x6: {  	_ = 	snop  }
0x7: {  	_ = 	snop  }
__scs_overlays_trampoline_lowered:
0x8: {  	[smem:$0x3FAE] =	sst s0  }
0x9: {  	[smem:$0x3FAF] =	sst s1  }
0xa: {  	[smem:$0x3FB0] =	sst s2  }
0xb: {  	[smem:$0x3FB1] =	sst s3  }
0xc: {  	[smem:$0x3FB2] =	sst s4  }
0xd: {  	[smem:$0x3FB3] =	sst s5  }
0xe: {  	[smem:$0x3FB4] =	sst s6  }
0xf: {  	[smem:$0x3FB5] =	sst s7  }
0x10: {  	[smem:$0x3FB6] =	sst s8  }
0x11: {  	[smem:$0x3FB7] =	sst s9;
	s0 =	simm.s32 @!p0 $0x0  }
0x12: {  	s1 =	sld [smem:$0x3F9D];
	s0 =	simm.s32 @p0 $0x1  }
0x13: {  	[smem:$0x3FB8] =	sst s0;
	s0 =	simm.s32 @!p1 $0x0  }
0x14: {  	s2 =	sld [smem:$0x3F9C];
	s0 =	simm.s32 @p1 $0x1  }
0x15: {  	[smem:$0x3FB9] =	sst s0;
	s0 =	simm.s32 @!p2 $0x0  }
0x16: {  	s3 =	sld [smem:$0x3FDB];
	s0 =	simm.s32 @p2 $0x1  }
0x17: {  	s4 =	simm.s32 $0x1BF5;
	[smem:$0x3FBB] =	sst s0  }
0x18: {  	s0 =	sld [smem:$0x3F9E];
	_ =	swait.ge [sflag:s4], $0x0  }
0x19: {  	s7 =	sld [smem:$0x3F9F]  }
0x1a: {  	s8 =	sadd.s32 $0xFFFFE003, lr  }
0x1b: {  	s9 =	sadd.s32 $0xFFFFFEF7, lr;
	s5 =	simm.s32 $0xFFFFFFFF;
	p2 =	slt.u32 s8, $0xFFFFF086  }
0x1c: {  	p1 =	slt.u32 s9, $0xF7A;
	s5 =	simm.s32 @!p2 $0x0  }
0x1d: {  	s5 =	simm.s32 @p1 $0x1;
	p0 =	seq.s32 s7, s2  }
0x1e: {  	s7 =	smul.u32 @!p0 $0xF7A, s2;
	p2 =	seq.s32 @!p0 s5, $0x0  }
0x1f: {  	s9 =	smul.u32 $0xF7A, s1;
	s8 =	simm.s32 @!p0 $0x1BF5;
	p2 =	por !p2, p0  }
0x20: {  	[sflag:s8] =	ssyncset.s32 @!p0 $0xFFFFF086;
	s6 =	sadd.s32 @!p0 s3, s7;
	s7 =	simm.s32 @!p0 $0x108  }
0x21: {  	s3 =	sadd.s32 s3, s9;
	s6 =	sadd.s32 @!p0 $0x88, s6;
	s7 =	simm.s32 @p2 $0x1082  }
0x22: {  	[simem:s7], [sflag:s8] =	dma.local @!p0 [hbm:s6], $0xF7A  }
0x23: {  	s9 =	sor.u32 $0xD0000000, s2;
	s6 =	simm.s32 $0x108;
	_ =	swait.ge @!p0 [sflag:s8], $0x0  }
0x24: {  	s3 =	sadd.s32 $0x88, s3;
	s6 =	simm.s32 @!p1 $0x1082;
	[sflag:s4] =	ssyncset.s32 $0xFFFFF086  }
0x25: {  	[simem:s6], [sflag:s4] =	dma.local [hbm:s3], $0xF7A  }
0x26: {  	[smem:$0x3F9F] =	sst s1;
	(tag) =	ssettag s2;
	_ =	strace s9  }
0x27: {  	s1 =	sld [smem:$0x3FAF]  }
0x28: {  	s2 =	sld [smem:$0x3FB0]  }
0x29: {  	s4 =	sld [smem:$0x3FB2]  }
0x2a: {  	p0 =	seq.s32 s5, $0x0;
	s5 =	sld [smem:$0x3FB3]  }
0x2b: {  	s6 =	sld [smem:$0x3FB4]  }
0x2c: {  	s7 =	sld [smem:$0x3FB5]  }
0x2d: {  	s3 =	simm.s32 $0x108;
	s8 =	sld [smem:$0x3FB6]  }
0x2e: {  	s3 =	simm.s32 @!p0 $0x1082;
	s9 =	sld [smem:$0x3FB7]  }
0x2f: {  	lr =	sadd.s32 s0, s3;
	s0 =	sld [smem:$0x3FAE]  }
0x30: {  	s3 =	sld [smem:$0x3FB1]  }
0x31: {  	[smem:$0x3FBA] =	sst s10  }
0x32: {  	s10 =	sld [smem:$0x3FB8];
	_ =	sdelay $0x3  }
0x33: {  	p0 =	seq.s32 s10, $0x1;
	s10 =	sld [smem:$0x3FBA];
	_ =	sdelay $0x3  }
0x34: {  	[smem:$0x3FBA] =	sst s10  }
0x35: {  	s10 =	sld [smem:$0x3FB9];
	_ =	sdelay $0x3  }
0x36: {  	p1 =	seq.s32 s10, $0x1;
	s10 =	sld [smem:$0x3FBA];
	_ =	sdelay $0x3  }
0x37: {  	[smem:$0x3FBA] =	sst s10  }
0x38: {  	s10 =	sld [smem:$0x3FBB]  }
0x39: {  	_ = 	snop;
	(pc) =	sbr.ind lr, $3  }
0x3a: {  	_ = 	snop  }
0x3b: {  	_ = 	snop  }
0x3c: {  	p2 =	seq.s32 s10, $0x1;
	s10 =	sld [smem:$0x3FBA]  }
0x3d: {  	_ =	shalt  }
0x3e: {  	_ =	shalt  }
0x3f: {  	_ =	shalt  }
0x40: {  	_ =	shalt  }
0x41: {  	_ =	shalt  }
0x42: {  	_ =	shalt  }
0x43: {  	_ =	shalt  }
0x44: {  	_ =	shalt  }
0x45: {  	_ =	shalt  }
0x46: {  	_ =	shalt  }
0x47: {  	_ =	shalt  }
0x48: {  	_ =	shalt  }
0x49: {  	_ =	shalt  }
0x4a: {  	_ =	shalt  }
0x4b: {  	_ =	shalt  }
0x4c: {  	_ =	shalt  }
0x4d: {  	_ =	shalt  }
0x4e: {  	_ =	shalt  }
0x4f: {  	_ =	shalt  }
0x50: {  	_ =	shalt  }
0x51: {  	_ =	shalt  }
0x52: {  	_ =	shalt  }
0x53: {  	_ =	shalt  }
0x54: {  	_ =	shalt  }
0x55: {  	_ =	shalt  }
0x56: {  	_ =	shalt  }
0x57: {  	_ =	shalt  }
0x58: {  	_ =	shalt  }
0x59: {  	_ =	shalt  }
0x5a: {  	_ =	shalt  }
0x5b: {  	_ =	shalt  }
0x5c: {  	_ =	shalt  }
0x5d: {  	_ =	shalt  }
0x5e: {  	_ =	shalt  }
0x5f: {  	_ =	shalt  }
0x60: {  	_ =	shalt  }
0x61: {  	_ =	shalt  }
0x62: {  	_ =	shalt  }
0x63: {  	_ =	shalt  }
0x64: {  	_ =	shalt  }
0x65: {  	_ =	shalt  }
0x66: {  	_ =	shalt  }
0x67: {  	_ =	shalt  }
0x68: {  	_ =	shalt  }
0x69: {  	_ =	shalt  }
0x6a: {  	_ =	shalt  }
0x6b: {  	_ =	shalt  }
0x6c: {  	_ =	shalt  }
0x6d: {  	_ =	shalt  }
0x6e: {  	_ =	shalt  }
0x6f: {  	_ =	shalt  }
0x70: {  	_ =	shalt  }
0x71: {  	_ =	shalt  }
0x72: {  	_ =	shalt  }
0x73: {  	_ =	shalt  }
0x74: {  	_ =	shalt  }
0x75: {  	_ =	shalt  }
0x76: {  	_ =	shalt  }
0x77: {  	_ =	shalt  }
0x78: {  	_ =	shalt  }
0x79: {  	_ =	shalt  }
0x7a: {  	_ =	shalt  }
0x7b: {  	_ =	shalt  }
0x7c: {  	_ =	shalt  }
0x7d: {  	_ =	shalt  }
0x7e: {  	_ =	shalt  }
0x7f: {  	_ =	shalt  }
0x80: {  	_ =	shalt  }
0x81: {  	_ =	shalt  }
0x82: {  	_ =	shalt  }
0x83: {  	_ =	shalt  }
0x84: {  	_ =	shalt  }
0x85: {  	_ =	shalt  }
0x86: {  	_ =	shalt  }
0x87: {  	_ =	shalt  }
.Lfunc_end0:
.L_simem_size_0:
called_computation.2_lowered:
.L_overlay_start_0:
0x88: {  	s2 =	sld [smem:$0x3FD9]  }
0x89: {  	s3 =	sld [smem:$0x3FFE];
	_ =	sdelay $0x1  }
0x8a: {  	s1 =	srdreg.scid  }
0x8b: {  	s0 =	sand.u32 $0x1, s1  }
0x8c: {  	s17 =	sshll.u32 s0, $0xA;
	s2 =	sadd.s32 s3, s2  }
0x8d: {  	s2 =	sadd.s32 s2, s17  }
0x8e: {  	[smem:$0x3FC6] =	sst s2  }
0x8f: {  	_ = 	snop  }
0x90: {  	(tm) =	ssettm $0x1  }
0x91: {  	s18 =	sld [smem:$0x3FFB];
	_ =	sdelay $0x3  }
0x92: {  	_ =	strace s18  }
0x93: {  	s2 =	sld [smem:$0x3FFC];
	_ =	sdelay $0x3  }
0x94: {  	_ =	strace s2  }
0x95: {  	s2 =	sld [smem:$0x3FFD];
	_ =	sdelay $0x3  }
0x96: {  	_ =	strace s2  }
0x97: {  	_ =	strace $0x8FFFFFFF  }
0x98: {  	s19 =	sld [smem:$0x3FDB];
	_ =	sdelay $0x1  }
0x99: {  	s20 =	simm.s32 $_scs_section_size  }
0x9a: {  	s4 =	simm.s32 $_size__tile_overlayer_lowered;
	s5 =	simm.s32 $_tile_overlayer_lowered  }
0x9b: {  	s6 =	simm.s32 $0x1BFF;
	s21 =	sshll.u32 s5, $0x1;
	s3 =	sadd.s32 s20, s19  }
0x9c: {  	s22 =	simm.s32 $0x0;
	s4 =	sshll.u32 s4, $0x1;
	s5 =	sadd.s32 s21, s3  }
0x9d: {  	[timem:s22], [sflag:s6] =	dma.local [hbm:s5], s4  }
0x9e: {  	_ =	swait.ge [sflag:s6], s4  }
0x9f: {  	s4 =	ssub.s32 $0x0, s4;
	[sflag:s6] =	ssyncset.done $0x0  }
0xa0: {  	[sflag:s6] =	ssyncadd.s32 s4;
	_ =	sdelay $0x1  }
0xa1: {  	s23 =	simm.s32 $0x1B8B  }
0xa2: {  	_ =	swait.ge [sflag:s23], $0x1  }
0xa3: {  	[sflag:s23] =	ssyncset.done $0x0  }
0xa4: {  	[sflag:s23] =	ssyncadd.s32 $0xFFFFFFFF  }
0xa5: {  	s4 =	sld [smem:$0x0]  }
0xa6: {  	s5 =	sand.u32 $0xFFFFFFFE, s1  }
0xa7: {  	p0 =	sne.s32 s1, s5  }
0xa8: {  	s5 =	sshll.u32 @p0 s5, $0xE  }
0xa9: {  	s5 =	sadd.s32 @p0 $0x11B8D, s5;
	s6 =	sshll.u32 @p0 s4, $0x11  }
0xaa: {  	s5 =	sor.u32 @p0 s6, s5  }
0xab: {  	[sflag:s5] =	ssyncadd.remote.s32 @p0 $0x1;
	_ =	sdelay $0x1  }
0xac: {  	s5 =	simm.s32 @p0 $0x1B8D  }
0xad: {  	_ =	swait.eq @p0 [sflag:s5], $0x1  }
0xae: {  	[sflag:s5] =	ssyncadd.s32 @p0 $0xFFFFFFFF  }
0xaf: {  	s6 =	sshll.u32 @!p0 s1, $0xE  }
0xb0: {  	s6 =	sor.u32 @!p0 $0x4000, s6;
	s5 =	simm.s32 @!p0 $0x1B8D  }
0xb1: {  	s4 =	sshll.u32 @!p0 s4, $0x11;
	s6 =	sadd.s32 @!p0 $0x11B8D, s6;
	_ =	swait.eq @!p0 [sflag:s5], $0x1  }
0xb2: {  	s4 =	sor.u32 @!p0 s4, s6;
	[sflag:s5] =	ssyncadd.s32 @!p0 $0xFFFFFFFF  }
0xb3: {  	s25 =	simm.s32 $0x1B8E;
	s24 =	sld [smem:$0x3FFE];
	[sflag:s4] =	ssyncadd.remote.s32 @!p0 $0x1  }
0xb4: {  	s26 =	simm.s32 $execute0_lowered;
	[smem:$0x3FD2] =	sst s25  }
0xb5: {  	s5 =	sshll.u32 s26, $0x1;
	_ =	strace $0x80000055;
	[dreg:$0x1] =	wrdreg $0xFFFFFFFF  }
0xb6: {  	s28 =	simm.s32 $_size_execute0_lowered;
	s3 =	sadd.s32 s3, s5;
	[dreg:$0x0] =	wrdreg $0x0  }
0xb7: {  	s5 =	sshll.u32 s28, $0x1;
	[dreg:$0x2] =	wrdreg s3  }
0xb8: {  	[dreg:$0x3] =	wrdreg s5  }
0xb9: {  	[dreg:$0x4] =	wrdreg $0xC0  }
0xba: {  	_ =	task [dreg:s22], $0x5FFFF  }
0xbb: {  	[dreg:$0x1] =	wrdreg $0xFFFFFFFF  }
0xbc: {  	[dreg:$0x0] =	wrdreg $0x60  }
0xbd: {  	[dreg:$0x2] =	wrdreg s24  }
0xbe: {  	[dreg:$0x3] =	wrdreg $0xD  }
0xbf: {  	_ =	task.clear_ibuf [dreg:s22], $0x4FFFF;
	_ =	strace $0x90000055  }
0xc0: {  	s29 =	simm.s32 $0xD;
	_ =	strace $0x80000057  }
0xc1: {  	_ =	swait.ge [sflag:s29], $0x1  }
0xc2: {  	[sflag:s29] =	ssyncadd.s32 $0xFFFFFFFF  }
0xc3: {  	_ =	strace $0x90000057  }
0xc4: {  	_ =	sfence  }
0xc5: {  	s30 =	sld [smem:$0x0];
	_ =	sdelay $0x2  }
0xc6: {  	s31 =	sshll.u32 s1, $0xD;
	s1 =	sshrl.u32 s1, $0x2  }
0xc7: {  	s4 =	sand.u32 $0x4000, s31;
	s1 =	sadd.s32 s1, s30  }
0xc8: {  	s0 =	sor.u32 s4, s0;
	s1 =	sshll.u32 s1, $0x11  }
0xc9: {  	s0 =	sor.u32 s1, s0  }
0xca: {  	s0 =	sadd.s32 $0x8F2B, s0  }
0xcb: {  	[sflag:s0] =	ssyncadd.remote.s32 $0x1  }
0xcc: {  	_ =	sfence.sel $0xFFFF  }
0xcd: {  	[dreg:$0x0] =	wrdreg $0xFFFFFFFF;
	(pc) =	sbr.abs _section_cstart, $3  }
0xce: {  	[dreg:$0x1] =	wrdreg $0xFFFFFFFF  }
0xcf: {  	_ =	task.clear_ibuf [dreg:s22], $0x2FFFF;
	_ =	strace $0x9FFFFFFF  }
0xd0: {  	(tm) =	ssettm $0x7FFFFFFF  }
0xd1: {  	_ =	shalt  }
tec
execute0_lowered:
.L_overlay_start_1:
0x0: {  	(tag) =	ssettag $0x1  }
0x1: {  	s8 =	rddreg [dreg:$0x0]  }
0x2: {  	s0 =	rddreg [dreg:$0x1];
	_ =	strace $0x80000056;
	s1 =	stileid.u32  }
0x3: {  	s3 =	srdreg.scid;
	s4 =	simm.s32 $0x1;
	s7 =	simm.s32 $0x1  }
0x4: {  	s9 =	simm.s32 $0x1;
	s10 =	simm.s32 $0x3;
	s13 =	simm.s32 $0x0  }
0x5: {  	s12 =	simm.s32 $0x0;
	s5 =	sand.u32 $0x1, s3;
	s6 =	sshll.u32 s1, $0x1  }
0x6: {  	s2 =	sadd.s32 $0x3E200, s8;
	s3 =	sadd.s32 $0x44A00, s8;
	s5 =	sor.u32 s6, s5  }
.Ltmp0:
0x7: {  	[sflag:s4] =	ssyncpa.u1 $0x0;
	p0 =	slt.u32 s5, $0x19;
	(pc) =	sbr.rel .LBB2_1-.Ltmp0, $4  }
0x8: {  	s6 =	simm.s32 $0x2;
	s7 =	simm.s32 @!p0 $0x0;
	p0 =	sne.s32 s5, $0x18  }
0x9: {  	[sflag:s6] =	ssyncpa.u1 $0x0;
	s5 =	smul.u32 $0x700, s5;
	s9 =	simm.s32 @!p0 $0x0  }
0xa: {  	s8 =	sadd.s32 $0x5A800, s8;
	[sflag:s10] =	ssyncpa.u1 $0x0;
	s7 =	sadd.s32 s9, s7  }
0xb: {  	vm0 =	vmmov $0xffff;
	s10 =	simm.s32 $0x0;
	s11 =	smov.u32 s5;
	s9 =	sadd.s32 $0x1, s7  }
.LBB2_4:
0xc: {  	v2 =	vnsel vm1, $0x0, v2  }
0xd: {  	vm1 =	vgt.s32 v0, $0x0;
	v2 =	vmin.u32 v2, $0xC7FF  }
0xe: {  	v0 =	vnsel vm1, $0x0, v0  }
0xf: {  	v0 =	vmin.u32 v0, $0xC7FF  }
0x10: {  	[tilespmem:s18], [sflag:$0x1] =	stream.indirect_vreg.gather [hbm4b:s2+s10], $0x1, v1, vm0, $0x4038;
	[tilespmem:$0x1C00] =	vst v63  }
0x11: {  	(ifvalue) =	ssetifvalue $0x7FFFFFFF  }
0x12: {  	[tilespmem:s15], [sflag:$0x1] =	stream.indirect_vreg.gather [hbm4b:s2+s10], $0x1, v2, vm0, $0x4038;
	[tilespmem:$0x1C00] =	vst v63  }
0x13: {  	s29 =	sadd.s32 $0x10, s15;
	(ifvalue) =	ssetifvalue $0x7FFFFFFF  }
0x14: {  	[tilespmem:s29], [sflag:$0x1] =	stream.indirect_vreg.gather [hbm4b:s2+s10], $0x1, v0, vm0, $0x4038;
	[tilespmem:$0x1C00] =	vst v63  }
0x15: {  	_ =	swait.ge [sflag:s4], $0x700  }
0x16: {  	s30 =	sshrl.u32 s13, $0x3;
	[sflag:s4] =	ssyncset.done $0x0  }
0x17: {  	s31 =	sand.u32 $0x7, s13;
	s15 =	sadd.s32 s8, s30;
	[sflag:s4] =	ssyncadd.s32 $0xFFFFF900  }
0x18: {  	[hbm4b:s15+s31] =	stream.linear.scatter [tilespmem:s14], [sflag:$0x3], $0x700, $0x38;
	[tilespmem:$0x1C00] =	vst v63  }
.LBB2_5:
0x19: {  	s15 =	sadd.s32 $0xE000, s11  }
0x1a: {  	p1 =	sgt.s32 s15, $0x187FF  }
0x1b: {  	s15 =	smov.u32 @p1 s5;
	p1 =	sne.s32 s12, s9  }
.Ltmp1:
0x1c: {  	p0 =	slt.u32 s12, $0x2;
	(pc) =	sbr.rel @!p1 .LBB2_6-.Ltmp1, $4  }
0x1d: {  	s14 =	simm.s32 @!p0 $0x3  }
0x1e: {  	_ =	swait.ge @!p0 [sflag:s14], $0x700  }
0x1f: {  	s16 =	sadd.s32 $0x1, s12;
	s13 =	smov.u32 s11;
	[sflag:s14] =	ssyncset.done @!p0 $0x0  }
0x20: {  	s12 =	smov.u32 s16;
	s11 =	smov.u32 s15;
	[sflag:s14] =	ssyncadd.s32 @!p0 $0xFFFFF900  }
.LBB2_1:
0x21: {  	p0 =	sge.u32 s12, s7  }
0x22: {  	s14 =	sxor.u32 @!p0 $0x1, s12  }
0x23: {  	s14 =	smul.u32 @!p0 $0x1C00, s14  }
0x24: {  	s31 =	sadd.s32 $0xFFFFFFFF, s12;
	s15 =	sshrl.u32 @!p0 s11, $0x3  }
0x25: {  	s16 =	sand.u32 @!p0 $0x7, s11;
	s15 =	sadd.s32 @!p0 s3, s15;
	s14 =	sshra.s32 @!p0 s14, $0x2  }
0x26: {  	[tilespmem:s14], [sflag:$0x2] =	stream.linear.gather @!p0 [hbm4b:s15+s16], $0x700, $0x38;
	[tilespmem:$0x1C00] =	vst v63  }
0x27: {  	p0 =	sge.u32 s31, s7  }
.Ltmp2:
0x28: {  	_ = 	snop;
	(pc) =	sbr.rel @p0 .LBB2_5-.Ltmp2, $1  }
0x29: {  	_ =	sdelay $0x3  }
0x2a: {  	s14 =	sand.u32 $0x1, s12  }
0x2b: {  	_ =	swait.ge [sflag:s6], $0x700;
	p0 =	seq.s32 s14, $0x1;
	s14 =	simm.s32 $0x700  }
0x2c: {  	[sflag:s6] =	ssyncset.done $0x0;
	s14 =	simm.s32 @!p0 $0x0  }
0x2d: {  	[sflag:s6] =	ssyncadd.s32 $0xFFFFF900;
	(ifvalue) =	ssetifvalue $0x7FFFFFFF;
	v0 =	vld.msk [tilespmem:s14+$0x0 ss:$0x1], $0xffff;
	_ =	sdelay $0x4  }
0x2e: {  	s15 =	sadd.s32 $0x10, s14;
	vm1 =	vgt.s32 v0, $0x0  }
0x2f: {  	v2 =	vld.msk [tilespmem:s15+$0x0 ss:$0x1], $0xffff;
	v1 =	vnsel vm1, $0x0, v0  }
0x30: {  	v1 =	vmin.u32 v1, $0xC7FF;
	_ =	sdelay $0x2  }
0x31: {  	s17 =	simm.s32 $0x20;
	s14 =	sadd.s32 $0xE00, s14;
	s16 =	sadd.s32 $0x10, s15  }
0x32: {  	s15 =	sadd.s32 $0x10, s14;
	s18 =	smov.u32 s14;
	v0 =	vld.msk [tilespmem:s16+$0x0 ss:$0x1], $0xffff;
	vm1 =	vgt.s32 v2, $0x0;
	(ifvalue) =	ssetifvalue $0x7FFFFFFF  }
.LBB2_3:
0x33: {  	[tilespmem:s18], [sflag:$0x1] =	stream.indirect_vreg.gather [hbm4b:s2+s10], $0x1, v1, vm0, $0x4038;
	[tilespmem:$0x1C00] =	vst v63  }
0x34: {  	s17 =	sadd.s32 $0x10, s17  }
0x35: {  	v2 =	vnsel vm1, $0x0, v2;
	p0 =	slt.u32 s17, $0x6F0  }
.Ltmp3:
0x36: {  	s18 =	smov.u32 s15;
	v1 =	vmin.u32 v2, $0xC7FF;
	(pc) =	sbr.rel @p0 .LBB2_3-.Ltmp3, $3  }
0x37: {  	_ =	sdelay $0x1  }
0x38: {  	s16 =	sadd.s32 $0x10, s16  }
0x39: {  	vm1 =	vgt.s32 v0, $0x0;
	s15 =	sadd.s32 $0x10, s15;
	v2 =	vmov v0;
	(ifvalue) =	ssetifvalue $0x7FFFFFFF;
	v0 =	vld.msk [tilespmem:s16+$0x0 ss:$0x1], $0xffff  }
.Ltmp4:
0x3a: {  	_ = 	snop;
	(pc) =	sbr.rel .LBB2_4-.Ltmp4, $1  }
0x3b: {  	_ =	sdelay $0x3  }
.LBB2_6:
0x3c: {  	_ =	sfence.sel $0x180000  }
0x3d: {  	s2 =	simm.s32 $0x2;
	[bflag:$0x0] =	sbarrier.arrive $0xFFFF  }
0x3e: {  	s30 =	simm.s32 $0x3;
	[sflag:s2] =	ssyncpa.u1 $0x1  }
0x3f: {  	s31 =	simm.s32 $0x1;
	[sflag:s30] =	ssyncpa.u1 $0x1  }
0x40: {  	[sflag:s31] =	ssyncpa.u1 $0x1  }
0x41: {  	p0 =	sne.s32 s1, $0x0;
	_ =	strace $0x90000056  }
0x42: {  	s0 =	sadd.s32 @!p0 $0x100000, s0;
	[bflag:$0x2] =	sbarrier.arrive $0xFFFF  }
0x43: {  	[sflag:s0] =	ssyncadd.tile.s32 @!p0 $0x1;
	_ =	shalt  }
.Lfunc_end2:
_tile_overlayer_lowered:
.L_overlay_start_2:
0x44: {  	(tag) =	ssettag $0x2  }
0x45: {  	s0 =	rddreg [dreg:$0x0];
	s2 =	stileid.u32  }
0x46: {  	s1 =	rddreg [dreg:$0x1];
	p0 =	sne.s32 s2, $0x0  }
0x47: {  	s3 =	rddreg [dreg:$0x2];
	[bflag:$0x3] =	sbarrier.arrive $0xFFFF;
	s2 =	simm.s32 @!p0 $0x1C01  }
0x48: {  	[timem:s3], [sflag:s2] =	dma.local @!p0 [hbm:s0], s1  }
0x49: {  	s0 =	simm.s32 @!p0 $0x1  }
0x4a: {  	_ =	swait.ge @!p0 [sflag:s0], s1  }
0x4b: {  	s1 =	ssub.s32 @!p0 $0x0, s1;
	[sflag:s0] =	ssyncset.done @!p0 $0x0  }
0x4c: {  	[sflag:s0] =	ssyncadd.s32 @!p0 s1  }
0x4d: {  	[bflag:$0x3] =	sbarrier.arrive $0xFFFF  }
0x4e: {  	_ =	shalt  }

// kernel: gather_offload_async_start.3
scs
__scs_entry_jumppad:
0x0: {  	(pc) =	sbr.rel $0x88, $3  }
0x1: {  	(tag) =	ssettag $0x0;
	lr =	simm.s32 $0x1  }
0x2: {  	[smem:$0x3F9F] =	sst lr;
	_ =	strace $0xD0000000  }
0x3: {  	_ = 	snop  }
0x4: {  	_ = 	snop  }
0x5: {  	_ = 	snop  }
0x6: {  	_ = 	snop  }
0x7: {  	_ = 	snop  }
__scs_overlays_trampoline_lowered:
0x8: {  	[smem:$0x3FAE] =	sst s0  }
0x9: {  	[smem:$0x3FAF] =	sst s1  }
0xa: {  	[smem:$0x3FB0] =	sst s2  }
0xb: {  	[smem:$0x3FB1] =	sst s3  }
0xc: {  	[smem:$0x3FB2] =	sst s4  }
0xd: {  	[smem:$0x3FB3] =	sst s5  }
0xe: {  	[smem:$0x3FB4] =	sst s6  }
0xf: {  	[smem:$0x3FB5] =	sst s7  }
0x10: {  	[smem:$0x3FB6] =	sst s8  }
0x11: {  	[smem:$0x3FB7] =	sst s9;
	s0 =	simm.s32 @!p0 $0x0  }
0x12: {  	s1 =	sld [smem:$0x3F9D];
	s0 =	simm.s32 @p0 $0x1  }
0x13: {  	[smem:$0x3FB8] =	sst s0;
	s0 =	simm.s32 @!p1 $0x0  }
0x14: {  	s2 =	sld [smem:$0x3F9C];
	s0 =	simm.s32 @p1 $0x1  }
0x15: {  	[smem:$0x3FB9] =	sst s0;
	s0 =	simm.s32 @!p2 $0x0  }
0x16: {  	s3 =	sld [smem:$0x3FDB];
	s0 =	simm.s32 @p2 $0x1  }
0x17: {  	s4 =	simm.s32 $0x1BF5;
	[smem:$0x3FBB] =	sst s0  }
0x18: {  	s0 =	sld [smem:$0x3F9E];
	_ =	swait.ge [sflag:s4], $0x0  }
0x19: {  	s7 =	sld [smem:$0x3F9F]  }
0x1a: {  	s8 =	sadd.s32 $0xFFFFE003, lr  }
0x1b: {  	s9 =	sadd.s32 $0xFFFFFEF7, lr;
	s5 =	simm.s32 $0xFFFFFFFF;
	p2 =	slt.u32 s8, $0xFFFFF086  }
0x1c: {  	p1 =	slt.u32 s9, $0xF7A;
	s5 =	simm.s32 @!p2 $0x0  }
0x1d: {  	s5 =	simm.s32 @p1 $0x1;
	p0 =	seq.s32 s7, s2  }
0x1e: {  	s7 =	smul.u32 @!p0 $0xF7A, s2;
	p2 =	seq.s32 @!p0 s5, $0x0  }
0x1f: {  	s9 =	smul.u32 $0xF7A, s1;
	s8 =	simm.s32 @!p0 $0x1BF5;
	p2 =	por !p2, p0  }
0x20: {  	[sflag:s8] =	ssyncset.s32 @!p0 $0xFFFFF086;
	s6 =	sadd.s32 @!p0 s3, s7;
	s7 =	simm.s32 @!p0 $0x108  }
0x21: {  	s3 =	sadd.s32 s3, s9;
	s6 =	sadd.s32 @!p0 $0x88, s6;
	s7 =	simm.s32 @p2 $0x1082  }
0x22: {  	[simem:s7], [sflag:s8] =	dma.local @!p0 [hbm:s6], $0xF7A  }
0x23: {  	s9 =	sor.u32 $0xD0000000, s2;
	s6 =	simm.s32 $0x108;
	_ =	swait.ge @!p0 [sflag:s8], $0x0  }
0x24: {  	s3 =	sadd.s32 $0x88, s3;
	s6 =	simm.s32 @!p1 $0x1082;
	[sflag:s4] =	ssyncset.s32 $0xFFFFF086  }
0x25: {  	[simem:s6], [sflag:s4] =	dma.local [hbm:s3], $0xF7A  }
0x26: {  	[smem:$0x3F9F] =	sst s1;
	(tag) =	ssettag s2;
	_ =	strace s9  }
0x27: {  	s1 =	sld [smem:$0x3FAF]  }
0x28: {  	s2 =	sld [smem:$0x3FB0]  }
0x29: {  	s4 =	sld [smem:$0x3FB2]  }
0x2a: {  	p0 =	seq.s32 s5, $0x0;
	s5 =	sld [smem:$0x3FB3]  }
0x2b: {  	s6 =	sld [smem:$0x3FB4]  }
0x2c: {  	s7 =	sld [smem:$0x3FB5]  }
0x2d: {  	s3 =	simm.s32 $0x108;
	s8 =	sld [smem:$0x3FB6]  }
0x2e: {  	s3 =	simm.s32 @!p0 $0x1082;
	s9 =	sld [smem:$0x3FB7]  }
0x2f: {  	lr =	sadd.s32 s0, s3;
	s0 =	sld [smem:$0x3FAE]  }
0x30: {  	s3 =	sld [smem:$0x3FB1]  }
0x31: {  	[smem:$0x3FBA] =	sst s10  }
0x32: {  	s10 =	sld [smem:$0x3FB8];
	_ =	sdelay $0x3  }
0x33: {  	p0 =	seq.s32 s10, $0x1;
	s10 =	sld [smem:$0x3FBA];
	_ =	sdelay $0x3  }
0x34: {  	[smem:$0x3FBA] =	sst s10  }
0x35: {  	s10 =	sld [smem:$0x3FB9];
	_ =	sdelay $0x3  }
0x36: {  	p1 =	seq.s32 s10, $0x1;
	s10 =	sld [smem:$0x3FBA];
	_ =	sdelay $0x3  }
0x37: {  	[smem:$0x3FBA] =	sst s10  }
0x38: {  	s10 =	sld [smem:$0x3FBB]  }
0x39: {  	_ = 	snop;
	(pc) =	sbr.ind lr, $3  }
0x3a: {  	_ = 	snop  }
0x3b: {  	_ = 	snop  }
0x3c: {  	p2 =	seq.s32 s10, $0x1;
	s10 =	sld [smem:$0x3FBA]  }
0x3d: {  	_ =	shalt  }
0x3e: {  	_ =	shalt  }
0x3f: {  	_ =	shalt  }
0x40: {  	_ =	shalt  }
0x41: {  	_ =	shalt  }
0x42: {  	_ =	shalt  }
0x43: {  	_ =	shalt  }
0x44: {  	_ =	shalt  }
0x45: {  	_ =	shalt  }
0x46: {  	_ =	shalt  }
0x47: {  	_ =	shalt  }
0x48: {  	_ =	shalt  }
0x49: {  	_ =	shalt  }
0x4a: {  	_ =	shalt  }
0x4b: {  	_ =	shalt  }
0x4c: {  	_ =	shalt  }
0x4d: {  	_ =	shalt  }
0x4e: {  	_ =	shalt  }
0x4f: {  	_ =	shalt  }
0x50: {  	_ =	shalt  }
0x51: {  	_ =	shalt  }
0x52: {  	_ =	shalt  }
0x53: {  	_ =	shalt  }
0x54: {  	_ =	shalt  }
0x55: {  	_ =	shalt  }
0x56: {  	_ =	shalt  }
0x57: {  	_ =	shalt  }
0x58: {  	_ =	shalt  }
0x59: {  	_ =	shalt  }
0x5a: {  	_ =	shalt  }
0x5b: {  	_ =	shalt  }
0x5c: {  	_ =	shalt  }
0x5d: {  	_ =	shalt  }
0x5e: {  	_ =	shalt  }
0x5f: {  	_ =	shalt  }
0x60: {  	_ =	shalt  }
0x61: {  	_ =	shalt  }
0x62: {  	_ =	shalt  }
0x63: {  	_ =	shalt  }
0x64: {  	_ =	shalt  }
0x65: {  	_ =	shalt  }
0x66: {  	_ =	shalt  }
0x67: {  	_ =	shalt  }
0x68: {  	_ =	shalt  }
0x69: {  	_ =	shalt  }
0x6a: {  	_ =	shalt  }
0x6b: {  	_ =	shalt  }
0x6c: {  	_ =	shalt  }
0x6d: {  	_ =	shalt  }
0x6e: {  	_ =	shalt  }
0x6f: {  	_ =	shalt  }
0x70: {  	_ =	shalt  }
0x71: {  	_ =	shalt  }
0x72: {  	_ =	shalt  }
0x73: {  	_ =	shalt  }
0x74: {  	_ =	shalt  }
0x75: {  	_ =	shalt  }
0x76: {  	_ =	shalt  }
0x77: {  	_ =	shalt  }
0x78: {  	_ =	shalt  }
0x79: {  	_ =	shalt  }
0x7a: {  	_ =	shalt  }
0x7b: {  	_ =	shalt  }
0x7c: {  	_ =	shalt  }
0x7d: {  	_ =	shalt  }
0x7e: {  	_ =	shalt  }
0x7f: {  	_ =	shalt  }
0x80: {  	_ =	shalt  }
0x81: {  	_ =	shalt  }
0x82: {  	_ =	shalt  }
0x83: {  	_ =	shalt  }
0x84: {  	_ =	shalt  }
0x85: {  	_ =	shalt  }
0x86: {  	_ =	shalt  }
0x87: {  	_ =	shalt  }
.Lfunc_end0:
.L_simem_size_0:
called_computation.3_lowered:
.L_overlay_start_0:
0x88: {  	s2 =	sld [smem:$0x3FD9]  }
0x89: {  	s3 =	sld [smem:$0x3FFE];
	_ =	sdelay $0x1  }
0x8a: {  	s1 =	srdreg.scid  }
0x8b: {  	s0 =	sand.u32 $0x1, s1  }
0x8c: {  	s17 =	sshll.u32 s0, $0xA;
	s2 =	sadd.s32 s3, s2  }
0x8d: {  	s2 =	sadd.s32 s2, s17  }
0x8e: {  	[smem:$0x3FC6] =	sst s2  }
0x8f: {  	_ = 	snop  }
0x90: {  	(tm) =	ssettm $0x1  }
0x91: {  	s18 =	sld [smem:$0x3FFB];
	_ =	sdelay $0x3  }
0x92: {  	_ =	strace s18  }
0x93: {  	s2 =	sld [smem:$0x3FFC];
	_ =	sdelay $0x3  }
0x94: {  	_ =	strace s2  }
0x95: {  	s2 =	sld [smem:$0x3FFD];
	_ =	sdelay $0x3  }
0x96: {  	_ =	strace s2  }
0x97: {  	_ =	strace $0x8FFFFFFF  }
0x98: {  	s19 =	sld [smem:$0x3FDB];
	_ =	sdelay $0x1  }
0x99: {  	s20 =	simm.s32 $_scs_section_size  }
0x9a: {  	s4 =	simm.s32 $_size__tile_overlayer_lowered;
	s5 =	simm.s32 $_tile_overlayer_lowered  }
0x9b: {  	s6 =	simm.s32 $0x1BFF;
	s21 =	sshll.u32 s5, $0x1;
	s3 =	sadd.s32 s20, s19  }
0x9c: {  	s22 =	simm.s32 $0x0;
	s4 =	sshll.u32 s4, $0x1;
	s5 =	sadd.s32 s21, s3  }
0x9d: {  	[timem:s22], [sflag:s6] =	dma.local [hbm:s5], s4  }
0x9e: {  	_ =	swait.ge [sflag:s6], s4  }
0x9f: {  	s4 =	ssub.s32 $0x0, s4;
	[sflag:s6] =	ssyncset.done $0x0  }
0xa0: {  	[sflag:s6] =	ssyncadd.s32 s4;
	_ =	sdelay $0x1  }
0xa1: {  	s23 =	simm.s32 $0x1B8B  }
0xa2: {  	_ =	swait.ge [sflag:s23], $0x1  }
0xa3: {  	[sflag:s23] =	ssyncset.done $0x0  }
0xa4: {  	[sflag:s23] =	ssyncadd.s32 $0xFFFFFFFF  }
0xa5: {  	s4 =	sld [smem:$0x0]  }
0xa6: {  	s5 =	sand.u32 $0xFFFFFFFE, s1  }
0xa7: {  	p0 =	sne.s32 s1, s5  }
0xa8: {  	s5 =	sshll.u32 @p0 s5, $0xE  }
0xa9: {  	s5 =	sadd.s32 @p0 $0x11B8D, s5;
	s6 =	sshll.u32 @p0 s4, $0x11  }
0xaa: {  	s5 =	sor.u32 @p0 s6, s5  }
0xab: {  	[sflag:s5] =	ssyncadd.remote.s32 @p0 $0x1;
	_ =	sdelay $0x1  }
0xac: {  	s5 =	simm.s32 @p0 $0x1B8D  }
0xad: {  	_ =	swait.eq @p0 [sflag:s5], $0x1  }
0xae: {  	[sflag:s5] =	ssyncadd.s32 @p0 $0xFFFFFFFF  }
0xaf: {  	s6 =	sshll.u32 @!p0 s1, $0xE  }
0xb0: {  	s6 =	sor.u32 @!p0 $0x4000, s6;
	s5 =	simm.s32 @!p0 $0x1B8D  }
0xb1: {  	s4 =	sshll.u32 @!p0 s4, $0x11;
	s6 =	sadd.s32 @!p0 $0x11B8D, s6;
	_ =	swait.eq @!p0 [sflag:s5], $0x1  }
0xb2: {  	s4 =	sor.u32 @!p0 s4, s6;
	[sflag:s5] =	ssyncadd.s32 @!p0 $0xFFFFFFFF  }
0xb3: {  	s25 =	simm.s32 $0x1B8E;
	s24 =	sld [smem:$0x3FFE];
	[sflag:s4] =	ssyncadd.remote.s32 @!p0 $0x1  }
0xb4: {  	s26 =	simm.s32 $execute0_lowered;
	[smem:$0x3FD2] =	sst s25  }
0xb5: {  	s5 =	sshll.u32 s26, $0x1;
	_ =	strace $0x80000058;
	[dreg:$0x1] =	wrdreg $0xFFFFFFFF  }
0xb6: {  	s28 =	simm.s32 $_size_execute0_lowered;
	s3 =	sadd.s32 s3, s5;
	[dreg:$0x0] =	wrdreg $0x0  }
0xb7: {  	s5 =	sshll.u32 s28, $0x1;
	[dreg:$0x2] =	wrdreg s3  }
0xb8: {  	[dreg:$0x3] =	wrdreg s5  }
0xb9: {  	[dreg:$0x4] =	wrdreg $0xC0  }
0xba: {  	_ =	task [dreg:s22], $0x5FFFF  }
0xbb: {  	[dreg:$0x1] =	wrdreg $0xFFFFFFFF  }
0xbc: {  	[dreg:$0x0] =	wrdreg $0x60  }
0xbd: {  	[dreg:$0x2] =	wrdreg s24  }
0xbe: {  	[dreg:$0x3] =	wrdreg $0x9  }
0xbf: {  	_ =	task.clear_ibuf [dreg:s22], $0x4FFFF;
	_ =	strace $0x90000058  }
0xc0: {  	s29 =	simm.s32 $0x9;
	_ =	strace $0x8000005A  }
0xc1: {  	_ =	swait.ge [sflag:s29], $0x1  }
0xc2: {  	[sflag:s29] =	ssyncadd.s32 $0xFFFFFFFF  }
0xc3: {  	_ =	strace $0x9000005A  }
0xc4: {  	_ =	sfence  }
0xc5: {  	s30 =	sld [smem:$0x0];
	_ =	sdelay $0x2  }
0xc6: {  	s31 =	sshll.u32 s1, $0xD;
	s1 =	sshrl.u32 s1, $0x2  }
0xc7: {  	s4 =	sand.u32 $0x4000, s31;
	s1 =	sadd.s32 s1, s30  }
0xc8: {  	s0 =	sor.u32 s4, s0;
	s1 =	sshll.u32 s1, $0x11  }
0xc9: {  	s0 =	sor.u32 s1, s0  }
0xca: {  	s0 =	sadd.s32 $0x8F2B, s0  }
0xcb: {  	[sflag:s0] =	ssyncadd.remote.s32 $0x1  }
0xcc: {  	_ =	sfence.sel $0xFFFF  }
0xcd: {  	[dreg:$0x0] =	wrdreg $0xFFFFFFFF;
	(pc) =	sbr.abs _section_cstart, $3  }
0xce: {  	[dreg:$0x1] =	wrdreg $0xFFFFFFFF  }
0xcf: {  	_ =	task.clear_ibuf [dreg:s22], $0x2FFFF;
	_ =	strace $0x9FFFFFFF  }
0xd0: {  	(tm) =	ssettm $0x7FFFFFFF  }
0xd1: {  	_ =	shalt  }
tec
execute0_lowered:
.L_overlay_start_1:
0x0: {  	(tag) =	ssettag $0x1  }
0x1: {  	s8 =	rddreg [dreg:$0x0]  }
0x2: {  	s0 =	rddreg [dreg:$0x1];
	_ =	strace $0x80000059;
	s1 =	stileid.u32  }
0x3: {  	s3 =	srdreg.scid;
	s4 =	simm.s32 $0x1;
	s7 =	simm.s32 $0x1  }
0x4: {  	s9 =	simm.s32 $0x1;
	s10 =	simm.s32 $0x3;
	s13 =	simm.s32 $0x0  }
0x5: {  	s12 =	simm.s32 $0x0;
	s5 =	sand.u32 $0x1, s3;
	s6 =	sshll.u32 s1, $0x1  }
0x6: {  	s2 =	sadd.s32 $0x3C800, s8;
	s3 =	sadd.s32 $0x36400, s8;
	s5 =	sor.u32 s6, s5  }
.Ltmp0:
0x7: {  	[sflag:s4] =	ssyncpa.u1 $0x0;
	p0 =	slt.u32 s5, $0x19;
	(pc) =	sbr.rel .LBB2_1-.Ltmp0, $4  }
0x8: {  	s6 =	simm.s32 $0x2;
	s7 =	simm.s32 @!p0 $0x0;
	p0 =	sne.s32 s5, $0x18  }
0x9: {  	[sflag:s6] =	ssyncpa.u1 $0x0;
	s5 =	smul.u32 $0x700, s5;
	s9 =	simm.s32 @!p0 $0x0  }
0xa: {  	s8 =	sadd.s32 $0x18C00, s8;
	[sflag:s10] =	ssyncpa.u1 $0x0;
	s7 =	sadd.s32 s9, s7  }
0xb: {  	vm0 =	vmmov $0xffff;
	s10 =	simm.s32 $0x0;
	s11 =	smov.u32 s5;
	s9 =	sadd.s32 $0x1, s7  }
.LBB2_4:
0xc: {  	v2 =	vnsel vm1, $0x0, v2  }
0xd: {  	vm1 =	vgt.s32 v0, $0x0;
	v2 =	vmin.u32 v2, $0xC7FF  }
0xe: {  	v0 =	vnsel vm1, $0x0, v0  }
0xf: {  	v0 =	vmin.u32 v0, $0xC7FF  }
0x10: {  	[tilespmem:s18], [sflag:$0x1] =	stream.indirect_vreg.gather [hbm4b:s2+s10], $0x1, v1, vm0, $0x4038;
	[tilespmem:$0x1C00] =	vst v63  }
0x11: {  	(ifvalue) =	ssetifvalue $0x7FFFFFFF  }
0x12: {  	[tilespmem:s15], [sflag:$0x1] =	stream.indirect_vreg.gather [hbm4b:s2+s10], $0x1, v2, vm0, $0x4038;
	[tilespmem:$0x1C00] =	vst v63  }
0x13: {  	s29 =	sadd.s32 $0x10, s15;
	(ifvalue) =	ssetifvalue $0x7FFFFFFF  }
0x14: {  	[tilespmem:s29], [sflag:$0x1] =	stream.indirect_vreg.gather [hbm4b:s2+s10], $0x1, v0, vm0, $0x4038;
	[tilespmem:$0x1C00] =	vst v63  }
0x15: {  	_ =	swait.ge [sflag:s4], $0x700  }
0x16: {  	s30 =	sshrl.u32 s13, $0x3;
	[sflag:s4] =	ssyncset.done $0x0  }
0x17: {  	s31 =	sand.u32 $0x7, s13;
	s15 =	sadd.s32 s8, s30;
	[sflag:s4] =	ssyncadd.s32 $0xFFFFF900  }
0x18: {  	[hbm4b:s15+s31] =	stream.linear.scatter [tilespmem:s14], [sflag:$0x3], $0x700, $0x38;
	[tilespmem:$0x1C00] =	vst v63  }
.LBB2_5:
0x19: {  	s15 =	sadd.s32 $0xE000, s11  }
0x1a: {  	p1 =	sgt.s32 s15, $0x187FF  }
0x1b: {  	s15 =	smov.u32 @p1 s5;
	p1 =	sne.s32 s12, s9  }
.Ltmp1:
0x1c: {  	p0 =	slt.u32 s12, $0x2;
	(pc) =	sbr.rel @!p1 .LBB2_6-.Ltmp1, $4  }
0x1d: {  	s14 =	simm.s32 @!p0 $0x3  }
0x1e: {  	_ =	swait.ge @!p0 [sflag:s14], $0x700  }
0x1f: {  	s16 =	sadd.s32 $0x1, s12;
	s13 =	smov.u32 s11;
	[sflag:s14] =	ssyncset.done @!p0 $0x0  }
0x20: {  	s12 =	smov.u32 s16;
	s11 =	smov.u32 s15;
	[sflag:s14] =	ssyncadd.s32 @!p0 $0xFFFFF900  }
.LBB2_1:
0x21: {  	p0 =	sge.u32 s12, s7  }
0x22: {  	s14 =	sxor.u32 @!p0 $0x1, s12  }
0x23: {  	s14 =	smul.u32 @!p0 $0x1C00, s14  }
0x24: {  	s31 =	sadd.s32 $0xFFFFFFFF, s12;
	s15 =	sshrl.u32 @!p0 s11, $0x3  }
0x25: {  	s16 =	sand.u32 @!p0 $0x7, s11;
	s15 =	sadd.s32 @!p0 s3, s15;
	s14 =	sshra.s32 @!p0 s14, $0x2  }
0x26: {  	[tilespmem:s14], [sflag:$0x2] =	stream.linear.gather @!p0 [hbm4b:s15+s16], $0x700, $0x38;
	[tilespmem:$0x1C00] =	vst v63  }
0x27: {  	p0 =	sge.u32 s31, s7  }
.Ltmp2:
0x28: {  	_ = 	snop;
	(pc) =	sbr.rel @p0 .LBB2_5-.Ltmp2, $1  }
0x29: {  	_ =	sdelay $0x3  }
0x2a: {  	s14 =	sand.u32 $0x1, s12  }
0x2b: {  	_ =	swait.ge [sflag:s6], $0x700;
	p0 =	seq.s32 s14, $0x1;
	s14 =	simm.s32 $0x700  }
0x2c: {  	[sflag:s6] =	ssyncset.done $0x0;
	s14 =	simm.s32 @!p0 $0x0  }
0x2d: {  	[sflag:s6] =	ssyncadd.s32 $0xFFFFF900;
	(ifvalue) =	ssetifvalue $0x7FFFFFFF;
	v0 =	vld.msk [tilespmem:s14+$0x0 ss:$0x1], $0xffff;
	_ =	sdelay $0x4  }
0x2e: {  	s15 =	sadd.s32 $0x10, s14;
	vm1 =	vgt.s32 v0, $0x0  }
0x2f: {  	v2 =	vld.msk [tilespmem:s15+$0x0 ss:$0x1], $0xffff;
	v1 =	vnsel vm1, $0x0, v0  }
0x30: {  	v1 =	vmin.u32 v1, $0xC7FF;
	_ =	sdelay $0x2  }
0x31: {  	s17 =	simm.s32 $0x20;
	s14 =	sadd.s32 $0xE00, s14;
	s16 =	sadd.s32 $0x10, s15  }
0x32: {  	s15 =	sadd.s32 $0x10, s14;
	s18 =	smov.u32 s14;
	v0 =	vld.msk [tilespmem:s16+$0x0 ss:$0x1], $0xffff;
	vm1 =	vgt.s32 v2, $0x0;
	(ifvalue) =	ssetifvalue $0x7FFFFFFF  }
.LBB2_3:
0x33: {  	[tilespmem:s18], [sflag:$0x1] =	stream.indirect_vreg.gather [hbm4b:s2+s10], $0x1, v1, vm0, $0x4038;
	[tilespmem:$0x1C00] =	vst v63  }
0x34: {  	s17 =	sadd.s32 $0x10, s17  }
0x35: {  	v2 =	vnsel vm1, $0x0, v2;
	p0 =	slt.u32 s17, $0x6F0  }
.Ltmp3:
0x36: {  	s18 =	smov.u32 s15;
	v1 =	vmin.u32 v2, $0xC7FF;
	(pc) =	sbr.rel @p0 .LBB2_3-.Ltmp3, $3  }
0x37: {  	_ =	sdelay $0x1  }
0x38: {  	s16 =	sadd.s32 $0x10, s16  }
0x39: {  	vm1 =	vgt.s32 v0, $0x0;
	s15 =	sadd.s32 $0x10, s15;
	v2 =	vmov v0;
	(ifvalue) =	ssetifvalue $0x7FFFFFFF;
	v0 =	vld.msk [tilespmem:s16+$0x0 ss:$0x1], $0xffff  }
.Ltmp4:
0x3a: {  	_ = 	snop;
	(pc) =	sbr.rel .LBB2_4-.Ltmp4, $1  }
0x3b: {  	_ =	sdelay $0x3  }
.LBB2_6:
0x3c: {  	_ =	sfence.sel $0x180000  }
0x3d: {  	s2 =	simm.s32 $0x2;
	[bflag:$0x0] =	sbarrier.arrive $0xFFFF  }
0x3e: {  	s30 =	simm.s32 $0x3;
	[sflag:s2] =	ssyncpa.u1 $0x1  }
0x3f: {  	s31 =	simm.s32 $0x1;
	[sflag:s30] =	ssyncpa.u1 $0x1  }
0x40: {  	[sflag:s31] =	ssyncpa.u1 $0x1  }
0x41: {  	p0 =	sne.s32 s1, $0x0;
	_ =	strace $0x90000059  }
0x42: {  	s0 =	sadd.s32 @!p0 $0x100000, s0;
	[bflag:$0x2] =	sbarrier.arrive $0xFFFF  }
0x43: {  	[sflag:s0] =	ssyncadd.tile.s32 @!p0 $0x1;
	_ =	shalt  }
.Lfunc_end2:
_tile_overlayer_lowered:
.L_overlay_start_2:
0x44: {  	(tag) =	ssettag $0x2  }
0x45: {  	s0 =	rddreg [dreg:$0x0];
	s2 =	stileid.u32  }
0x46: {  	s1 =	rddreg [dreg:$0x1];
	p0 =	sne.s32 s2, $0x0  }
0x47: {  	s3 =	rddreg [dreg:$0x2];
	[bflag:$0x3] =	sbarrier.arrive $0xFFFF;
	s2 =	simm.s32 @!p0 $0x1C01  }
0x48: {  	[timem:s3], [sflag:s2] =	dma.local @!p0 [hbm:s0], s1  }
0x49: {  	s0 =	simm.s32 @!p0 $0x1  }
0x4a: {  	_ =	swait.ge @!p0 [sflag:s0], s1  }
0x4b: {  	s1 =	ssub.s32 @!p0 $0x0, s1;
	[sflag:s0] =	ssyncset.done @!p0 $0x0  }
0x4c: {  	[sflag:s0] =	ssyncadd.s32 @!p0 s1  }
0x4d: {  	[bflag:$0x3] =	sbarrier.arrive $0xFFFF  }
0x4e: {  	_ =	shalt  }

// kernel: gather_offload_async_start.4
scs
__scs_entry_jumppad:
0x0: {  	(pc) =	sbr.rel $0x88, $3  }
0x1: {  	(tag) =	ssettag $0x0;
	lr =	simm.s32 $0x1  }
0x2: {  	[smem:$0x3F9F] =	sst lr;
	_ =	strace $0xD0000000  }
0x3: {  	_ = 	snop  }
0x4: {  	_ = 	snop  }
0x5: {  	_ = 	snop  }
0x6: {  	_ = 	snop  }
0x7: {  	_ = 	snop  }
__scs_overlays_trampoline_lowered:
0x8: {  	[smem:$0x3FAE] =	sst s0  }
0x9: {  	[smem:$0x3FAF] =	sst s1  }
0xa: {  	[smem:$0x3FB0] =	sst s2  }
0xb: {  	[smem:$0x3FB1] =	sst s3  }
0xc: {  	[smem:$0x3FB2] =	sst s4  }
0xd: {  	[smem:$0x3FB3] =	sst s5  }
0xe: {  	[smem:$0x3FB4] =	sst s6  }
0xf: {  	[smem:$0x3FB5] =	sst s7  }
0x10: {  	[smem:$0x3FB6] =	sst s8  }
0x11: {  	[smem:$0x3FB7] =	sst s9;
	s0 =	simm.s32 @!p0 $0x0  }
0x12: {  	s1 =	sld [smem:$0x3F9D];
	s0 =	simm.s32 @p0 $0x1  }
0x13: {  	[smem:$0x3FB8] =	sst s0;
	s0 =	simm.s32 @!p1 $0x0  }
0x14: {  	s2 =	sld [smem:$0x3F9C];
	s0 =	simm.s32 @p1 $0x1  }
0x15: {  	[smem:$0x3FB9] =	sst s0;
	s0 =	simm.s32 @!p2 $0x0  }
0x16: {  	s3 =	sld [smem:$0x3FDB];
	s0 =	simm.s32 @p2 $0x1  }
0x17: {  	s4 =	simm.s32 $0x1BF5;
	[smem:$0x3FBB] =	sst s0  }
0x18: {  	s0 =	sld [smem:$0x3F9E];
	_ =	swait.ge [sflag:s4], $0x0  }
0x19: {  	s7 =	sld [smem:$0x3F9F]  }
0x1a: {  	s8 =	sadd.s32 $0xFFFFE003, lr  }
0x1b: {  	s9 =	sadd.s32 $0xFFFFFEF7, lr;
	s5 =	simm.s32 $0xFFFFFFFF;
	p2 =	slt.u32 s8, $0xFFFFF086  }
0x1c: {  	p1 =	slt.u32 s9, $0xF7A;
	s5 =	simm.s32 @!p2 $0x0  }
0x1d: {  	s5 =	simm.s32 @p1 $0x1;
	p0 =	seq.s32 s7, s2  }
0x1e: {  	s7 =	smul.u32 @!p0 $0xF7A, s2;
	p2 =	seq.s32 @!p0 s5, $0x0  }
0x1f: {  	s9 =	smul.u32 $0xF7A, s1;
	s8 =	simm.s32 @!p0 $0x1BF5;
	p2 =	por !p2, p0  }
0x20: {  	[sflag:s8] =	ssyncset.s32 @!p0 $0xFFFFF086;
	s6 =	sadd.s32 @!p0 s3, s7;
	s7 =	simm.s32 @!p0 $0x108  }
0x21: {  	s3 =	sadd.s32 s3, s9;
	s6 =	sadd.s32 @!p0 $0x88, s6;
	s7 =	simm.s32 @p2 $0x1082  }
0x22: {  	[simem:s7], [sflag:s8] =	dma.local @!p0 [hbm:s6], $0xF7A  }
0x23: {  	s9 =	sor.u32 $0xD0000000, s2;
	s6 =	simm.s32 $0x108;
	_ =	swait.ge @!p0 [sflag:s8], $0x0  }
0x24: {  	s3 =	sadd.s32 $0x88, s3;
	s6 =	simm.s32 @!p1 $0x1082;
	[sflag:s4] =	ssyncset.s32 $0xFFFFF086  }
0x25: {  	[simem:s6], [sflag:s4] =	dma.local [hbm:s3], $0xF7A  }
0x26: {  	[smem:$0x3F9F] =	sst s1;
	(tag) =	ssettag s2;
	_ =	strace s9  }
0x27: {  	s1 =	sld [smem:$0x3FAF]  }
0x28: {  	s2 =	sld [smem:$0x3FB0]  }
0x29: {  	s4 =	sld [smem:$0x3FB2]  }
0x2a: {  	p0 =	seq.s32 s5, $0x0;
	s5 =	sld [smem:$0x3FB3]  }
0x2b: {  	s6 =	sld [smem:$0x3FB4]  }
0x2c: {  	s7 =	sld [smem:$0x3FB5]  }
0x2d: {  	s3 =	simm.s32 $0x108;
	s8 =	sld [smem:$0x3FB6]  }
0x2e: {  	s3 =	simm.s32 @!p0 $0x1082;
	s9 =	sld [smem:$0x3FB7]  }
0x2f: {  	lr =	sadd.s32 s0, s3;
	s0 =	sld [smem:$0x3FAE]  }
0x30: {  	s3 =	sld [smem:$0x3FB1]  }
0x31: {  	[smem:$0x3FBA] =	sst s10  }
0x32: {  	s10 =	sld [smem:$0x3FB8];
	_ =	sdelay $0x3  }
0x33: {  	p0 =	seq.s32 s10, $0x1;
	s10 =	sld [smem:$0x3FBA];
	_ =	sdelay $0x3  }
0x34: {  	[smem:$0x3FBA] =	sst s10  }
0x35: {  	s10 =	sld [smem:$0x3FB9];
	_ =	sdelay $0x3  }
0x36: {  	p1 =	seq.s32 s10, $0x1;
	s10 =	sld [smem:$0x3FBA];
	_ =	sdelay $0x3  }
0x37: {  	[smem:$0x3FBA] =	sst s10  }
0x38: {  	s10 =	sld [smem:$0x3FBB]  }
0x39: {  	_ = 	snop;
	(pc) =	sbr.ind lr, $3  }
0x3a: {  	_ = 	snop  }
0x3b: {  	_ = 	snop  }
0x3c: {  	p2 =	seq.s32 s10, $0x1;
	s10 =	sld [smem:$0x3FBA]  }
0x3d: {  	_ =	shalt  }
0x3e: {  	_ =	shalt  }
0x3f: {  	_ =	shalt  }
0x40: {  	_ =	shalt  }
0x41: {  	_ =	shalt  }
0x42: {  	_ =	shalt  }
0x43: {  	_ =	shalt  }
0x44: {  	_ =	shalt  }
0x45: {  	_ =	shalt  }
0x46: {  	_ =	shalt  }
0x47: {  	_ =	shalt  }
0x48: {  	_ =	shalt  }
0x49: {  	_ =	shalt  }
0x4a: {  	_ =	shalt  }
0x4b: {  	_ =	shalt  }
0x4c: {  	_ =	shalt  }
0x4d: {  	_ =	shalt  }
0x4e: {  	_ =	shalt  }
0x4f: {  	_ =	shalt  }
0x50: {  	_ =	shalt  }
0x51: {  	_ =	shalt  }
0x52: {  	_ =	shalt  }
0x53: {  	_ =	shalt  }
0x54: {  	_ =	shalt  }
0x55: {  	_ =	shalt  }
0x56: {  	_ =	shalt  }
0x57: {  	_ =	shalt  }
0x58: {  	_ =	shalt  }
0x59: {  	_ =	shalt  }
0x5a: {  	_ =	shalt  }
0x5b: {  	_ =	shalt  }
0x5c: {  	_ =	shalt  }
0x5d: {  	_ =	shalt  }
0x5e: {  	_ =	shalt  }
0x5f: {  	_ =	shalt  }
0x60: {  	_ =	shalt  }
0x61: {  	_ =	shalt  }
0x62: {  	_ =	shalt  }
0x63: {  	_ =	shalt  }
0x64: {  	_ =	shalt  }
0x65: {  	_ =	shalt  }
0x66: {  	_ =	shalt  }
0x67: {  	_ =	shalt  }
0x68: {  	_ =	shalt  }
0x69: {  	_ =	shalt  }
0x6a: {  	_ =	shalt  }
0x6b: {  	_ =	shalt  }
0x6c: {  	_ =	shalt  }
0x6d: {  	_ =	shalt  }
0x6e: {  	_ =	shalt  }
0x6f: {  	_ =	shalt  }
0x70: {  	_ =	shalt  }
0x71: {  	_ =	shalt  }
0x72: {  	_ =	shalt  }
0x73: {  	_ =	shalt  }
0x74: {  	_ =	shalt  }
0x75: {  	_ =	shalt  }
0x76: {  	_ =	shalt  }
0x77: {  	_ =	shalt  }
0x78: {  	_ =	shalt  }
0x79: {  	_ =	shalt  }
0x7a: {  	_ =	shalt  }
0x7b: {  	_ =	shalt  }
0x7c: {  	_ =	shalt  }
0x7d: {  	_ =	shalt  }
0x7e: {  	_ =	shalt  }
0x7f: {  	_ =	shalt  }
0x80: {  	_ =	shalt  }
0x81: {  	_ =	shalt  }
0x82: {  	_ =	shalt  }
0x83: {  	_ =	shalt  }
0x84: {  	_ =	shalt  }
0x85: {  	_ =	shalt  }
0x86: {  	_ =	shalt  }
0x87: {  	_ =	shalt  }
.Lfunc_end0:
.L_simem_size_0:
called_computation.4_lowered:
.L_overlay_start_0:
0x88: {  	s2 =	sld [smem:$0x3FD9]  }
0x89: {  	s3 =	sld [smem:$0x3FFE];
	_ =	sdelay $0x1  }
0x8a: {  	s1 =	srdreg.scid  }
0x8b: {  	s0 =	sand.u32 $0x1, s1  }
0x8c: {  	s17 =	sshll.u32 s0, $0xA;
	s2 =	sadd.s32 s3, s2  }
0x8d: {  	s2 =	sadd.s32 s2, s17  }
0x8e: {  	[smem:$0x3FC6] =	sst s2  }
0x8f: {  	_ = 	snop  }
0x90: {  	(tm) =	ssettm $0x1  }
0x91: {  	s18 =	sld [smem:$0x3FFB];
	_ =	sdelay $0x3  }
0x92: {  	_ =	strace s18  }
0x93: {  	s2 =	sld [smem:$0x3FFC];
	_ =	sdelay $0x3  }
0x94: {  	_ =	strace s2  }
0x95: {  	s2 =	sld [smem:$0x3FFD];
	_ =	sdelay $0x3  }
0x96: {  	_ =	strace s2  }
0x97: {  	_ =	strace $0x8FFFFFFF  }
0x98: {  	s19 =	sld [smem:$0x3FDB];
	_ =	sdelay $0x1  }
0x99: {  	s20 =	simm.s32 $_scs_section_size  }
0x9a: {  	s4 =	simm.s32 $_size__tile_overlayer_lowered;
	s5 =	simm.s32 $_tile_overlayer_lowered  }
0x9b: {  	s6 =	simm.s32 $0x1BFF;
	s21 =	sshll.u32 s5, $0x1;
	s3 =	sadd.s32 s20, s19  }
0x9c: {  	s22 =	simm.s32 $0x0;
	s4 =	sshll.u32 s4, $0x1;
	s5 =	sadd.s32 s21, s3  }
0x9d: {  	[timem:s22], [sflag:s6] =	dma.local [hbm:s5], s4  }
0x9e: {  	_ =	swait.ge [sflag:s6], s4  }
0x9f: {  	s4 =	ssub.s32 $0x0, s4;
	[sflag:s6] =	ssyncset.done $0x0  }
0xa0: {  	[sflag:s6] =	ssyncadd.s32 s4;
	_ =	sdelay $0x1  }
0xa1: {  	s23 =	simm.s32 $0x1B8B  }
0xa2: {  	_ =	swait.ge [sflag:s23], $0x1  }
0xa3: {  	[sflag:s23] =	ssyncset.done $0x0  }
0xa4: {  	[sflag:s23] =	ssyncadd.s32 $0xFFFFFFFF  }
0xa5: {  	s4 =	sld [smem:$0x0]  }
0xa6: {  	s5 =	sand.u32 $0xFFFFFFFE, s1  }
0xa7: {  	p0 =	sne.s32 s1, s5  }
0xa8: {  	s5 =	sshll.u32 @p0 s5, $0xE  }
0xa9: {  	s5 =	sadd.s32 @p0 $0x11B8D, s5;
	s6 =	sshll.u32 @p0 s4, $0x11  }
0xaa: {  	s5 =	sor.u32 @p0 s6, s5  }
0xab: {  	[sflag:s5] =	ssyncadd.remote.s32 @p0 $0x1;
	_ =	sdelay $0x1  }
0xac: {  	s5 =	simm.s32 @p0 $0x1B8D  }
0xad: {  	_ =	swait.eq @p0 [sflag:s5], $0x1  }
0xae: {  	[sflag:s5] =	ssyncadd.s32 @p0 $0xFFFFFFFF  }
0xaf: {  	s6 =	sshll.u32 @!p0 s1, $0xE  }
0xb0: {  	s6 =	sor.u32 @!p0 $0x4000, s6;
	s5 =	simm.s32 @!p0 $0x1B8D  }
0xb1: {  	s4 =	sshll.u32 @!p0 s4, $0x11;
	s6 =	sadd.s32 @!p0 $0x11B8D, s6;
	_ =	swait.eq @!p0 [sflag:s5], $0x1  }
0xb2: {  	s4 =	sor.u32 @!p0 s4, s6;
	[sflag:s5] =	ssyncadd.s32 @!p0 $0xFFFFFFFF  }
0xb3: {  	s25 =	simm.s32 $0x1B8E;
	s24 =	sld [smem:$0x3FFE];
	[sflag:s4] =	ssyncadd.remote.s32 @!p0 $0x1  }
0xb4: {  	s26 =	simm.s32 $execute0_lowered;
	[smem:$0x3FD2] =	sst s25  }
0xb5: {  	s5 =	sshll.u32 s26, $0x1;
	_ =	strace $0x8000005B;
	[dreg:$0x1] =	wrdreg $0xFFFFFFFF  }
0xb6: {  	s28 =	simm.s32 $_size_execute0_lowered;
	s3 =	sadd.s32 s3, s5;
	[dreg:$0x0] =	wrdreg $0x0  }
0xb7: {  	s5 =	sshll.u32 s28, $0x1;
	[dreg:$0x2] =	wrdreg s3  }
0xb8: {  	[dreg:$0x3] =	wrdreg s5  }
0xb9: {  	[dreg:$0x4] =	wrdreg $0xC0  }
0xba: {  	_ =	task [dreg:s22], $0x5FFFF  }
0xbb: {  	[dreg:$0x1] =	wrdreg $0xFFFFFFFF  }
0xbc: {  	[dreg:$0x0] =	wrdreg $0x60  }
0xbd: {  	[dreg:$0x2] =	wrdreg s24  }
0xbe: {  	[dreg:$0x3] =	wrdreg $0xA  }
0xbf: {  	_ =	task.clear_ibuf [dreg:s22], $0x4FFFF;
	_ =	strace $0x9000005B  }
0xc0: {  	s29 =	simm.s32 $0xA;
	_ =	strace $0x8000005D  }
0xc1: {  	_ =	swait.ge [sflag:s29], $0x1  }
0xc2: {  	[sflag:s29] =	ssyncadd.s32 $0xFFFFFFFF  }
0xc3: {  	_ =	strace $0x9000005D  }
0xc4: {  	_ =	sfence  }
0xc5: {  	s30 =	sld [smem:$0x0];
	_ =	sdelay $0x2  }
0xc6: {  	s31 =	sshll.u32 s1, $0xD;
	s1 =	sshrl.u32 s1, $0x2  }
0xc7: {  	s4 =	sand.u32 $0x4000, s31;
	s1 =	sadd.s32 s1, s30  }
0xc8: {  	s0 =	sor.u32 s4, s0;
	s1 =	sshll.u32 s1, $0x11  }
0xc9: {  	s0 =	sor.u32 s1, s0  }
0xca: {  	s0 =	sadd.s32 $0x8F2B, s0  }
0xcb: {  	[sflag:s0] =	ssyncadd.remote.s32 $0x1  }
0xcc: {  	_ =	sfence.sel $0xFFFF  }
0xcd: {  	[dreg:$0x0] =	wrdreg $0xFFFFFFFF;
	(pc) =	sbr.abs _section_cstart, $3  }
0xce: {  	[dreg:$0x1] =	wrdreg $0xFFFFFFFF  }
0xcf: {  	_ =	task.clear_ibuf [dreg:s22], $0x2FFFF;
	_ =	strace $0x9FFFFFFF  }
0xd0: {  	(tm) =	ssettm $0x7FFFFFFF  }
0xd1: {  	_ =	shalt  }
tec
execute0_lowered:
.L_overlay_start_1:
0x0: {  	(tag) =	ssettag $0x1  }
0x1: {  	s8 =	rddreg [dreg:$0x0]  }
0x2: {  	s0 =	rddreg [dreg:$0x1];
	_ =	strace $0x8000005C;
	s1 =	stileid.u32  }
0x3: {  	s3 =	srdreg.scid;
	s4 =	simm.s32 $0x1;
	s7 =	simm.s32 $0x1  }
0x4: {  	s9 =	simm.s32 $0x1;
	s10 =	simm.s32 $0x3;
	s13 =	simm.s32 $0x0  }
0x5: {  	s12 =	simm.s32 $0x0;
	s5 =	sand.u32 $0x1, s3;
	s6 =	sshll.u32 s1, $0x1  }
0x6: {  	s2 =	sadd.s32 $0x3FC00, s8;
	s3 =	sadd.s32 $0x36400, s8;
	s5 =	sor.u32 s6, s5  }
.Ltmp0:
0x7: {  	[sflag:s4] =	ssyncpa.u1 $0x0;
	p0 =	slt.u32 s5, $0x19;
	(pc) =	sbr.rel .LBB2_1-.Ltmp0, $4  }
0x8: {  	s6 =	simm.s32 $0x2;
	s7 =	simm.s32 @!p0 $0x0;
	p0 =	sne.s32 s5, $0x18  }
0x9: {  	[sflag:s6] =	ssyncpa.u1 $0x0;
	s5 =	smul.u32 $0x700, s5;
	s9 =	simm.s32 @!p0 $0x0  }
0xa: {  	s8 =	sadd.s32 $0x33000, s8;
	[sflag:s10] =	ssyncpa.u1 $0x0;
	s7 =	sadd.s32 s9, s7  }
0xb: {  	vm0 =	vmmov $0xffff;
	s10 =	simm.s32 $0x0;
	s11 =	smov.u32 s5;
	s9 =	sadd.s32 $0x1, s7  }
.LBB2_4:
0xc: {  	v2 =	vnsel vm1, $0x0, v2  }
0xd: {  	vm1 =	vgt.s32 v0, $0x0;
	v2 =	vmin.u32 v2, $0xC7FF  }
0xe: {  	v0 =	vnsel vm1, $0x0, v0  }
0xf: {  	v0 =	vmin.u32 v0, $0xC7FF  }
0x10: {  	[tilespmem:s18], [sflag:$0x1] =	stream.indirect_vreg.gather [hbm4b:s2+s10], $0x1, v1, vm0, $0x4038;
	[tilespmem:$0x1C00] =	vst v63  }
0x11: {  	(ifvalue) =	ssetifvalue $0x7FFFFFFF  }
0x12: {  	[tilespmem:s15], [sflag:$0x1] =	stream.indirect_vreg.gather [hbm4b:s2+s10], $0x1, v2, vm0, $0x4038;
	[tilespmem:$0x1C00] =	vst v63  }
0x13: {  	s29 =	sadd.s32 $0x10, s15;
	(ifvalue) =	ssetifvalue $0x7FFFFFFF  }
0x14: {  	[tilespmem:s29], [sflag:$0x1] =	stream.indirect_vreg.gather [hbm4b:s2+s10], $0x1, v0, vm0, $0x4038;
	[tilespmem:$0x1C00] =	vst v63  }
0x15: {  	_ =	swait.ge [sflag:s4], $0x700  }
0x16: {  	s30 =	sshrl.u32 s13, $0x3;
	[sflag:s4] =	ssyncset.done $0x0  }
0x17: {  	s31 =	sand.u32 $0x7, s13;
	s15 =	sadd.s32 s8, s30;
	[sflag:s4] =	ssyncadd.s32 $0xFFFFF900  }
0x18: {  	[hbm4b:s15+s31] =	stream.linear.scatter [tilespmem:s14], [sflag:$0x3], $0x700, $0x38;
	[tilespmem:$0x1C00] =	vst v63  }
.LBB2_5:
0x19: {  	s15 =	sadd.s32 $0xE000, s11  }
0x1a: {  	p1 =	sgt.s32 s15, $0x187FF  }
0x1b: {  	s15 =	smov.u32 @p1 s5;
	p1 =	sne.s32 s12, s9  }
.Ltmp1:
0x1c: {  	p0 =	slt.u32 s12, $0x2;
	(pc) =	sbr.rel @!p1 .LBB2_6-.Ltmp1, $4  }
0x1d: {  	s14 =	simm.s32 @!p0 $0x3  }
0x1e: {  	_ =	swait.ge @!p0 [sflag:s14], $0x700  }
0x1f: {  	s16 =	sadd.s32 $0x1, s12;
	s13 =	smov.u32 s11;
	[sflag:s14] =	ssyncset.done @!p0 $0x0  }
0x20: {  	s12 =	smov.u32 s16;
	s11 =	smov.u32 s15;
	[sflag:s14] =	ssyncadd.s32 @!p0 $0xFFFFF900  }
.LBB2_1:
0x21: {  	p0 =	sge.u32 s12, s7  }
0x22: {  	s14 =	sxor.u32 @!p0 $0x1, s12  }
0x23: {  	s14 =	smul.u32 @!p0 $0x1C00, s14  }
0x24: {  	s31 =	sadd.s32 $0xFFFFFFFF, s12;
	s15 =	sshrl.u32 @!p0 s11, $0x3  }
0x25: {  	s16 =	sand.u32 @!p0 $0x7, s11;
	s15 =	sadd.s32 @!p0 s3, s15;
	s14 =	sshra.s32 @!p0 s14, $0x2  }
0x26: {  	[tilespmem:s14], [sflag:$0x2] =	stream.linear.gather @!p0 [hbm4b:s15+s16], $0x700, $0x38;
	[tilespmem:$0x1C00] =	vst v63  }
0x27: {  	p0 =	sge.u32 s31, s7  }
.Ltmp2:
0x28: {  	_ = 	snop;
	(pc) =	sbr.rel @p0 .LBB2_5-.Ltmp2, $1  }
0x29: {  	_ =	sdelay $0x3  }
0x2a: {  	s14 =	sand.u32 $0x1, s12  }
0x2b: {  	_ =	swait.ge [sflag:s6], $0x700;
	p0 =	seq.s32 s14, $0x1;
	s14 =	simm.s32 $0x700  }
0x2c: {  	[sflag:s6] =	ssyncset.done $0x0;
	s14 =	simm.s32 @!p0 $0x0  }
0x2d: {  	[sflag:s6] =	ssyncadd.s32 $0xFFFFF900;
	(ifvalue) =	ssetifvalue $0x7FFFFFFF;
	v0 =	vld.msk [tilespmem:s14+$0x0 ss:$0x1], $0xffff;
	_ =	sdelay $0x4  }
0x2e: {  	s15 =	sadd.s32 $0x10, s14;
	vm1 =	vgt.s32 v0, $0x0  }
0x2f: {  	v2 =	vld.msk [tilespmem:s15+$0x0 ss:$0x1], $0xffff;
	v1 =	vnsel vm1, $0x0, v0  }
0x30: {  	v1 =	vmin.u32 v1, $0xC7FF;
	_ =	sdelay $0x2  }
0x31: {  	s17 =	simm.s32 $0x20;
	s14 =	sadd.s32 $0xE00, s14;
	s16 =	sadd.s32 $0x10, s15  }
0x32: {  	s15 =	sadd.s32 $0x10, s14;
	s18 =	smov.u32 s14;
	v0 =	vld.msk [tilespmem:s16+$0x0 ss:$0x1], $0xffff;
	vm1 =	vgt.s32 v2, $0x0;
	(ifvalue) =	ssetifvalue $0x7FFFFFFF  }
.LBB2_3:
0x33: {  	[tilespmem:s18], [sflag:$0x1] =	stream.indirect_vreg.gather [hbm4b:s2+s10], $0x1, v1, vm0, $0x4038;
	[tilespmem:$0x1C00] =	vst v63  }
0x34: {  	s17 =	sadd.s32 $0x10, s17  }
0x35: {  	v2 =	vnsel vm1, $0x0, v2;
	p0 =	slt.u32 s17, $0x6F0  }
.Ltmp3:
0x36: {  	s18 =	smov.u32 s15;
	v1 =	vmin.u32 v2, $0xC7FF;
	(pc) =	sbr.rel @p0 .LBB2_3-.Ltmp3, $3  }
0x37: {  	_ =	sdelay $0x1  }
0x38: {  	s16 =	sadd.s32 $0x10, s16  }
0x39: {  	vm1 =	vgt.s32 v0, $0x0;
	s15 =	sadd.s32 $0x10, s15;
	v2 =	vmov v0;
	(ifvalue) =	ssetifvalue $0x7FFFFFFF;
	v0 =	vld.msk [tilespmem:s16+$0x0 ss:$0x1], $0xffff  }
.Ltmp4:
0x3a: {  	_ = 	snop;
	(pc) =	sbr.rel .LBB2_4-.Ltmp4, $1  }
0x3b: {  	_ =	sdelay $0x3  }
.LBB2_6:
0x3c: {  	_ =	sfence.sel $0x180000  }
0x3d: {  	s2 =	simm.s32 $0x2;
	[bflag:$0x0] =	sbarrier.arrive $0xFFFF  }
0x3e: {  	s30 =	simm.s32 $0x3;
	[sflag:s2] =	ssyncpa.u1 $0x1  }
0x3f: {  	s31 =	simm.s32 $0x1;
	[sflag:s30] =	ssyncpa.u1 $0x1  }
0x40: {  	[sflag:s31] =	ssyncpa.u1 $0x1  }
0x41: {  	p0 =	sne.s32 s1, $0x0;
	_ =	strace $0x9000005C  }
0x42: {  	s0 =	sadd.s32 @!p0 $0x100000, s0;
	[bflag:$0x2] =	sbarrier.arrive $0xFFFF  }
0x43: {  	[sflag:s0] =	ssyncadd.tile.s32 @!p0 $0x1;
	_ =	shalt  }
.Lfunc_end2:
_tile_overlayer_lowered:
.L_overlay_start_2:
0x44: {  	(tag) =	ssettag $0x2  }
0x45: {  	s0 =	rddreg [dreg:$0x0];
	s2 =	stileid.u32  }
0x46: {  	s1 =	rddreg [dreg:$0x1];
	p0 =	sne.s32 s2, $0x0  }
0x47: {  	s3 =	rddreg [dreg:$0x2];
	[bflag:$0x3] =	sbarrier.arrive $0xFFFF;
	s2 =	simm.s32 @!p0 $0x1C01  }
0x48: {  	[timem:s3], [sflag:s2] =	dma.local @!p0 [hbm:s0], s1  }
0x49: {  	s0 =	simm.s32 @!p0 $0x1  }
0x4a: {  	_ =	swait.ge @!p0 [sflag:s0], s1  }
0x4b: {  	s1 =	ssub.s32 @!p0 $0x0, s1;
	[sflag:s0] =	ssyncset.done @!p0 $0x0  }
0x4c: {  	[sflag:s0] =	ssyncadd.s32 @!p0 s1  }
0x4d: {  	[bflag:$0x3] =	sbarrier.arrive $0xFFFF  }
0x4e: {  	_ =	shalt  }

// kernel: gather_offload_async_start.5
scs
__scs_entry_jumppad:
0x0: {  	(pc) =	sbr.rel $0x88, $3  }
0x1: {  	(tag) =	ssettag $0x0;
	lr =	simm.s32 $0x1  }
0x2: {  	[smem:$0x3F9F] =	sst lr;
	_ =	strace $0xD0000000  }
0x3: {  	_ = 	snop  }
0x4: {  	_ = 	snop  }
0x5: {  	_ = 	snop  }
0x6: {  	_ = 	snop  }
0x7: {  	_ = 	snop  }
__scs_overlays_trampoline_lowered:
0x8: {  	[smem:$0x3FAE] =	sst s0  }
0x9: {  	[smem:$0x3FAF] =	sst s1  }
0xa: {  	[smem:$0x3FB0] =	sst s2  }
0xb: {  	[smem:$0x3FB1] =	sst s3  }
0xc: {  	[smem:$0x3FB2] =	sst s4  }
0xd: {  	[smem:$0x3FB3] =	sst s5  }
0xe: {  	[smem:$0x3FB4] =	sst s6  }
0xf: {  	[smem:$0x3FB5] =	sst s7  }
0x10: {  	[smem:$0x3FB6] =	sst s8  }
0x11: {  	[smem:$0x3FB7] =	sst s9;
	s0 =	simm.s32 @!p0 $0x0  }
0x12: {  	s1 =	sld [smem:$0x3F9D];
	s0 =	simm.s32 @p0 $0x1  }
0x13: {  	[smem:$0x3FB8] =	sst s0;
	s0 =	simm.s32 @!p1 $0x0  }
0x14: {  	s2 =	sld [smem:$0x3F9C];
	s0 =	simm.s32 @p1 $0x1  }
0x15: {  	[smem:$0x3FB9] =	sst s0;
	s0 =	simm.s32 @!p2 $0x0  }
0x16: {  	s3 =	sld [smem:$0x3FDB];
	s0 =	simm.s32 @p2 $0x1  }
0x17: {  	s4 =	simm.s32 $0x1BF5;
	[smem:$0x3FBB] =	sst s0  }
0x18: {  	s0 =	sld [smem:$0x3F9E];
	_ =	swait.ge [sflag:s4], $0x0  }
0x19: {  	s7 =	sld [smem:$0x3F9F]  }
0x1a: {  	s8 =	sadd.s32 $0xFFFFE003, lr  }
0x1b: {  	s9 =	sadd.s32 $0xFFFFFEF7, lr;
	s5 =	simm.s32 $0xFFFFFFFF;
	p2 =	slt.u32 s8, $0xFFFFF086  }
0x1c: {  	p1 =	slt.u32 s9, $0xF7A;
	s5 =	simm.s32 @!p2 $0x0  }
0x1d: {  	s5 =	simm.s32 @p1 $0x1;
	p0 =	seq.s32 s7, s2  }
0x1e: {  	s7 =	smul.u32 @!p0 $0xF7A, s2;
	p2 =	seq.s32 @!p0 s5, $0x0  }
0x1f: {  	s9 =	smul.u32 $0xF7A, s1;
	s8 =	simm.s32 @!p0 $0x1BF5;
	p2 =	por !p2, p0  }
0x20: {  	[sflag:s8] =	ssyncset.s32 @!p0 $0xFFFFF086;
	s6 =	sadd.s32 @!p0 s3, s7;
	s7 =	simm.s32 @!p0 $0x108  }
0x21: {  	s3 =	sadd.s32 s3, s9;
	s6 =	sadd.s32 @!p0 $0x88, s6;
	s7 =	simm.s32 @p2 $0x1082  }
0x22: {  	[simem:s7], [sflag:s8] =	dma.local @!p0 [hbm:s6], $0xF7A  }
0x23: {  	s9 =	sor.u32 $0xD0000000, s2;
	s6 =	simm.s32 $0x108;
	_ =	swait.ge @!p0 [sflag:s8], $0x0  }
0x24: {  	s3 =	sadd.s32 $0x88, s3;
	s6 =	simm.s32 @!p1 $0x1082;
	[sflag:s4] =	ssyncset.s32 $0xFFFFF086  }
0x25: {  	[simem:s6], [sflag:s4] =	dma.local [hbm:s3], $0xF7A  }
0x26: {  	[smem:$0x3F9F] =	sst s1;
	(tag) =	ssettag s2;
	_ =	strace s9  }
0x27: {  	s1 =	sld [smem:$0x3FAF]  }
0x28: {  	s2 =	sld [smem:$0x3FB0]  }
0x29: {  	s4 =	sld [smem:$0x3FB2]  }
0x2a: {  	p0 =	seq.s32 s5, $0x0;
	s5 =	sld [smem:$0x3FB3]  }
0x2b: {  	s6 =	sld [smem:$0x3FB4]  }
0x2c: {  	s7 =	sld [smem:$0x3FB5]  }
0x2d: {  	s3 =	simm.s32 $0x108;
	s8 =	sld [smem:$0x3FB6]  }
0x2e: {  	s3 =	simm.s32 @!p0 $0x1082;
	s9 =	sld [smem:$0x3FB7]  }
0x2f: {  	lr =	sadd.s32 s0, s3;
	s0 =	sld [smem:$0x3FAE]  }
0x30: {  	s3 =	sld [smem:$0x3FB1]  }
0x31: {  	[smem:$0x3FBA] =	sst s10  }
0x32: {  	s10 =	sld [smem:$0x3FB8];
	_ =	sdelay $0x3  }
0x33: {  	p0 =	seq.s32 s10, $0x1;
	s10 =	sld [smem:$0x3FBA];
	_ =	sdelay $0x3  }
0x34: {  	[smem:$0x3FBA] =	sst s10  }
0x35: {  	s10 =	sld [smem:$0x3FB9];
	_ =	sdelay $0x3  }
0x36: {  	p1 =	seq.s32 s10, $0x1;
	s10 =	sld [smem:$0x3FBA];
	_ =	sdelay $0x3  }
0x37: {  	[smem:$0x3FBA] =	sst s10  }
0x38: {  	s10 =	sld [smem:$0x3FBB]  }
0x39: {  	_ = 	snop;
	(pc) =	sbr.ind lr, $3  }
0x3a: {  	_ = 	snop  }
0x3b: {  	_ = 	snop  }
0x3c: {  	p2 =	seq.s32 s10, $0x1;
	s10 =	sld [smem:$0x3FBA]  }
0x3d: {  	_ =	shalt  }
0x3e: {  	_ =	shalt  }
0x3f: {  	_ =	shalt  }
0x40: {  	_ =	shalt  }
0x41: {  	_ =	shalt  }
0x42: {  	_ =	shalt  }
0x43: {  	_ =	shalt  }
0x44: {  	_ =	shalt  }
0x45: {  	_ =	shalt  }
0x46: {  	_ =	shalt  }
0x47: {  	_ =	shalt  }
0x48: {  	_ =	shalt  }
0x49: {  	_ =	shalt  }
0x4a: {  	_ =	shalt  }
0x4b: {  	_ =	shalt  }
0x4c: {  	_ =	shalt  }
0x4d: {  	_ =	shalt  }
0x4e: {  	_ =	shalt  }
0x4f: {  	_ =	shalt  }
0x50: {  	_ =	shalt  }
0x51: {  	_ =	shalt  }
0x52: {  	_ =	shalt  }
0x53: {  	_ =	shalt  }
0x54: {  	_ =	shalt  }
0x55: {  	_ =	shalt  }
0x56: {  	_ =	shalt  }
0x57: {  	_ =	shalt  }
0x58: {  	_ =	shalt  }
0x59: {  	_ =	shalt  }
0x5a: {  	_ =	shalt  }
0x5b: {  	_ =	shalt  }
0x5c: {  	_ =	shalt  }
0x5d: {  	_ =	shalt  }
0x5e: {  	_ =	shalt  }
0x5f: {  	_ =	shalt  }
0x60: {  	_ =	shalt  }
0x61: {  	_ =	shalt  }
0x62: {  	_ =	shalt  }
0x63: {  	_ =	shalt  }
0x64: {  	_ =	shalt  }
0x65: {  	_ =	shalt  }
0x66: {  	_ =	shalt  }
0x67: {  	_ =	shalt  }
0x68: {  	_ =	shalt  }
0x69: {  	_ =	shalt  }
0x6a: {  	_ =	shalt  }
0x6b: {  	_ =	shalt  }
0x6c: {  	_ =	shalt  }
0x6d: {  	_ =	shalt  }
0x6e: {  	_ =	shalt  }
0x6f: {  	_ =	shalt  }
0x70: {  	_ =	shalt  }
0x71: {  	_ =	shalt  }
0x72: {  	_ =	shalt  }
0x73: {  	_ =	shalt  }
0x74: {  	_ =	shalt  }
0x75: {  	_ =	shalt  }
0x76: {  	_ =	shalt  }
0x77: {  	_ =	shalt  }
0x78: {  	_ =	shalt  }
0x79: {  	_ =	shalt  }
0x7a: {  	_ =	shalt  }
0x7b: {  	_ =	shalt  }
0x7c: {  	_ =	shalt  }
0x7d: {  	_ =	shalt  }
0x7e: {  	_ =	shalt  }
0x7f: {  	_ =	shalt  }
0x80: {  	_ =	shalt  }
0x81: {  	_ =	shalt  }
0x82: {  	_ =	shalt  }
0x83: {  	_ =	shalt  }
0x84: {  	_ =	shalt  }
0x85: {  	_ =	shalt  }
0x86: {  	_ =	shalt  }
0x87: {  	_ =	shalt  }
.Lfunc_end0:
.L_simem_size_0:
called_computation.5_lowered:
.L_overlay_start_0:
0x88: {  	s2 =	sld [smem:$0x3FD9]  }
0x89: {  	s3 =	sld [smem:$0x3FFE];
	_ =	sdelay $0x1  }
0x8a: {  	s1 =	srdreg.scid  }
0x8b: {  	s0 =	sand.u32 $0x1, s1  }
0x8c: {  	s17 =	sshll.u32 s0, $0xA;
	s2 =	sadd.s32 s3, s2  }
0x8d: {  	s2 =	sadd.s32 s2, s17  }
0x8e: {  	[smem:$0x3FC6] =	sst s2  }
0x8f: {  	_ = 	snop  }
0x90: {  	(tm) =	ssettm $0x1  }
0x91: {  	s18 =	sld [smem:$0x3FFB];
	_ =	sdelay $0x3  }
0x92: {  	_ =	strace s18  }
0x93: {  	s2 =	sld [smem:$0x3FFC];
	_ =	sdelay $0x3  }
0x94: {  	_ =	strace s2  }
0x95: {  	s2 =	sld [smem:$0x3FFD];
	_ =	sdelay $0x3  }
0x96: {  	_ =	strace s2  }
0x97: {  	_ =	strace $0x8FFFFFFF  }
0x98: {  	s19 =	sld [smem:$0x3FDB];
	_ =	sdelay $0x1  }
0x99: {  	s20 =	simm.s32 $_scs_section_size  }
0x9a: {  	s4 =	simm.s32 $_size__tile_overlayer_lowered;
	s5 =	simm.s32 $_tile_overlayer_lowered  }
0x9b: {  	s6 =	simm.s32 $0x1BFF;
	s21 =	sshll.u32 s5, $0x1;
	s3 =	sadd.s32 s20, s19  }
0x9c: {  	s22 =	simm.s32 $0x0;
	s4 =	sshll.u32 s4, $0x1;
	s5 =	sadd.s32 s21, s3  }
0x9d: {  	[timem:s22], [sflag:s6] =	dma.local [hbm:s5], s4  }
0x9e: {  	_ =	swait.ge [sflag:s6], s4  }
0x9f: {  	s4 =	ssub.s32 $0x0, s4;
	[sflag:s6] =	ssyncset.done $0x0  }
0xa0: {  	[sflag:s6] =	ssyncadd.s32 s4;
	_ =	sdelay $0x1  }
0xa1: {  	s23 =	simm.s32 $0x1B8B  }
0xa2: {  	_ =	swait.ge [sflag:s23], $0x1  }
0xa3: {  	[sflag:s23] =	ssyncset.done $0x0  }
0xa4: {  	[sflag:s23] =	ssyncadd.s32 $0xFFFFFFFF  }
0xa5: {  	s4 =	sld [smem:$0x0]  }
0xa6: {  	s5 =	sand.u32 $0xFFFFFFFE, s1  }
0xa7: {  	p0 =	sne.s32 s1, s5  }
0xa8: {  	s5 =	sshll.u32 @p0 s5, $0xE  }
0xa9: {  	s5 =	sadd.s32 @p0 $0x11B8D, s5;
	s6 =	sshll.u32 @p0 s4, $0x11  }
0xaa: {  	s5 =	sor.u32 @p0 s6, s5  }
0xab: {  	[sflag:s5] =	ssyncadd.remote.s32 @p0 $0x1;
	_ =	sdelay $0x1  }
0xac: {  	s5 =	simm.s32 @p0 $0x1B8D  }
0xad: {  	_ =	swait.eq @p0 [sflag:s5], $0x1  }
0xae: {  	[sflag:s5] =	ssyncadd.s32 @p0 $0xFFFFFFFF  }
0xaf: {  	s6 =	sshll.u32 @!p0 s1, $0xE  }
0xb0: {  	s6 =	sor.u32 @!p0 $0x4000, s6;
	s5 =	simm.s32 @!p0 $0x1B8D  }
0xb1: {  	s4 =	sshll.u32 @!p0 s4, $0x11;
	s6 =	sadd.s32 @!p0 $0x11B8D, s6;
	_ =	swait.eq @!p0 [sflag:s5], $0x1  }
0xb2: {  	s4 =	sor.u32 @!p0 s4, s6;
	[sflag:s5] =	ssyncadd.s32 @!p0 $0xFFFFFFFF  }
0xb3: {  	s25 =	simm.s32 $0x1B8E;
	s24 =	sld [smem:$0x3FFE];
	[sflag:s4] =	ssyncadd.remote.s32 @!p0 $0x1  }
0xb4: {  	s26 =	simm.s32 $execute0_lowered;
	[smem:$0x3FD2] =	sst s25  }
0xb5: {  	s5 =	sshll.u32 s26, $0x1;
	_ =	strace $0x8000005E;
	[dreg:$0x1] =	wrdreg $0xFFFFFFFF  }
0xb6: {  	s28 =	simm.s32 $_size_execute0_lowered;
	s3 =	sadd.s32 s3, s5;
	[dreg:$0x0] =	wrdreg $0x0  }
0xb7: {  	s5 =	sshll.u32 s28, $0x1;
	[dreg:$0x2] =	wrdreg s3  }
0xb8: {  	[dreg:$0x3] =	wrdreg s5  }
0xb9: {  	[dreg:$0x4] =	wrdreg $0xC0  }
0xba: {  	_ =	task [dreg:s22], $0x5FFFF  }
0xbb: {  	[dreg:$0x1] =	wrdreg $0xFFFFFFFF  }
0xbc: {  	[dreg:$0x0] =	wrdreg $0x60  }
0xbd: {  	[dreg:$0x2] =	wrdreg s24  }
0xbe: {  	[dreg:$0x3] =	wrdreg $0xB  }
0xbf: {  	_ =	task.clear_ibuf [dreg:s22], $0x4FFFF;
	_ =	strace $0x9000005E  }
0xc0: {  	s29 =	simm.s32 $0xB;
	_ =	strace $0x80000060  }
0xc1: {  	_ =	swait.ge [sflag:s29], $0x1  }
0xc2: {  	[sflag:s29] =	ssyncadd.s32 $0xFFFFFFFF  }
0xc3: {  	_ =	strace $0x90000060  }
0xc4: {  	_ =	sfence  }
0xc5: {  	s30 =	sld [smem:$0x0];
	_ =	sdelay $0x2  }
0xc6: {  	s31 =	sshll.u32 s1, $0xD;
	s1 =	sshrl.u32 s1, $0x2  }
0xc7: {  	s4 =	sand.u32 $0x4000, s31;
	s1 =	sadd.s32 s1, s30  }
0xc8: {  	s0 =	sor.u32 s4, s0;
	s1 =	sshll.u32 s1, $0x11  }
0xc9: {  	s0 =	sor.u32 s1, s0  }
0xca: {  	s0 =	sadd.s32 $0x8F2B, s0  }
0xcb: {  	[sflag:s0] =	ssyncadd.remote.s32 $0x1  }
0xcc: {  	_ =	sfence.sel $0xFFFF  }
0xcd: {  	[dreg:$0x0] =	wrdreg $0xFFFFFFFF;
	(pc) =	sbr.abs _section_cstart, $3  }
0xce: {  	[dreg:$0x1] =	wrdreg $0xFFFFFFFF  }
0xcf: {  	_ =	task.clear_ibuf [dreg:s22], $0x2FFFF;
	_ =	strace $0x9FFFFFFF  }
0xd0: {  	(tm) =	ssettm $0x7FFFFFFF  }
0xd1: {  	_ =	shalt  }
tec
execute0_lowered:
.L_overlay_start_1:
0x0: {  	(tag) =	ssettag $0x1  }
0x1: {  	s8 =	rddreg [dreg:$0x0]  }
0x2: {  	s0 =	rddreg [dreg:$0x1];
	_ =	strace $0x8000005F;
	s1 =	stileid.u32  }
0x3: {  	s3 =	srdreg.scid;
	s4 =	simm.s32 $0x1;
	s7 =	simm.s32 $0x1  }
0x4: {  	s9 =	simm.s32 $0x1;
	s10 =	simm.s32 $0x3;
	s13 =	simm.s32 $0x0  }
0x5: {  	s12 =	simm.s32 $0x0;
	s5 =	sand.u32 $0x1, s3;
	s6 =	sshll.u32 s1, $0x1  }
0x6: {  	s2 =	sadd.s32 $0x3E200, s8;
	s3 =	sadd.s32 $0x36400, s8;
	s5 =	sor.u32 s6, s5  }
.Ltmp0:
0x7: {  	[sflag:s4] =	ssyncpa.u1 $0x0;
	p0 =	slt.u32 s5, $0x19;
	(pc) =	sbr.rel .LBB2_1-.Ltmp0, $4  }
0x8: {  	s6 =	simm.s32 $0x2;
	s7 =	simm.s32 @!p0 $0x0;
	p0 =	sne.s32 s5, $0x18  }
0x9: {  	[sflag:s6] =	ssyncpa.u1 $0x0;
	s5 =	smul.u32 $0x700, s5;
	s9 =	simm.s32 @!p0 $0x0  }
0xa: {  	s8 =	sadd.s32 $0x54400, s8;
	[sflag:s10] =	ssyncpa.u1 $0x0;
	s7 =	sadd.s32 s9, s7  }
0xb: {  	vm0 =	vmmov $0xffff;
	s10 =	simm.s32 $0x0;
	s11 =	smov.u32 s5;
	s9 =	sadd.s32 $0x1, s7  }
.LBB2_4:
0xc: {  	v2 =	vnsel vm1, $0x0, v2  }
0xd: {  	vm1 =	vgt.s32 v0, $0x0;
	v2 =	vmin.u32 v2, $0xC7FF  }
0xe: {  	v0 =	vnsel vm1, $0x0, v0  }
0xf: {  	v0 =	vmin.u32 v0, $0xC7FF  }
0x10: {  	[tilespmem:s18], [sflag:$0x1] =	stream.indirect_vreg.gather [hbm4b:s2+s10], $0x1, v1, vm0, $0x4038;
	[tilespmem:$0x1C00] =	vst v63  }
0x11: {  	(ifvalue) =	ssetifvalue $0x7FFFFFFF  }
0x12: {  	[tilespmem:s15], [sflag:$0x1] =	stream.indirect_vreg.gather [hbm4b:s2+s10], $0x1, v2, vm0, $0x4038;
	[tilespmem:$0x1C00] =	vst v63  }
0x13: {  	s29 =	sadd.s32 $0x10, s15;
	(ifvalue) =	ssetifvalue $0x7FFFFFFF  }
0x14: {  	[tilespmem:s29], [sflag:$0x1] =	stream.indirect_vreg.gather [hbm4b:s2+s10], $0x1, v0, vm0, $0x4038;
	[tilespmem:$0x1C00] =	vst v63  }
0x15: {  	_ =	swait.ge [sflag:s4], $0x700  }
0x16: {  	s30 =	sshrl.u32 s13, $0x3;
	[sflag:s4] =	ssyncset.done $0x0  }
0x17: {  	s31 =	sand.u32 $0x7, s13;
	s15 =	sadd.s32 s8, s30;
	[sflag:s4] =	ssyncadd.s32 $0xFFFFF900  }
0x18: {  	[hbm4b:s15+s31] =	stream.linear.scatter [tilespmem:s14], [sflag:$0x3], $0x700, $0x38;
	[tilespmem:$0x1C00] =	vst v63  }
.LBB2_5:
0x19: {  	s15 =	sadd.s32 $0xE000, s11  }
0x1a: {  	p1 =	sgt.s32 s15, $0x187FF  }
0x1b: {  	s15 =	smov.u32 @p1 s5;
	p1 =	sne.s32 s12, s9  }
.Ltmp1:
0x1c: {  	p0 =	slt.u32 s12, $0x2;
	(pc) =	sbr.rel @!p1 .LBB2_6-.Ltmp1, $4  }
0x1d: {  	s14 =	simm.s32 @!p0 $0x3  }
0x1e: {  	_ =	swait.ge @!p0 [sflag:s14], $0x700  }
0x1f: {  	s16 =	sadd.s32 $0x1, s12;
	s13 =	smov.u32 s11;
	[sflag:s14] =	ssyncset.done @!p0 $0x0  }
0x20: {  	s12 =	smov.u32 s16;
	s11 =	smov.u32 s15;
	[sflag:s14] =	ssyncadd.s32 @!p0 $0xFFFFF900  }
.LBB2_1:
0x21: {  	p0 =	sge.u32 s12, s7  }
0x22: {  	s14 =	sxor.u32 @!p0 $0x1, s12  }
0x23: {  	s14 =	smul.u32 @!p0 $0x1C00, s14  }
0x24: {  	s31 =	sadd.s32 $0xFFFFFFFF, s12;
	s15 =	sshrl.u32 @!p0 s11, $0x3  }
0x25: {  	s16 =	sand.u32 @!p0 $0x7, s11;
	s15 =	sadd.s32 @!p0 s3, s15;
	s14 =	sshra.s32 @!p0 s14, $0x2  }
0x26: {  	[tilespmem:s14], [sflag:$0x2] =	stream.linear.gather @!p0 [hbm4b:s15+s16], $0x700, $0x38;
	[tilespmem:$0x1C00] =	vst v63  }
0x27: {  	p0 =	sge.u32 s31, s7  }
.Ltmp2:
0x28: {  	_ = 	snop;
	(pc) =	sbr.rel @p0 .LBB2_5-.Ltmp2, $1  }
0x29: {  	_ =	sdelay $0x3  }
0x2a: {  	s14 =	sand.u32 $0x1, s12  }
0x2b: {  	_ =	swait.ge [sflag:s6], $0x700;
	p0 =	seq.s32 s14, $0x1;
	s14 =	simm.s32 $0x700  }
0x2c: {  	[sflag:s6] =	ssyncset.done $0x0;
	s14 =	simm.s32 @!p0 $0x0  }
0x2d: {  	[sflag:s6] =	ssyncadd.s32 $0xFFFFF900;
	(ifvalue) =	ssetifvalue $0x7FFFFFFF;
	v0 =	vld.msk [tilespmem:s14+$0x0 ss:$0x1], $0xffff;
	_ =	sdelay $0x4  }
0x2e: {  	s15 =	sadd.s32 $0x10, s14;
	vm1 =	vgt.s32 v0, $0x0  }
0x2f: {  	v2 =	vld.msk [tilespmem:s15+$0x0 ss:$0x1], $0xffff;
	v1 =	vnsel vm1, $0x0, v0  }
0x30: {  	v1 =	vmin.u32 v1, $0xC7FF;
	_ =	sdelay $0x2  }
0x31: {  	s17 =	simm.s32 $0x20;
	s14 =	sadd.s32 $0xE00, s14;
	s16 =	sadd.s32 $0x10, s15  }
0x32: {  	s15 =	sadd.s32 $0x10, s14;
	s18 =	smov.u32 s14;
	v0 =	vld.msk [tilespmem:s16+$0x0 ss:$0x1], $0xffff;
	vm1 =	vgt.s32 v2, $0x0;
	(ifvalue) =	ssetifvalue $0x7FFFFFFF  }
.LBB2_3:
0x33: {  	[tilespmem:s18], [sflag:$0x1] =	stream.indirect_vreg.gather [hbm4b:s2+s10], $0x1, v1, vm0, $0x4038;
	[tilespmem:$0x1C00] =	vst v63  }
0x34: {  	s17 =	sadd.s32 $0x10, s17  }
0x35: {  	v2 =	vnsel vm1, $0x0, v2;
	p0 =	slt.u32 s17, $0x6F0  }
.Ltmp3:
0x36: {  	s18 =	smov.u32 s15;
	v1 =	vmin.u32 v2, $0xC7FF;
	(pc) =	sbr.rel @p0 .LBB2_3-.Ltmp3, $3  }
0x37: {  	_ =	sdelay $0x1  }
0x38: {  	s16 =	sadd.s32 $0x10, s16  }
0x39: {  	vm1 =	vgt.s32 v0, $0x0;
	s15 =	sadd.s32 $0x10, s15;
	v2 =	vmov v0;
	(ifvalue) =	ssetifvalue $0x7FFFFFFF;
	v0 =	vld.msk [tilespmem:s16+$0x0 ss:$0x1], $0xffff  }
.Ltmp4:
0x3a: {  	_ = 	snop;
	(pc) =	sbr.rel .LBB2_4-.Ltmp4, $1  }
0x3b: {  	_ =	sdelay $0x3  }
.LBB2_6:
0x3c: {  	_ =	sfence.sel $0x180000  }
0x3d: {  	s2 =	simm.s32 $0x2;
	[bflag:$0x0] =	sbarrier.arrive $0xFFFF  }
0x3e: {  	s30 =	simm.s32 $0x3;
	[sflag:s2] =	ssyncpa.u1 $0x1  }
0x3f: {  	s31 =	simm.s32 $0x1;
	[sflag:s30] =	ssyncpa.u1 $0x1  }
0x40: {  	[sflag:s31] =	ssyncpa.u1 $0x1  }
0x41: {  	p0 =	sne.s32 s1, $0x0;
	_ =	strace $0x9000005F  }
0x42: {  	s0 =	sadd.s32 @!p0 $0x100000, s0;
	[bflag:$0x2] =	sbarrier.arrive $0xFFFF  }
0x43: {  	[sflag:s0] =	ssyncadd.tile.s32 @!p0 $0x1;
	_ =	shalt  }
.Lfunc_end2:
_tile_overlayer_lowered:
.L_overlay_start_2:
0x44: {  	(tag) =	ssettag $0x2  }
0x45: {  	s0 =	rddreg [dreg:$0x0];
	s2 =	stileid.u32  }
0x46: {  	s1 =	rddreg [dreg:$0x1];
	p0 =	sne.s32 s2, $0x0  }
0x47: {  	s3 =	rddreg [dreg:$0x2];
	[bflag:$0x3] =	sbarrier.arrive $0xFFFF;
	s2 =	simm.s32 @!p0 $0x1C01  }
0x48: {  	[timem:s3], [sflag:s2] =	dma.local @!p0 [hbm:s0], s1  }
0x49: {  	s0 =	simm.s32 @!p0 $0x1  }
0x4a: {  	_ =	swait.ge @!p0 [sflag:s0], s1  }
0x4b: {  	s1 =	ssub.s32 @!p0 $0x0, s1;
	[sflag:s0] =	ssyncset.done @!p0 $0x0  }
0x4c: {  	[sflag:s0] =	ssyncadd.s32 @!p0 s1  }
0x4d: {  	[bflag:$0x3] =	sbarrier.arrive $0xFFFF  }
0x4e: {  	_ =	shalt  }

// kernel: gather_offload_async_start.6
scs
__scs_entry_jumppad:
0x0: {  	(pc) =	sbr.rel $0x88, $3  }
0x1: {  	(tag) =	ssettag $0x0;
	lr =	simm.s32 $0x1  }
0x2: {  	[smem:$0x3F9F] =	sst lr;
	_ =	strace $0xD0000000  }
0x3: {  	_ = 	snop  }
0x4: {  	_ = 	snop  }
0x5: {  	_ = 	snop  }
0x6: {  	_ = 	snop  }
0x7: {  	_ = 	snop  }
__scs_overlays_trampoline_lowered:
0x8: {  	[smem:$0x3FAE] =	sst s0  }
0x9: {  	[smem:$0x3FAF] =	sst s1  }
0xa: {  	[smem:$0x3FB0] =	sst s2  }
0xb: {  	[smem:$0x3FB1] =	sst s3  }
0xc: {  	[smem:$0x3FB2] =	sst s4  }
0xd: {  	[smem:$0x3FB3] =	sst s5  }
0xe: {  	[smem:$0x3FB4] =	sst s6  }
0xf: {  	[smem:$0x3FB5] =	sst s7  }
0x10: {  	[smem:$0x3FB6] =	sst s8  }
0x11: {  	[smem:$0x3FB7] =	sst s9;
	s0 =	simm.s32 @!p0 $0x0  }
0x12: {  	s1 =	sld [smem:$0x3F9D];
	s0 =	simm.s32 @p0 $0x1  }
0x13: {  	[smem:$0x3FB8] =	sst s0;
	s0 =	simm.s32 @!p1 $0x0  }
0x14: {  	s2 =	sld [smem:$0x3F9C];
	s0 =	simm.s32 @p1 $0x1  }
0x15: {  	[smem:$0x3FB9] =	sst s0;
	s0 =	simm.s32 @!p2 $0x0  }
0x16: {  	s3 =	sld [smem:$0x3FDB];
	s0 =	simm.s32 @p2 $0x1  }
0x17: {  	s4 =	simm.s32 $0x1BF5;
	[smem:$0x3FBB] =	sst s0  }
0x18: {  	s0 =	sld [smem:$0x3F9E];
	_ =	swait.ge [sflag:s4], $0x0  }
0x19: {  	s7 =	sld [smem:$0x3F9F]  }
0x1a: {  	s8 =	sadd.s32 $0xFFFFE003, lr  }
0x1b: {  	s9 =	sadd.s32 $0xFFFFFEF7, lr;
	s5 =	simm.s32 $0xFFFFFFFF;
	p2 =	slt.u32 s8, $0xFFFFF086  }
0x1c: {  	p1 =	slt.u32 s9, $0xF7A;
	s5 =	simm.s32 @!p2 $0x0  }
0x1d: {  	s5 =	simm.s32 @p1 $0x1;
	p0 =	seq.s32 s7, s2  }
0x1e: {  	s7 =	smul.u32 @!p0 $0xF7A, s2;
	p2 =	seq.s32 @!p0 s5, $0x0  }
0x1f: {  	s9 =	smul.u32 $0xF7A, s1;
	s8 =	simm.s32 @!p0 $0x1BF5;
	p2 =	por !p2, p0  }
0x20: {  	[sflag:s8] =	ssyncset.s32 @!p0 $0xFFFFF086;
	s6 =	sadd.s32 @!p0 s3, s7;
	s7 =	simm.s32 @!p0 $0x108  }
0x21: {  	s3 =	sadd.s32 s3, s9;
	s6 =	sadd.s32 @!p0 $0x88, s6;
	s7 =	simm.s32 @p2 $0x1082  }
0x22: {  	[simem:s7], [sflag:s8] =	dma.local @!p0 [hbm:s6], $0xF7A  }
0x23: {  	s9 =	sor.u32 $0xD0000000, s2;
	s6 =	simm.s32 $0x108;
	_ =	swait.ge @!p0 [sflag:s8], $0x0  }
0x24: {  	s3 =	sadd.s32 $0x88, s3;
	s6 =	simm.s32 @!p1 $0x1082;
	[sflag:s4] =	ssyncset.s32 $0xFFFFF086  }
0x25: {  	[simem:s6], [sflag:s4] =	dma.local [hbm:s3], $0xF7A  }
0x26: {  	[smem:$0x3F9F] =	sst s1;
	(tag) =	ssettag s2;
	_ =	strace s9  }
0x27: {  	s1 =	sld [smem:$0x3FAF]  }
0x28: {  	s2 =	sld [smem:$0x3FB0]  }
0x29: {  	s4 =	sld [smem:$0x3FB2]  }
0x2a: {  	p0 =	seq.s32 s5, $0x0;
	s5 =	sld [smem:$0x3FB3]  }
0x2b: {  	s6 =	sld [smem:$0x3FB4]  }
0x2c: {  	s7 =	sld [smem:$0x3FB5]  }
0x2d: {  	s3 =	simm.s32 $0x108;
	s8 =	sld [smem:$0x3FB6]  }
0x2e: {  	s3 =	simm.s32 @!p0 $0x1082;
	s9 =	sld [smem:$0x3FB7]  }
0x2f: {  	lr =	sadd.s32 s0, s3;
	s0 =	sld [smem:$0x3FAE]  }
0x30: {  	s3 =	sld [smem:$0x3FB1]  }
0x31: {  	[smem:$0x3FBA] =	sst s10  }
0x32: {  	s10 =	sld [smem:$0x3FB8];
	_ =	sdelay $0x3  }
0x33: {  	p0 =	seq.s32 s10, $0x1;
	s10 =	sld [smem:$0x3FBA];
	_ =	sdelay $0x3  }
0x34: {  	[smem:$0x3FBA] =	sst s10  }
0x35: {  	s10 =	sld [smem:$0x3FB9];
	_ =	sdelay $0x3  }
0x36: {  	p1 =	seq.s32 s10, $0x1;
	s10 =	sld [smem:$0x3FBA];
	_ =	sdelay $0x3  }
0x37: {  	[smem:$0x3FBA] =	sst s10  }
0x38: {  	s10 =	sld [smem:$0x3FBB]  }
0x39: {  	_ = 	snop;
	(pc) =	sbr.ind lr, $3  }
0x3a: {  	_ = 	snop  }
0x3b: {  	_ = 	snop  }
0x3c: {  	p2 =	seq.s32 s10, $0x1;
	s10 =	sld [smem:$0x3FBA]  }
0x3d: {  	_ =	shalt  }
0x3e: {  	_ =	shalt  }
0x3f: {  	_ =	shalt  }
0x40: {  	_ =	shalt  }
0x41: {  	_ =	shalt  }
0x42: {  	_ =	shalt  }
0x43: {  	_ =	shalt  }
0x44: {  	_ =	shalt  }
0x45: {  	_ =	shalt  }
0x46: {  	_ =	shalt  }
0x47: {  	_ =	shalt  }
0x48: {  	_ =	shalt  }
0x49: {  	_ =	shalt  }
0x4a: {  	_ =	shalt  }
0x4b: {  	_ =	shalt  }
0x4c: {  	_ =	shalt  }
0x4d: {  	_ =	shalt  }
0x4e: {  	_ =	shalt  }
0x4f: {  	_ =	shalt  }
0x50: {  	_ =	shalt  }
0x51: {  	_ =	shalt  }
0x52: {  	_ =	shalt  }
0x53: {  	_ =	shalt  }
0x54: {  	_ =	shalt  }
0x55: {  	_ =	shalt  }
0x56: {  	_ =	shalt  }
0x57: {  	_ =	shalt  }
0x58: {  	_ =	shalt  }
0x59: {  	_ =	shalt  }
0x5a: {  	_ =	shalt  }
0x5b: {  	_ =	shalt  }
0x5c: {  	_ =	shalt  }
0x5d: {  	_ =	shalt  }
0x5e: {  	_ =	shalt  }
0x5f: {  	_ =	shalt  }
0x60: {  	_ =	shalt  }
0x61: {  	_ =	shalt  }
0x62: {  	_ =	shalt  }
0x63: {  	_ =	shalt  }
0x64: {  	_ =	shalt  }
0x65: {  	_ =	shalt  }
0x66: {  	_ =	shalt  }
0x67: {  	_ =	shalt  }
0x68: {  	_ =	shalt  }
0x69: {  	_ =	shalt  }
0x6a: {  	_ =	shalt  }
0x6b: {  	_ =	shalt  }
0x6c: {  	_ =	shalt  }
0x6d: {  	_ =	shalt  }
0x6e: {  	_ =	shalt  }
0x6f: {  	_ =	shalt  }
0x70: {  	_ =	shalt  }
0x71: {  	_ =	shalt  }
0x72: {  	_ =	shalt  }
0x73: {  	_ =	shalt  }
0x74: {  	_ =	shalt  }
0x75: {  	_ =	shalt  }
0x76: {  	_ =	shalt  }
0x77: {  	_ =	shalt  }
0x78: {  	_ =	shalt  }
0x79: {  	_ =	shalt  }
0x7a: {  	_ =	shalt  }
0x7b: {  	_ =	shalt  }
0x7c: {  	_ =	shalt  }
0x7d: {  	_ =	shalt  }
0x7e: {  	_ =	shalt  }
0x7f: {  	_ =	shalt  }
0x80: {  	_ =	shalt  }
0x81: {  	_ =	shalt  }
0x82: {  	_ =	shalt  }
0x83: {  	_ =	shalt  }
0x84: {  	_ =	shalt  }
0x85: {  	_ =	shalt  }
0x86: {  	_ =	shalt  }
0x87: {  	_ =	shalt  }
.Lfunc_end0:
.L_simem_size_0:
called_computation.6_lowered:
.L_overlay_start_0:
0x88: {  	s2 =	sld [smem:$0x3FD9]  }
0x89: {  	s3 =	sld [smem:$0x3FFE];
	_ =	sdelay $0x1  }
0x8a: {  	s1 =	srdreg.scid  }
0x8b: {  	s0 =	sand.u32 $0x1, s1  }
0x8c: {  	s16 =	sshll.u32 s0, $0xA;
	s2 =	sadd.s32 s3, s2  }
0x8d: {  	s2 =	sadd.s32 s2, s16  }
0x8e: {  	[smem:$0x3FC6] =	sst s2  }
0x8f: {  	_ = 	snop  }
0x90: {  	(tm) =	ssettm $0x1  }
0x91: {  	s17 =	sld [smem:$0x3FFB];
	_ =	sdelay $0x3  }
0x92: {  	_ =	strace s17  }
0x93: {  	s2 =	sld [smem:$0x3FFC];
	_ =	sdelay $0x3  }
0x94: {  	_ =	strace s2  }
0x95: {  	s2 =	sld [smem:$0x3FFD];
	_ =	sdelay $0x3  }
0x96: {  	_ =	strace s2  }
0x97: {  	_ =	strace $0x8FFFFFFF  }
0x98: {  	s18 =	sld [smem:$0x3FDB];
	_ =	sdelay $0x1  }
0x99: {  	s19 =	simm.s32 $_scs_section_size  }
0x9a: {  	s4 =	simm.s32 $_size__tile_overlayer_lowered;
	s5 =	simm.s32 $_tile_overlayer_lowered  }
0x9b: {  	s22 =	simm.s32 $0x1BFF;
	s21 =	sshll.u32 s5, $0x1;
	s2 =	sadd.s32 s19, s18  }
0x9c: {  	s6 =	simm.s32 $0x0;
	s20 =	sshll.u32 s4, $0x1;
	s4 =	sadd.s32 s21, s2  }
0x9d: {  	[timem:s6], [sflag:s22] =	dma.local [hbm:s4], s20  }
0x9e: {  	_ =	swait.ge [sflag:s22], s20  }
0x9f: {  	s3 =	ssub.s32 $0x0, s20;
	[sflag:s22] =	ssyncset.done $0x0  }
0xa0: {  	[sflag:s22] =	ssyncadd.s32 s3;
	_ =	sdelay $0x1  }
0xa1: {  	s23 =	simm.s32 $0x1B8B  }
0xa2: {  	_ =	swait.ge [sflag:s23], $0x1  }
0xa3: {  	[sflag:s23] =	ssyncset.done $0x0  }
0xa4: {  	s25 =	simm.s32 $0x1B8E;
	s24 =	sld [smem:$0x3FFE];
	[sflag:s23] =	ssyncadd.s32 $0xFFFFFFFF  }
0xa5: {  	s26 =	simm.s32 $execute0_lowered;
	[smem:$0x3FD2] =	sst s25  }
0xa6: {  	s4 =	sshll.u32 s26, $0x1;
	_ =	strace $0x80000046;
	[dreg:$0x1] =	wrdreg $0xFFFFFFFF  }
0xa7: {  	s28 =	simm.s32 $_size_execute0_lowered;
	s2 =	sadd.s32 s2, s4;
	[dreg:$0x0] =	wrdreg $0x0  }
0xa8: {  	s4 =	sshll.u32 s28, $0x1;
	[dreg:$0x2] =	wrdreg s2  }
0xa9: {  	[dreg:$0x3] =	wrdreg s4  }
0xaa: {  	[dreg:$0x4] =	wrdreg $0xC0  }
0xab: {  	_ =	task [dreg:s6], $0x5FFFF  }
0xac: {  	[dreg:$0x1] =	wrdreg $0xFFFFFFFF  }
0xad: {  	[dreg:$0x0] =	wrdreg $0x60  }
0xae: {  	[dreg:$0x2] =	wrdreg s24  }
0xaf: {  	[dreg:$0x3] =	wrdreg $0xE  }
0xb0: {  	_ =	task.clear_ibuf [dreg:s6], $0x4FFFF;
	_ =	strace $0x90000046  }
0xb1: {  	s29 =	simm.s32 $0xE;
	_ =	strace $0x80000048  }
0xb2: {  	_ =	swait.ge [sflag:s29], $0x1  }
0xb3: {  	[sflag:s29] =	ssyncadd.s32 $0xFFFFFFFF  }
0xb4: {  	_ =	strace $0x90000048  }
0xb5: {  	_ =	sfence  }
0xb6: {  	s30 =	sld [smem:$0x0];
	_ =	sdelay $0x2  }
0xb7: {  	s31 =	sshll.u32 s1, $0xD;
	s1 =	sshrl.u32 s1, $0x2  }
0xb8: {  	s3 =	sand.u32 $0x4000, s31;
	s1 =	sadd.s32 s1, s30  }
0xb9: {  	s0 =	sor.u32 s3, s0;
	s1 =	sshll.u32 s1, $0x11  }
0xba: {  	s0 =	sor.u32 s1, s0  }
0xbb: {  	s0 =	sadd.s32 $0x8F2B, s0  }
0xbc: {  	[sflag:s0] =	ssyncadd.remote.s32 $0x1  }
0xbd: {  	_ =	sfence.sel $0xFFFF  }
0xbe: {  	[dreg:$0x0] =	wrdreg $0xFFFFFFFF;
	(pc) =	sbr.abs _section_cstart, $3  }
0xbf: {  	[dreg:$0x1] =	wrdreg $0xFFFFFFFF  }
0xc0: {  	_ =	task.clear_ibuf [dreg:s6], $0x2FFFF;
	_ =	strace $0x9FFFFFFF  }
0xc1: {  	(tm) =	ssettm $0x7FFFFFFF  }
tec
execute0_lowered:
.L_overlay_start_1:
0x0: {  	(tag) =	ssettag $0x1  }
0x1: {  	s8 =	rddreg [dreg:$0x0]  }
0x2: {  	s0 =	rddreg [dreg:$0x1];
	_ =	strace $0x80000047;
	s1 =	stileid.u32  }
0x3: {  	s3 =	srdreg.scid;
	s4 =	simm.s32 $0x1;
	s7 =	simm.s32 $0x1  }
0x4: {  	s9 =	simm.s32 $0x1;
	s10 =	simm.s32 $0x3;
	s13 =	simm.s32 $0x0  }
0x5: {  	s12 =	simm.s32 $0x0;
	s5 =	sand.u32 $0x1, s3;
	s6 =	sshll.u32 s1, $0x1  }
0x6: {  	s2 =	sadd.s32 $0x3C800, s8;
	s3 =	sadd.s32 $0x39600, s8;
	s5 =	sor.u32 s6, s5  }
.Ltmp0:
0x7: {  	[sflag:s4] =	ssyncpa.u1 $0x0;
	p0 =	slt.u32 s5, $0x19;
	(pc) =	sbr.rel .LBB2_1-.Ltmp0, $4  }
0x8: {  	s6 =	simm.s32 $0x2;
	s7 =	simm.s32 @!p0 $0x0;
	p0 =	sne.s32 s5, $0x18  }
0x9: {  	[sflag:s6] =	ssyncpa.u1 $0x0;
	s5 =	smul.u32 $0x700, s5;
	s9 =	simm.s32 @!p0 $0x0  }
0xa: {  	s8 =	sadd.s32 $0x41800, s8;
	[sflag:s10] =	ssyncpa.u1 $0x0;
	s7 =	sadd.s32 s9, s7  }
0xb: {  	vm0 =	vmmov $0xffff;
	s10 =	simm.s32 $0x0;
	s11 =	smov.u32 s5;
	s9 =	sadd.s32 $0x1, s7  }
.LBB2_4:
0xc: {  	v2 =	vnsel vm1, $0x0, v2  }
0xd: {  	vm1 =	vgt.s32 v0, $0x0;
	v2 =	vmin.u32 v2, $0xC7FF  }
0xe: {  	v0 =	vnsel vm1, $0x0, v0  }
0xf: {  	v0 =	vmin.u32 v0, $0xC7FF  }
0x10: {  	[tilespmem:s18], [sflag:$0x1] =	stream.indirect_vreg.gather [hbm4b:s2+s10], $0x1, v1, vm0, $0x4038;
	[tilespmem:$0x1C00] =	vst v63  }
0x11: {  	(ifvalue) =	ssetifvalue $0x7FFFFFFF  }
0x12: {  	[tilespmem:s15], [sflag:$0x1] =	stream.indirect_vreg.gather [hbm4b:s2+s10], $0x1, v2, vm0, $0x4038;
	[tilespmem:$0x1C00] =	vst v63  }
0x13: {  	s29 =	sadd.s32 $0x10, s15;
	(ifvalue) =	ssetifvalue $0x7FFFFFFF  }
0x14: {  	[tilespmem:s29], [sflag:$0x1] =	stream.indirect_vreg.gather [hbm4b:s2+s10], $0x1, v0, vm0, $0x4038;
	[tilespmem:$0x1C00] =	vst v63  }
0x15: {  	_ =	swait.ge [sflag:s4], $0x700  }
0x16: {  	s30 =	sshrl.u32 s13, $0x3;
	[sflag:s4] =	ssyncset.done $0x0  }
0x17: {  	s31 =	sand.u32 $0x7, s13;
	s15 =	sadd.s32 s8, s30;
	[sflag:s4] =	ssyncadd.s32 $0xFFFFF900  }
0x18: {  	[hbm4b:s15+s31] =	stream.linear.scatter [tilespmem:s14], [sflag:$0x3], $0x700, $0x38;
	[tilespmem:$0x1C00] =	vst v63  }
.LBB2_5:
0x19: {  	s15 =	sadd.s32 $0xE000, s11  }
0x1a: {  	p1 =	sgt.s32 s15, $0x187FF  }
0x1b: {  	s15 =	smov.u32 @p1 s5;
	p1 =	sne.s32 s12, s9  }
.Ltmp1:
0x1c: {  	p0 =	slt.u32 s12, $0x2;
	(pc) =	sbr.rel @!p1 .LBB2_6-.Ltmp1, $4  }
0x1d: {  	s14 =	simm.s32 @!p0 $0x3  }
0x1e: {  	_ =	swait.ge @!p0 [sflag:s14], $0x700  }
0x1f: {  	s16 =	sadd.s32 $0x1, s12;
	s13 =	smov.u32 s11;
	[sflag:s14] =	ssyncset.done @!p0 $0x0  }
0x20: {  	s12 =	smov.u32 s16;
	s11 =	smov.u32 s15;
	[sflag:s14] =	ssyncadd.s32 @!p0 $0xFFFFF900  }
.LBB2_1:
0x21: {  	p0 =	sge.u32 s12, s7  }
0x22: {  	s14 =	sxor.u32 @!p0 $0x1, s12  }
0x23: {  	s14 =	smul.u32 @!p0 $0x1C00, s14  }
0x24: {  	s31 =	sadd.s32 $0xFFFFFFFF, s12;
	s15 =	sshrl.u32 @!p0 s11, $0x3  }
0x25: {  	s16 =	sand.u32 @!p0 $0x7, s11;
	s15 =	sadd.s32 @!p0 s3, s15;
	s14 =	sshra.s32 @!p0 s14, $0x2  }
0x26: {  	[tilespmem:s14], [sflag:$0x2] =	stream.linear.gather @!p0 [hbm4b:s15+s16], $0x700, $0x38;
	[tilespmem:$0x1C00] =	vst v63  }
0x27: {  	p0 =	sge.u32 s31, s7  }
.Ltmp2:
0x28: {  	_ = 	snop;
	(pc) =	sbr.rel @p0 .LBB2_5-.Ltmp2, $1  }
0x29: {  	_ =	sdelay $0x3  }
0x2a: {  	s14 =	sand.u32 $0x1, s12  }
0x2b: {  	_ =	swait.ge [sflag:s6], $0x700;
	p0 =	seq.s32 s14, $0x1;
	s14 =	simm.s32 $0x700  }
0x2c: {  	[sflag:s6] =	ssyncset.done $0x0;
	s14 =	simm.s32 @!p0 $0x0  }
0x2d: {  	[sflag:s6] =	ssyncadd.s32 $0xFFFFF900;
	(ifvalue) =	ssetifvalue $0x7FFFFFFF;
	v0 =	vld.msk [tilespmem:s14+$0x0 ss:$0x1], $0xffff;
	_ =	sdelay $0x4  }
0x2e: {  	s15 =	sadd.s32 $0x10, s14;
	vm1 =	vgt.s32 v0, $0x0  }
0x2f: {  	v2 =	vld.msk [tilespmem:s15+$0x0 ss:$0x1], $0xffff;
	v1 =	vnsel vm1, $0x0, v0  }
0x30: {  	v1 =	vmin.u32 v1, $0xC7FF;
	_ =	sdelay $0x2  }
0x31: {  	s17 =	simm.s32 $0x20;
	s14 =	sadd.s32 $0xE00, s14;
	s16 =	sadd.s32 $0x10, s15  }
0x32: {  	s15 =	sadd.s32 $0x10, s14;
	s18 =	smov.u32 s14;
	v0 =	vld.msk [tilespmem:s16+$0x0 ss:$0x1], $0xffff;
	vm1 =	vgt.s32 v2, $0x0;
	(ifvalue) =	ssetifvalue $0x7FFFFFFF  }
.LBB2_3:
0x33: {  	[tilespmem:s18], [sflag:$0x1] =	stream.indirect_vreg.gather [hbm4b:s2+s10], $0x1, v1, vm0, $0x4038;
	[tilespmem:$0x1C00] =	vst v63  }
0x34: {  	s17 =	sadd.s32 $0x10, s17  }
0x35: {  	v2 =	vnsel vm1, $0x0, v2;
	p0 =	slt.u32 s17, $0x6F0  }
.Ltmp3:
0x36: {  	s18 =	smov.u32 s15;
	v1 =	vmin.u32 v2, $0xC7FF;
	(pc) =	sbr.rel @p0 .LBB2_3-.Ltmp3, $3  }
0x37: {  	_ =	sdelay $0x1  }
0x38: {  	s16 =	sadd.s32 $0x10, s16  }
0x39: {  	vm1 =	vgt.s32 v0, $0x0;
	s15 =	sadd.s32 $0x10, s15;
	v2 =	vmov v0;
	(ifvalue) =	ssetifvalue $0x7FFFFFFF;
	v0 =	vld.msk [tilespmem:s16+$0x0 ss:$0x1], $0xffff  }
.Ltmp4:
0x3a: {  	_ = 	snop;
	(pc) =	sbr.rel .LBB2_4-.Ltmp4, $1  }
0x3b: {  	_ =	sdelay $0x3  }
.LBB2_6:
0x3c: {  	_ =	sfence.sel $0x180000  }
0x3d: {  	s2 =	simm.s32 $0x2;
	[bflag:$0x0] =	sbarrier.arrive $0xFFFF  }
0x3e: {  	s30 =	simm.s32 $0x3;
	[sflag:s2] =	ssyncpa.u1 $0x1  }
0x3f: {  	s31 =	simm.s32 $0x1;
	[sflag:s30] =	ssyncpa.u1 $0x1  }
0x40: {  	[sflag:s31] =	ssyncpa.u1 $0x1  }
0x41: {  	p0 =	sne.s32 s1, $0x0;
	_ =	strace $0x90000047  }
0x42: {  	s0 =	sadd.s32 @!p0 $0x100000, s0;
	[bflag:$0x2] =	sbarrier.arrive $0xFFFF  }
0x43: {  	[sflag:s0] =	ssyncadd.tile.s32 @!p0 $0x1;
	_ =	shalt  }
.Lfunc_end2:
_tile_overlayer_lowered:
.L_overlay_start_2:
0x44: {  	(tag) =	ssettag $0x2  }
0x45: {  	s0 =	rddreg [dreg:$0x0];
	s2 =	stileid.u32  }
0x46: {  	s1 =	rddreg [dreg:$0x1];
	p0 =	sne.s32 s2, $0x0  }
0x47: {  	s3 =	rddreg [dreg:$0x2];
	[bflag:$0x3] =	sbarrier.arrive $0xFFFF;
	s2 =	simm.s32 @!p0 $0x1C01  }
0x48: {  	[timem:s3], [sflag:s2] =	dma.local @!p0 [hbm:s0], s1  }
0x49: {  	s0 =	simm.s32 @!p0 $0x1  }
0x4a: {  	_ =	swait.ge @!p0 [sflag:s0], s1  }
0x4b: {  	s1 =	ssub.s32 @!p0 $0x0, s1;
	[sflag:s0] =	ssyncset.done @!p0 $0x0  }
0x4c: {  	[sflag:s0] =	ssyncadd.s32 @!p0 s1  }
0x4d: {  	[bflag:$0x3] =	sbarrier.arrive $0xFFFF  }
0x4e: {  	_ =	shalt  }

// kernel: gather_offload_async_start.7
scs
__scs_entry_jumppad:
0x0: {  	(pc) =	sbr.rel $0x88, $3  }
0x1: {  	(tag) =	ssettag $0x0;
	lr =	simm.s32 $0x1  }
0x2: {  	[smem:$0x3F9F] =	sst lr;
	_ =	strace $0xD0000000  }
0x3: {  	_ = 	snop  }
0x4: {  	_ = 	snop  }
0x5: {  	_ = 	snop  }
0x6: {  	_ = 	snop  }
0x7: {  	_ = 	snop  }
__scs_overlays_trampoline_lowered:
0x8: {  	[smem:$0x3FAE] =	sst s0  }
0x9: {  	[smem:$0x3FAF] =	sst s1  }
0xa: {  	[smem:$0x3FB0] =	sst s2  }
0xb: {  	[smem:$0x3FB1] =	sst s3  }
0xc: {  	[smem:$0x3FB2] =	sst s4  }
0xd: {  	[smem:$0x3FB3] =	sst s5  }
0xe: {  	[smem:$0x3FB4] =	sst s6  }
0xf: {  	[smem:$0x3FB5] =	sst s7  }
0x10: {  	[smem:$0x3FB6] =	sst s8  }
0x11: {  	[smem:$0x3FB7] =	sst s9;
	s0 =	simm.s32 @!p0 $0x0  }
0x12: {  	s1 =	sld [smem:$0x3F9D];
	s0 =	simm.s32 @p0 $0x1  }
0x13: {  	[smem:$0x3FB8] =	sst s0;
	s0 =	simm.s32 @!p1 $0x0  }
0x14: {  	s2 =	sld [smem:$0x3F9C];
	s0 =	simm.s32 @p1 $0x1  }
0x15: {  	[smem:$0x3FB9] =	sst s0;
	s0 =	simm.s32 @!p2 $0x0  }
0x16: {  	s3 =	sld [smem:$0x3FDB];
	s0 =	simm.s32 @p2 $0x1  }
0x17: {  	s4 =	simm.s32 $0x1BF5;
	[smem:$0x3FBB] =	sst s0  }
0x18: {  	s0 =	sld [smem:$0x3F9E];
	_ =	swait.ge [sflag:s4], $0x0  }
0x19: {  	s7 =	sld [smem:$0x3F9F]  }
0x1a: {  	s8 =	sadd.s32 $0xFFFFE003, lr  }
0x1b: {  	s9 =	sadd.s32 $0xFFFFFEF7, lr;
	s5 =	simm.s32 $0xFFFFFFFF;
	p2 =	slt.u32 s8, $0xFFFFF086  }
0x1c: {  	p1 =	slt.u32 s9, $0xF7A;
	s5 =	simm.s32 @!p2 $0x0  }
0x1d: {  	s5 =	simm.s32 @p1 $0x1;
	p0 =	seq.s32 s7, s2  }
0x1e: {  	s7 =	smul.u32 @!p0 $0xF7A, s2;
	p2 =	seq.s32 @!p0 s5, $0x0  }
0x1f: {  	s9 =	smul.u32 $0xF7A, s1;
	s8 =	simm.s32 @!p0 $0x1BF5;
	p2 =	por !p2, p0  }
0x20: {  	[sflag:s8] =	ssyncset.s32 @!p0 $0xFFFFF086;
	s6 =	sadd.s32 @!p0 s3, s7;
	s7 =	simm.s32 @!p0 $0x108  }
0x21: {  	s3 =	sadd.s32 s3, s9;
	s6 =	sadd.s32 @!p0 $0x88, s6;
	s7 =	simm.s32 @p2 $0x1082  }
0x22: {  	[simem:s7], [sflag:s8] =	dma.local @!p0 [hbm:s6], $0xF7A  }
0x23: {  	s9 =	sor.u32 $0xD0000000, s2;
	s6 =	simm.s32 $0x108;
	_ =	swait.ge @!p0 [sflag:s8], $0x0  }
0x24: {  	s3 =	sadd.s32 $0x88, s3;
	s6 =	simm.s32 @!p1 $0x1082;
	[sflag:s4] =	ssyncset.s32 $0xFFFFF086  }
0x25: {  	[simem:s6], [sflag:s4] =	dma.local [hbm:s3], $0xF7A  }
0x26: {  	[smem:$0x3F9F] =	sst s1;
	(tag) =	ssettag s2;
	_ =	strace s9  }
0x27: {  	s1 =	sld [smem:$0x3FAF]  }
0x28: {  	s2 =	sld [smem:$0x3FB0]  }
0x29: {  	s4 =	sld [smem:$0x3FB2]  }
0x2a: {  	p0 =	seq.s32 s5, $0x0;
	s5 =	sld [smem:$0x3FB3]  }
0x2b: {  	s6 =	sld [smem:$0x3FB4]  }
0x2c: {  	s7 =	sld [smem:$0x3FB5]  }
0x2d: {  	s3 =	simm.s32 $0x108;
	s8 =	sld [smem:$0x3FB6]  }
0x2e: {  	s3 =	simm.s32 @!p0 $0x1082;
	s9 =	sld [smem:$0x3FB7]  }
0x2f: {  	lr =	sadd.s32 s0, s3;
	s0 =	sld [smem:$0x3FAE]  }
0x30: {  	s3 =	sld [smem:$0x3FB1]  }
0x31: {  	[smem:$0x3FBA] =	sst s10  }
0x32: {  	s10 =	sld [smem:$0x3FB8];
	_ =	sdelay $0x3  }
0x33: {  	p0 =	seq.s32 s10, $0x1;
	s10 =	sld [smem:$0x3FBA];
	_ =	sdelay $0x3  }
0x34: {  	[smem:$0x3FBA] =	sst s10  }
0x35: {  	s10 =	sld [smem:$0x3FB9];
	_ =	sdelay $0x3  }
0x36: {  	p1 =	seq.s32 s10, $0x1;
	s10 =	sld [smem:$0x3FBA];
	_ =	sdelay $0x3  }
0x37: {  	[smem:$0x3FBA] =	sst s10  }
0x38: {  	s10 =	sld [smem:$0x3FBB]  }
0x39: {  	_ = 	snop;
	(pc) =	sbr.ind lr, $3  }
0x3a: {  	_ = 	snop  }
0x3b: {  	_ = 	snop  }
0x3c: {  	p2 =	seq.s32 s10, $0x1;
	s10 =	sld [smem:$0x3FBA]  }
0x3d: {  	_ =	shalt  }
0x3e: {  	_ =	shalt  }
0x3f: {  	_ =	shalt  }
0x40: {  	_ =	shalt  }
0x41: {  	_ =	shalt  }
0x42: {  	_ =	shalt  }
0x43: {  	_ =	shalt  }
0x44: {  	_ =	shalt  }
0x45: {  	_ =	shalt  }
0x46: {  	_ =	shalt  }
0x47: {  	_ =	shalt  }
0x48: {  	_ =	shalt  }
0x49: {  	_ =	shalt  }
0x4a: {  	_ =	shalt  }
0x4b: {  	_ =	shalt  }
0x4c: {  	_ =	shalt  }
0x4d: {  	_ =	shalt  }
0x4e: {  	_ =	shalt  }
0x4f: {  	_ =	shalt  }
0x50: {  	_ =	shalt  }
0x51: {  	_ =	shalt  }
0x52: {  	_ =	shalt  }
0x53: {  	_ =	shalt  }
0x54: {  	_ =	shalt  }
0x55: {  	_ =	shalt  }
0x56: {  	_ =	shalt  }
0x57: {  	_ =	shalt  }
0x58: {  	_ =	shalt  }
0x59: {  	_ =	shalt  }
0x5a: {  	_ =	shalt  }
0x5b: {  	_ =	shalt  }
0x5c: {  	_ =	shalt  }
0x5d: {  	_ =	shalt  }
0x5e: {  	_ =	shalt  }
0x5f: {  	_ =	shalt  }
0x60: {  	_ =	shalt  }
0x61: {  	_ =	shalt  }
0x62: {  	_ =	shalt  }
0x63: {  	_ =	shalt  }
0x64: {  	_ =	shalt  }
0x65: {  	_ =	shalt  }
0x66: {  	_ =	shalt  }
0x67: {  	_ =	shalt  }
0x68: {  	_ =	shalt  }
0x69: {  	_ =	shalt  }
0x6a: {  	_ =	shalt  }
0x6b: {  	_ =	shalt  }
0x6c: {  	_ =	shalt  }
0x6d: {  	_ =	shalt  }
0x6e: {  	_ =	shalt  }
0x6f: {  	_ =	shalt  }
0x70: {  	_ =	shalt  }
0x71: {  	_ =	shalt  }
0x72: {  	_ =	shalt  }
0x73: {  	_ =	shalt  }
0x74: {  	_ =	shalt  }
0x75: {  	_ =	shalt  }
0x76: {  	_ =	shalt  }
0x77: {  	_ =	shalt  }
0x78: {  	_ =	shalt  }
0x79: {  	_ =	shalt  }
0x7a: {  	_ =	shalt  }
0x7b: {  	_ =	shalt  }
0x7c: {  	_ =	shalt  }
0x7d: {  	_ =	shalt  }
0x7e: {  	_ =	shalt  }
0x7f: {  	_ =	shalt  }
0x80: {  	_ =	shalt  }
0x81: {  	_ =	shalt  }
0x82: {  	_ =	shalt  }
0x83: {  	_ =	shalt  }
0x84: {  	_ =	shalt  }
0x85: {  	_ =	shalt  }
0x86: {  	_ =	shalt  }
0x87: {  	_ =	shalt  }
.Lfunc_end0:
.L_simem_size_0:
called_computation.7_lowered:
.L_overlay_start_0:
0x88: {  	s2 =	sld [smem:$0x3FD9]  }
0x89: {  	s3 =	sld [smem:$0x3FFE];
	_ =	sdelay $0x1  }
0x8a: {  	s1 =	srdreg.scid  }
0x8b: {  	s0 =	sand.u32 $0x1, s1  }
0x8c: {  	s17 =	sshll.u32 s0, $0xA;
	s2 =	sadd.s32 s3, s2  }
0x8d: {  	s2 =	sadd.s32 s2, s17  }
0x8e: {  	[smem:$0x3FC6] =	sst s2  }
0x8f: {  	_ = 	snop  }
0x90: {  	(tm) =	ssettm $0x1  }
0x91: {  	s18 =	sld [smem:$0x3FFB];
	_ =	sdelay $0x3  }
0x92: {  	_ =	strace s18  }
0x93: {  	s2 =	sld [smem:$0x3FFC];
	_ =	sdelay $0x3  }
0x94: {  	_ =	strace s2  }
0x95: {  	s2 =	sld [smem:$0x3FFD];
	_ =	sdelay $0x3  }
0x96: {  	_ =	strace s2  }
0x97: {  	_ =	strace $0x8FFFFFFF  }
0x98: {  	s19 =	sld [smem:$0x3FDB];
	_ =	sdelay $0x1  }
0x99: {  	s20 =	simm.s32 $_scs_section_size  }
0x9a: {  	s4 =	simm.s32 $_size__tile_overlayer_lowered;
	s5 =	simm.s32 $_tile_overlayer_lowered  }
0x9b: {  	s6 =	simm.s32 $0x1BFF;
	s21 =	sshll.u32 s5, $0x1;
	s3 =	sadd.s32 s20, s19  }
0x9c: {  	s22 =	simm.s32 $0x0;
	s4 =	sshll.u32 s4, $0x1;
	s5 =	sadd.s32 s21, s3  }
0x9d: {  	[timem:s22], [sflag:s6] =	dma.local [hbm:s5], s4  }
0x9e: {  	_ =	swait.ge [sflag:s6], s4  }
0x9f: {  	s4 =	ssub.s32 $0x0, s4;
	[sflag:s6] =	ssyncset.done $0x0  }
0xa0: {  	[sflag:s6] =	ssyncadd.s32 s4;
	_ =	sdelay $0x1  }
0xa1: {  	s23 =	simm.s32 $0x1B8B  }
0xa2: {  	_ =	swait.ge [sflag:s23], $0x1  }
0xa3: {  	[sflag:s23] =	ssyncset.done $0x0  }
0xa4: {  	[sflag:s23] =	ssyncadd.s32 $0xFFFFFFFF  }
0xa5: {  	s4 =	sld [smem:$0x0]  }
0xa6: {  	s5 =	sand.u32 $0xFFFFFFFE, s1  }
0xa7: {  	p0 =	sne.s32 s1, s5  }
0xa8: {  	s5 =	sshll.u32 @p0 s5, $0xE  }
0xa9: {  	s5 =	sadd.s32 @p0 $0x11B8D, s5;
	s6 =	sshll.u32 @p0 s4, $0x11  }
0xaa: {  	s5 =	sor.u32 @p0 s6, s5  }
0xab: {  	[sflag:s5] =	ssyncadd.remote.s32 @p0 $0x1;
	_ =	sdelay $0x1  }
0xac: {  	s5 =	simm.s32 @p0 $0x1B8D  }
0xad: {  	_ =	swait.eq @p0 [sflag:s5], $0x1  }
0xae: {  	[sflag:s5] =	ssyncadd.s32 @p0 $0xFFFFFFFF  }
0xaf: {  	s6 =	sshll.u32 @!p0 s1, $0xE  }
0xb0: {  	s6 =	sor.u32 @!p0 $0x4000, s6;
	s5 =	simm.s32 @!p0 $0x1B8D  }
0xb1: {  	s4 =	sshll.u32 @!p0 s4, $0x11;
	s6 =	sadd.s32 @!p0 $0x11B8D, s6;
	_ =	swait.eq @!p0 [sflag:s5], $0x1  }
0xb2: {  	s4 =	sor.u32 @!p0 s4, s6;
	[sflag:s5] =	ssyncadd.s32 @!p0 $0xFFFFFFFF  }
0xb3: {  	s25 =	simm.s32 $0x1B8E;
	s24 =	sld [smem:$0x3FFE];
	[sflag:s4] =	ssyncadd.remote.s32 @!p0 $0x1  }
0xb4: {  	s26 =	simm.s32 $execute0_lowered;
	[smem:$0x3FD2] =	sst s25  }
0xb5: {  	s5 =	sshll.u32 s26, $0x1;
	_ =	strace $0x8000004C;
	[dreg:$0x1] =	wrdreg $0xFFFFFFFF  }
0xb6: {  	s28 =	simm.s32 $_size_execute0_lowered;
	s3 =	sadd.s32 s3, s5;
	[dreg:$0x0] =	wrdreg $0x0  }
0xb7: {  	s5 =	sshll.u32 s28, $0x1;
	[dreg:$0x2] =	wrdreg s3  }
0xb8: {  	[dreg:$0x3] =	wrdreg s5  }
0xb9: {  	[dreg:$0x4] =	wrdreg $0xC0  }
0xba: {  	_ =	task [dreg:s22], $0x5FFFF  }
0xbb: {  	[dreg:$0x1] =	wrdreg $0xFFFFFFFF  }
0xbc: {  	[dreg:$0x0] =	wrdreg $0x60  }
0xbd: {  	[dreg:$0x2] =	wrdreg s24  }
0xbe: {  	[dreg:$0x3] =	wrdreg $0xF  }
0xbf: {  	_ =	task.clear_ibuf [dreg:s22], $0x4FFFF;
	_ =	strace $0x9000004C  }
0xc0: {  	s29 =	simm.s32 $0xF;
	_ =	strace $0x8000004E  }
0xc1: {  	_ =	swait.ge [sflag:s29], $0x1  }
0xc2: {  	[sflag:s29] =	ssyncadd.s32 $0xFFFFFFFF  }
0xc3: {  	_ =	strace $0x9000004E  }
0xc4: {  	_ =	sfence  }
0xc5: {  	s30 =	sld [smem:$0x0];
	_ =	sdelay $0x2  }
0xc6: {  	s31 =	sshll.u32 s1, $0xD;
	s1 =	sshrl.u32 s1, $0x2  }
0xc7: {  	s4 =	sand.u32 $0x4000, s31;
	s1 =	sadd.s32 s1, s30  }
0xc8: {  	s0 =	sor.u32 s4, s0;
	s1 =	sshll.u32 s1, $0x11  }
0xc9: {  	s0 =	sor.u32 s1, s0  }
0xca: {  	s0 =	sadd.s32 $0x8F2B, s0  }
0xcb: {  	[sflag:s0] =	ssyncadd.remote.s32 $0x1  }
0xcc: {  	_ =	sfence.sel $0xFFFF  }
0xcd: {  	[dreg:$0x0] =	wrdreg $0xFFFFFFFF;
	(pc) =	sbr.abs _section_cstart, $3  }
0xce: {  	[dreg:$0x1] =	wrdreg $0xFFFFFFFF  }
0xcf: {  	_ =	task.clear_ibuf [dreg:s22], $0x2FFFF;
	_ =	strace $0x9FFFFFFF  }
0xd0: {  	(tm) =	ssettm $0x7FFFFFFF  }
0xd1: {  	_ =	shalt  }
tec
execute0_lowered:
.L_overlay_start_1:
0x0: {  	(tag) =	ssettag $0x1  }
0x1: {  	s8 =	rddreg [dreg:$0x0]  }
0x2: {  	s0 =	rddreg [dreg:$0x1];
	_ =	strace $0x8000004D;
	s1 =	stileid.u32  }
0x3: {  	s3 =	srdreg.scid;
	s4 =	simm.s32 $0x1;
	s7 =	simm.s32 $0x1  }
0x4: {  	s9 =	simm.s32 $0x1;
	s10 =	simm.s32 $0x3;
	s13 =	simm.s32 $0x0  }
0x5: {  	s12 =	simm.s32 $0x0;
	s5 =	sand.u32 $0x1, s3;
	s6 =	sshll.u32 s1, $0x1  }
0x6: {  	s2 =	sadd.s32 $0x3FC00, s8;
	s3 =	sadd.s32 $0x39600, s8;
	s5 =	sor.u32 s6, s5  }
.Ltmp0:
0x7: {  	[sflag:s4] =	ssyncpa.u1 $0x0;
	p0 =	slt.u32 s5, $0x19;
	(pc) =	sbr.rel .LBB2_1-.Ltmp0, $4  }
0x8: {  	s6 =	simm.s32 $0x2;
	s7 =	simm.s32 @!p0 $0x0;
	p0 =	sne.s32 s5, $0x18  }
0x9: {  	[sflag:s6] =	ssyncpa.u1 $0x0;
	s5 =	smul.u32 $0x700, s5;
	s9 =	simm.s32 @!p0 $0x0  }
0xa: {  	s8 =	sadd.s32 $0x4AE00, s8;
	[sflag:s10] =	ssyncpa.u1 $0x0;
	s7 =	sadd.s32 s9, s7  }
0xb: {  	vm0 =	vmmov $0xffff;
	s10 =	simm.s32 $0x0;
	s11 =	smov.u32 s5;
	s9 =	sadd.s32 $0x1, s7  }
.LBB2_4:
0xc: {  	v2 =	vnsel vm1, $0x0, v2  }
0xd: {  	vm1 =	vgt.s32 v0, $0x0;
	v2 =	vmin.u32 v2, $0xC7FF  }
0xe: {  	v0 =	vnsel vm1, $0x0, v0  }
0xf: {  	v0 =	vmin.u32 v0, $0xC7FF  }
0x10: {  	[tilespmem:s18], [sflag:$0x1] =	stream.indirect_vreg.gather [hbm4b:s2+s10], $0x1, v1, vm0, $0x4038;
	[tilespmem:$0x1C00] =	vst v63  }
0x11: {  	(ifvalue) =	ssetifvalue $0x7FFFFFFF  }
0x12: {  	[tilespmem:s15], [sflag:$0x1] =	stream.indirect_vreg.gather [hbm4b:s2+s10], $0x1, v2, vm0, $0x4038;
	[tilespmem:$0x1C00] =	vst v63  }
0x13: {  	s29 =	sadd.s32 $0x10, s15;
	(ifvalue) =	ssetifvalue $0x7FFFFFFF  }
0x14: {  	[tilespmem:s29], [sflag:$0x1] =	stream.indirect_vreg.gather [hbm4b:s2+s10], $0x1, v0, vm0, $0x4038;
	[tilespmem:$0x1C00] =	vst v63  }
0x15: {  	_ =	swait.ge [sflag:s4], $0x700  }
0x16: {  	s30 =	sshrl.u32 s13, $0x3;
	[sflag:s4] =	ssyncset.done $0x0  }
0x17: {  	s31 =	sand.u32 $0x7, s13;
	s15 =	sadd.s32 s8, s30;
	[sflag:s4] =	ssyncadd.s32 $0xFFFFF900  }
0x18: {  	[hbm4b:s15+s31] =	stream.linear.scatter [tilespmem:s14], [sflag:$0x3], $0x700, $0x38;
	[tilespmem:$0x1C00] =	vst v63  }
.LBB2_5:
0x19: {  	s15 =	sadd.s32 $0xE000, s11  }
0x1a: {  	p1 =	sgt.s32 s15, $0x187FF  }
0x1b: {  	s15 =	smov.u32 @p1 s5;
	p1 =	sne.s32 s12, s9  }
.Ltmp1:
0x1c: {  	p0 =	slt.u32 s12, $0x2;
	(pc) =	sbr.rel @!p1 .LBB2_6-.Ltmp1, $4  }
0x1d: {  	s14 =	simm.s32 @!p0 $0x3  }
0x1e: {  	_ =	swait.ge @!p0 [sflag:s14], $0x700  }
0x1f: {  	s16 =	sadd.s32 $0x1, s12;
	s13 =	smov.u32 s11;
	[sflag:s14] =	ssyncset.done @!p0 $0x0  }
0x20: {  	s12 =	smov.u32 s16;
	s11 =	smov.u32 s15;
	[sflag:s14] =	ssyncadd.s32 @!p0 $0xFFFFF900  }
.LBB2_1:
0x21: {  	p0 =	sge.u32 s12, s7  }
0x22: {  	s14 =	sxor.u32 @!p0 $0x1, s12  }
0x23: {  	s14 =	smul.u32 @!p0 $0x1C00, s14  }
0x24: {  	s31 =	sadd.s32 $0xFFFFFFFF, s12;
	s15 =	sshrl.u32 @!p0 s11, $0x3  }
0x25: {  	s16 =	sand.u32 @!p0 $0x7, s11;
	s15 =	sadd.s32 @!p0 s3, s15;
	s14 =	sshra.s32 @!p0 s14, $0x2  }
0x26: {  	[tilespmem:s14], [sflag:$0x2] =	stream.linear.gather @!p0 [hbm4b:s15+s16], $0x700, $0x38;
	[tilespmem:$0x1C00] =	vst v63  }
0x27: {  	p0 =	sge.u32 s31, s7  }
.Ltmp2:
0x28: {  	_ = 	snop;
	(pc) =	sbr.rel @p0 .LBB2_5-.Ltmp2, $1  }
0x29: {  	_ =	sdelay $0x3  }
0x2a: {  	s14 =	sand.u32 $0x1, s12  }
0x2b: {  	_ =	swait.ge [sflag:s6], $0x700;
	p0 =	seq.s32 s14, $0x1;
	s14 =	simm.s32 $0x700  }
0x2c: {  	[sflag:s6] =	ssyncset.done $0x0;
	s14 =	simm.s32 @!p0 $0x0  }
0x2d: {  	[sflag:s6] =	ssyncadd.s32 $0xFFFFF900;
	(ifvalue) =	ssetifvalue $0x7FFFFFFF;
	v0 =	vld.msk [tilespmem:s14+$0x0 ss:$0x1], $0xffff;
	_ =	sdelay $0x4  }
0x2e: {  	s15 =	sadd.s32 $0x10, s14;
	vm1 =	vgt.s32 v0, $0x0  }
0x2f: {  	v2 =	vld.msk [tilespmem:s15+$0x0 ss:$0x1], $0xffff;
	v1 =	vnsel vm1, $0x0, v0  }
0x30: {  	v1 =	vmin.u32 v1, $0xC7FF;
	_ =	sdelay $0x2  }
0x31: {  	s17 =	simm.s32 $0x20;
	s14 =	sadd.s32 $0xE00, s14;
	s16 =	sadd.s32 $0x10, s15  }
0x32: {  	s15 =	sadd.s32 $0x10, s14;
	s18 =	smov.u32 s14;
	v0 =	vld.msk [tilespmem:s16+$0x0 ss:$0x1], $0xffff;
	vm1 =	vgt.s32 v2, $0x0;
	(ifvalue) =	ssetifvalue $0x7FFFFFFF  }
.LBB2_3:
0x33: {  	[tilespmem:s18], [sflag:$0x1] =	stream.indirect_vreg.gather [hbm4b:s2+s10], $0x1, v1, vm0, $0x4038;
	[tilespmem:$0x1C00] =	vst v63  }
0x34: {  	s17 =	sadd.s32 $0x10, s17  }
0x35: {  	v2 =	vnsel vm1, $0x0, v2;
	p0 =	slt.u32 s17, $0x6F0  }
.Ltmp3:
0x36: {  	s18 =	smov.u32 s15;
	v1 =	vmin.u32 v2, $0xC7FF;
	(pc) =	sbr.rel @p0 .LBB2_3-.Ltmp3, $3  }
0x37: {  	_ =	sdelay $0x1  }
0x38: {  	s16 =	sadd.s32 $0x10, s16  }
0x39: {  	vm1 =	vgt.s32 v0, $0x0;
	s15 =	sadd.s32 $0x10, s15;
	v2 =	vmov v0;
	(ifvalue) =	ssetifvalue $0x7FFFFFFF;
	v0 =	vld.msk [tilespmem:s16+$0x0 ss:$0x1], $0xffff  }
.Ltmp4:
0x3a: {  	_ = 	snop;
	(pc) =	sbr.rel .LBB2_4-.Ltmp4, $1  }
0x3b: {  	_ =	sdelay $0x3  }
.LBB2_6:
0x3c: {  	_ =	sfence.sel $0x180000  }
0x3d: {  	s2 =	simm.s32 $0x2;
	[bflag:$0x0] =	sbarrier.arrive $0xFFFF  }
0x3e: {  	s30 =	simm.s32 $0x3;
	[sflag:s2] =	ssyncpa.u1 $0x1  }
0x3f: {  	s31 =	simm.s32 $0x1;
	[sflag:s30] =	ssyncpa.u1 $0x1  }
0x40: {  	[sflag:s31] =	ssyncpa.u1 $0x1  }
0x41: {  	p0 =	sne.s32 s1, $0x0;
	_ =	strace $0x9000004D  }
0x42: {  	s0 =	sadd.s32 @!p0 $0x100000, s0;
	[bflag:$0x2] =	sbarrier.arrive $0xFFFF  }
0x43: {  	[sflag:s0] =	ssyncadd.tile.s32 @!p0 $0x1;
	_ =	shalt  }
.Lfunc_end2:
_tile_overlayer_lowered:
.L_overlay_start_2:
0x44: {  	(tag) =	ssettag $0x2  }
0x45: {  	s0 =	rddreg [dreg:$0x0];
	s2 =	stileid.u32  }
0x46: {  	s1 =	rddreg [dreg:$0x1];
	p0 =	sne.s32 s2, $0x0  }
0x47: {  	s3 =	rddreg [dreg:$0x2];
	[bflag:$0x3] =	sbarrier.arrive $0xFFFF;
	s2 =	simm.s32 @!p0 $0x1C01  }
0x48: {  	[timem:s3], [sflag:s2] =	dma.local @!p0 [hbm:s0], s1  }
0x49: {  	s0 =	simm.s32 @!p0 $0x1  }
0x4a: {  	_ =	swait.ge @!p0 [sflag:s0], s1  }
0x4b: {  	s1 =	ssub.s32 @!p0 $0x0, s1;
	[sflag:s0] =	ssyncset.done @!p0 $0x0  }
0x4c: {  	[sflag:s0] =	ssyncadd.s32 @!p0 s1  }
0x4d: {  	[bflag:$0x3] =	sbarrier.arrive $0xFFFF  }
0x4e: {  	_ =	shalt  }

// kernel: gather_offload_async_start.8
scs
__scs_entry_jumppad:
0x0: {  	(pc) =	sbr.rel $0x88, $3  }
0x1: {  	(tag) =	ssettag $0x0;
	lr =	simm.s32 $0x1  }
0x2: {  	[smem:$0x3F9F] =	sst lr;
	_ =	strace $0xD0000000  }
0x3: {  	_ = 	snop  }
0x4: {  	_ = 	snop  }
0x5: {  	_ = 	snop  }
0x6: {  	_ = 	snop  }
0x7: {  	_ = 	snop  }
__scs_overlays_trampoline_lowered:
0x8: {  	[smem:$0x3FAE] =	sst s0  }
0x9: {  	[smem:$0x3FAF] =	sst s1  }
0xa: {  	[smem:$0x3FB0] =	sst s2  }
0xb: {  	[smem:$0x3FB1] =	sst s3  }
0xc: {  	[smem:$0x3FB2] =	sst s4  }
0xd: {  	[smem:$0x3FB3] =	sst s5  }
0xe: {  	[smem:$0x3FB4] =	sst s6  }
0xf: {  	[smem:$0x3FB5] =	sst s7  }
0x10: {  	[smem:$0x3FB6] =	sst s8  }
0x11: {  	[smem:$0x3FB7] =	sst s9;
	s0 =	simm.s32 @!p0 $0x0  }
0x12: {  	s1 =	sld [smem:$0x3F9D];
	s0 =	simm.s32 @p0 $0x1  }
0x13: {  	[smem:$0x3FB8] =	sst s0;
	s0 =	simm.s32 @!p1 $0x0  }
0x14: {  	s2 =	sld [smem:$0x3F9C];
	s0 =	simm.s32 @p1 $0x1  }
0x15: {  	[smem:$0x3FB9] =	sst s0;
	s0 =	simm.s32 @!p2 $0x0  }
0x16: {  	s3 =	sld [smem:$0x3FDB];
	s0 =	simm.s32 @p2 $0x1  }
0x17: {  	s4 =	simm.s32 $0x1BF5;
	[smem:$0x3FBB] =	sst s0  }
0x18: {  	s0 =	sld [smem:$0x3F9E];
	_ =	swait.ge [sflag:s4], $0x0  }
0x19: {  	s7 =	sld [smem:$0x3F9F]  }
0x1a: {  	s8 =	sadd.s32 $0xFFFFE003, lr  }
0x1b: {  	s9 =	sadd.s32 $0xFFFFFEF7, lr;
	s5 =	simm.s32 $0xFFFFFFFF;
	p2 =	slt.u32 s8, $0xFFFFF086  }
0x1c: {  	p1 =	slt.u32 s9, $0xF7A;
	s5 =	simm.s32 @!p2 $0x0  }
0x1d: {  	s5 =	simm.s32 @p1 $0x1;
	p0 =	seq.s32 s7, s2  }
0x1e: {  	s7 =	smul.u32 @!p0 $0xF7A, s2;
	p2 =	seq.s32 @!p0 s5, $0x0  }
0x1f: {  	s9 =	smul.u32 $0xF7A, s1;
	s8 =	simm.s32 @!p0 $0x1BF5;
	p2 =	por !p2, p0  }
0x20: {  	[sflag:s8] =	ssyncset.s32 @!p0 $0xFFFFF086;
	s6 =	sadd.s32 @!p0 s3, s7;
	s7 =	simm.s32 @!p0 $0x108  }
0x21: {  	s3 =	sadd.s32 s3, s9;
	s6 =	sadd.s32 @!p0 $0x88, s6;
	s7 =	simm.s32 @p2 $0x1082  }
0x22: {  	[simem:s7], [sflag:s8] =	dma.local @!p0 [hbm:s6], $0xF7A  }
0x23: {  	s9 =	sor.u32 $0xD0000000, s2;
	s6 =	simm.s32 $0x108;
	_ =	swait.ge @!p0 [sflag:s8], $0x0  }
0x24: {  	s3 =	sadd.s32 $0x88, s3;
	s6 =	simm.s32 @!p1 $0x1082;
	[sflag:s4] =	ssyncset.s32 $0xFFFFF086  }
0x25: {  	[simem:s6], [sflag:s4] =	dma.local [hbm:s3], $0xF7A  }
0x26: {  	[smem:$0x3F9F] =	sst s1;
	(tag) =	ssettag s2;
	_ =	strace s9  }
0x27: {  	s1 =	sld [smem:$0x3FAF]  }
0x28: {  	s2 =	sld [smem:$0x3FB0]  }
0x29: {  	s4 =	sld [smem:$0x3FB2]  }
0x2a: {  	p0 =	seq.s32 s5, $0x0;
	s5 =	sld [smem:$0x3FB3]  }
0x2b: {  	s6 =	sld [smem:$0x3FB4]  }
0x2c: {  	s7 =	sld [smem:$0x3FB5]  }
0x2d: {  	s3 =	simm.s32 $0x108;
	s8 =	sld [smem:$0x3FB6]  }
0x2e: {  	s3 =	simm.s32 @!p0 $0x1082;
	s9 =	sld [smem:$0x3FB7]  }
0x2f: {  	lr =	sadd.s32 s0, s3;
	s0 =	sld [smem:$0x3FAE]  }
0x30: {  	s3 =	sld [smem:$0x3FB1]  }
0x31: {  	[smem:$0x3FBA] =	sst s10  }
0x32: {  	s10 =	sld [smem:$0x3FB8];
	_ =	sdelay $0x3  }
0x33: {  	p0 =	seq.s32 s10, $0x1;
	s10 =	sld [smem:$0x3FBA];
	_ =	sdelay $0x3  }
0x34: {  	[smem:$0x3FBA] =	sst s10  }
0x35: {  	s10 =	sld [smem:$0x3FB9];
	_ =	sdelay $0x3  }
0x36: {  	p1 =	seq.s32 s10, $0x1;
	s10 =	sld [smem:$0x3FBA];
	_ =	sdelay $0x3  }
0x37: {  	[smem:$0x3FBA] =	sst s10  }
0x38: {  	s10 =	sld [smem:$0x3FBB]  }
0x39: {  	_ = 	snop;
	(pc) =	sbr.ind lr, $3  }
0x3a: {  	_ = 	snop  }
0x3b: {  	_ = 	snop  }
0x3c: {  	p2 =	seq.s32 s10, $0x1;
	s10 =	sld [smem:$0x3FBA]  }
0x3d: {  	_ =	shalt  }
0x3e: {  	_ =	shalt  }
0x3f: {  	_ =	shalt  }
0x40: {  	_ =	shalt  }
0x41: {  	_ =	shalt  }
0x42: {  	_ =	shalt  }
0x43: {  	_ =	shalt  }
0x44: {  	_ =	shalt  }
0x45: {  	_ =	shalt  }
0x46: {  	_ =	shalt  }
0x47: {  	_ =	shalt  }
0x48: {  	_ =	shalt  }
0x49: {  	_ =	shalt  }
0x4a: {  	_ =	shalt  }
0x4b: {  	_ =	shalt  }
0x4c: {  	_ =	shalt  }
0x4d: {  	_ =	shalt  }
0x4e: {  	_ =	shalt  }
0x4f: {  	_ =	shalt  }
0x50: {  	_ =	shalt  }
0x51: {  	_ =	shalt  }
0x52: {  	_ =	shalt  }
0x53: {  	_ =	shalt  }
0x54: {  	_ =	shalt  }
0x55: {  	_ =	shalt  }
0x56: {  	_ =	shalt  }
0x57: {  	_ =	shalt  }
0x58: {  	_ =	shalt  }
0x59: {  	_ =	shalt  }
0x5a: {  	_ =	shalt  }
0x5b: {  	_ =	shalt  }
0x5c: {  	_ =	shalt  }
0x5d: {  	_ =	shalt  }
0x5e: {  	_ =	shalt  }
0x5f: {  	_ =	shalt  }
0x60: {  	_ =	shalt  }
0x61: {  	_ =	shalt  }
0x62: {  	_ =	shalt  }
0x63: {  	_ =	shalt  }
0x64: {  	_ =	shalt  }
0x65: {  	_ =	shalt  }
0x66: {  	_ =	shalt  }
0x67: {  	_ =	shalt  }
0x68: {  	_ =	shalt  }
0x69: {  	_ =	shalt  }
0x6a: {  	_ =	shalt  }
0x6b: {  	_ =	shalt  }
0x6c: {  	_ =	shalt  }
0x6d: {  	_ =	shalt  }
0x6e: {  	_ =	shalt  }
0x6f: {  	_ =	shalt  }
0x70: {  	_ =	shalt  }
0x71: {  	_ =	shalt  }
0x72: {  	_ =	shalt  }
0x73: {  	_ =	shalt  }
0x74: {  	_ =	shalt  }
0x75: {  	_ =	shalt  }
0x76: {  	_ =	shalt  }
0x77: {  	_ =	shalt  }
0x78: {  	_ =	shalt  }
0x79: {  	_ =	shalt  }
0x7a: {  	_ =	shalt  }
0x7b: {  	_ =	shalt  }
0x7c: {  	_ =	shalt  }
0x7d: {  	_ =	shalt  }
0x7e: {  	_ =	shalt  }
0x7f: {  	_ =	shalt  }
0x80: {  	_ =	shalt  }
0x81: {  	_ =	shalt  }
0x82: {  	_ =	shalt  }
0x83: {  	_ =	shalt  }
0x84: {  	_ =	shalt  }
0x85: {  	_ =	shalt  }
0x86: {  	_ =	shalt  }
0x87: {  	_ =	shalt  }
.Lfunc_end0:
.L_simem_size_0:
called_computation.8_lowered:
.L_overlay_start_0:
0x88: {  	s2 =	sld [smem:$0x3FD9]  }
0x89: {  	s3 =	sld [smem:$0x3FFE];
	_ =	sdelay $0x1  }
0x8a: {  	s1 =	srdreg.scid  }
0x8b: {  	s0 =	sand.u32 $0x1, s1  }
0x8c: {  	s17 =	sshll.u32 s0, $0xA;
	s2 =	sadd.s32 s3, s2  }
0x8d: {  	s2 =	sadd.s32 s2, s17  }
0x8e: {  	[smem:$0x3FC6] =	sst s2  }
0x8f: {  	_ = 	snop  }
0x90: {  	(tm) =	ssettm $0x1  }
0x91: {  	s18 =	sld [smem:$0x3FFB];
	_ =	sdelay $0x3  }
0x92: {  	_ =	strace s18  }
0x93: {  	s2 =	sld [smem:$0x3FFC];
	_ =	sdelay $0x3  }
0x94: {  	_ =	strace s2  }
0x95: {  	s2 =	sld [smem:$0x3FFD];
	_ =	sdelay $0x3  }
0x96: {  	_ =	strace s2  }
0x97: {  	_ =	strace $0x8FFFFFFF  }
0x98: {  	s19 =	sld [smem:$0x3FDB];
	_ =	sdelay $0x1  }
0x99: {  	s20 =	simm.s32 $_scs_section_size  }
0x9a: {  	s4 =	simm.s32 $_size__tile_overlayer_lowered;
	s5 =	simm.s32 $_tile_overlayer_lowered  }
0x9b: {  	s6 =	simm.s32 $0x1BFF;
	s21 =	sshll.u32 s5, $0x1;
	s3 =	sadd.s32 s20, s19  }
0x9c: {  	s22 =	simm.s32 $0x0;
	s4 =	sshll.u32 s4, $0x1;
	s5 =	sadd.s32 s21, s3  }
0x9d: {  	[timem:s22], [sflag:s6] =	dma.local [hbm:s5], s4  }
0x9e: {  	_ =	swait.ge [sflag:s6], s4  }
0x9f: {  	s4 =	ssub.s32 $0x0, s4;
	[sflag:s6] =	ssyncset.done $0x0  }
0xa0: {  	[sflag:s6] =	ssyncadd.s32 s4;
	_ =	sdelay $0x1  }
0xa1: {  	s23 =	simm.s32 $0x1B8B  }
0xa2: {  	_ =	swait.ge [sflag:s23], $0x1  }
0xa3: {  	[sflag:s23] =	ssyncset.done $0x0  }
0xa4: {  	[sflag:s23] =	ssyncadd.s32 $0xFFFFFFFF  }
0xa5: {  	s4 =	sld [smem:$0x0]  }
0xa6: {  	s5 =	sand.u32 $0xFFFFFFFE, s1  }
0xa7: {  	p0 =	sne.s32 s1, s5  }
0xa8: {  	s5 =	sshll.u32 @p0 s5, $0xE  }
0xa9: {  	s5 =	sadd.s32 @p0 $0x11B8D, s5;
	s6 =	sshll.u32 @p0 s4, $0x11  }
0xaa: {  	s5 =	sor.u32 @p0 s6, s5  }
0xab: {  	[sflag:s5] =	ssyncadd.remote.s32 @p0 $0x1;
	_ =	sdelay $0x1  }
0xac: {  	s5 =	simm.s32 @p0 $0x1B8D  }
0xad: {  	_ =	swait.eq @p0 [sflag:s5], $0x1  }
0xae: {  	[sflag:s5] =	ssyncadd.s32 @p0 $0xFFFFFFFF  }
0xaf: {  	s6 =	sshll.u32 @!p0 s1, $0xE  }
0xb0: {  	s6 =	sor.u32 @!p0 $0x4000, s6;
	s5 =	simm.s32 @!p0 $0x1B8D  }
0xb1: {  	s4 =	sshll.u32 @!p0 s4, $0x11;
	s6 =	sadd.s32 @!p0 $0x11B8D, s6;
	_ =	swait.eq @!p0 [sflag:s5], $0x1  }
0xb2: {  	s4 =	sor.u32 @!p0 s4, s6;
	[sflag:s5] =	ssyncadd.s32 @!p0 $0xFFFFFFFF  }
0xb3: {  	s25 =	simm.s32 $0x1B8E;
	s24 =	sld [smem:$0x3FFE];
	[sflag:s4] =	ssyncadd.remote.s32 @!p0 $0x1  }
0xb4: {  	s26 =	simm.s32 $execute0_lowered;
	[smem:$0x3FD2] =	sst s25  }
0xb5: {  	s5 =	sshll.u32 s26, $0x1;
	_ =	strace $0x80000049;
	[dreg:$0x1] =	wrdreg $0xFFFFFFFF  }
0xb6: {  	s28 =	simm.s32 $_size_execute0_lowered;
	s3 =	sadd.s32 s3, s5;
	[dreg:$0x0] =	wrdreg $0x0  }
0xb7: {  	s5 =	sshll.u32 s28, $0x1;
	[dreg:$0x2] =	wrdreg s3  }
0xb8: {  	[dreg:$0x3] =	wrdreg s5  }
0xb9: {  	[dreg:$0x4] =	wrdreg $0xC0  }
0xba: {  	_ =	task [dreg:s22], $0x5FFFF  }
0xbb: {  	[dreg:$0x1] =	wrdreg $0xFFFFFFFF  }
0xbc: {  	[dreg:$0x0] =	wrdreg $0x60  }
0xbd: {  	[dreg:$0x2] =	wrdreg s24  }
0xbe: {  	[dreg:$0x3] =	wrdreg $0x10  }
0xbf: {  	_ =	task.clear_ibuf [dreg:s22], $0x4FFFF;
	_ =	strace $0x90000049  }
0xc0: {  	s29 =	simm.s32 $0x10;
	_ =	strace $0x8000004B  }
0xc1: {  	_ =	swait.ge [sflag:s29], $0x1  }
0xc2: {  	[sflag:s29] =	ssyncadd.s32 $0xFFFFFFFF  }
0xc3: {  	_ =	strace $0x9000004B  }
0xc4: {  	_ =	sfence  }
0xc5: {  	s30 =	sld [smem:$0x0];
	_ =	sdelay $0x2  }
0xc6: {  	s31 =	sshll.u32 s1, $0xD;
	s1 =	sshrl.u32 s1, $0x2  }
0xc7: {  	s4 =	sand.u32 $0x4000, s31;
	s1 =	sadd.s32 s1, s30  }
0xc8: {  	s0 =	sor.u32 s4, s0;
	s1 =	sshll.u32 s1, $0x11  }
0xc9: {  	s0 =	sor.u32 s1, s0  }
0xca: {  	s0 =	sadd.s32 $0x8F2B, s0  }
0xcb: {  	[sflag:s0] =	ssyncadd.remote.s32 $0x1  }
0xcc: {  	_ =	sfence.sel $0xFFFF  }
0xcd: {  	[dreg:$0x0] =	wrdreg $0xFFFFFFFF;
	(pc) =	sbr.abs _section_cstart, $3  }
0xce: {  	[dreg:$0x1] =	wrdreg $0xFFFFFFFF  }
0xcf: {  	_ =	task.clear_ibuf [dreg:s22], $0x2FFFF;
	_ =	strace $0x9FFFFFFF  }
0xd0: {  	(tm) =	ssettm $0x7FFFFFFF  }
0xd1: {  	_ =	shalt  }
tec
execute0_lowered:
.L_overlay_start_1:
0x0: {  	(tag) =	ssettag $0x1  }
0x1: {  	s8 =	rddreg [dreg:$0x0]  }
0x2: {  	s0 =	rddreg [dreg:$0x1];
	_ =	strace $0x8000004A;
	s1 =	stileid.u32  }
0x3: {  	s3 =	srdreg.scid;
	s4 =	simm.s32 $0x1;
	s7 =	simm.s32 $0x1  }
0x4: {  	s9 =	simm.s32 $0x1;
	s10 =	simm.s32 $0x3;
	s13 =	simm.s32 $0x0  }
0x5: {  	s12 =	simm.s32 $0x0;
	s5 =	sand.u32 $0x1, s3;
	s6 =	sshll.u32 s1, $0x1  }
0x6: {  	s2 =	sadd.s32 $0x3E200, s8;
	s3 =	sadd.s32 $0x39600, s8;
	s5 =	sor.u32 s6, s5  }
.Ltmp0:
0x7: {  	[sflag:s4] =	ssyncpa.u1 $0x0;
	p0 =	slt.u32 s5, $0x19;
	(pc) =	sbr.rel .LBB2_1-.Ltmp0, $4  }
0x8: {  	s6 =	simm.s32 $0x2;
	s7 =	simm.s32 @!p0 $0x0;
	p0 =	sne.s32 s5, $0x18  }
0x9: {  	[sflag:s6] =	ssyncpa.u1 $0x0;
	s5 =	smul.u32 $0x700, s5;
	s9 =	simm.s32 @!p0 $0x0  }
0xa: {  	s8 =	sadd.s32 $0x47C00, s8;
	[sflag:s10] =	ssyncpa.u1 $0x0;
	s7 =	sadd.s32 s9, s7  }
0xb: {  	vm0 =	vmmov $0xffff;
	s10 =	simm.s32 $0x0;
	s11 =	smov.u32 s5;
	s9 =	sadd.s32 $0x1, s7  }
.LBB2_4:
0xc: {  	v2 =	vnsel vm1, $0x0, v2  }
0xd: {  	vm1 =	vgt.s32 v0, $0x0;
	v2 =	vmin.u32 v2, $0xC7FF  }
0xe: {  	v0 =	vnsel vm1, $0x0, v0  }
0xf: {  	v0 =	vmin.u32 v0, $0xC7FF  }
0x10: {  	[tilespmem:s18], [sflag:$0x1] =	stream.indirect_vreg.gather [hbm4b:s2+s10], $0x1, v1, vm0, $0x4038;
	[tilespmem:$0x1C00] =	vst v63  }
0x11: {  	(ifvalue) =	ssetifvalue $0x7FFFFFFF  }
0x12: {  	[tilespmem:s15], [sflag:$0x1] =	stream.indirect_vreg.gather [hbm4b:s2+s10], $0x1, v2, vm0, $0x4038;
	[tilespmem:$0x1C00] =	vst v63  }
0x13: {  	s29 =	sadd.s32 $0x10, s15;
	(ifvalue) =	ssetifvalue $0x7FFFFFFF  }
0x14: {  	[tilespmem:s29], [sflag:$0x1] =	stream.indirect_vreg.gather [hbm4b:s2+s10], $0x1, v0, vm0, $0x4038;
	[tilespmem:$0x1C00] =	vst v63  }
0x15: {  	_ =	swait.ge [sflag:s4], $0x700  }
0x16: {  	s30 =	sshrl.u32 s13, $0x3;
	[sflag:s4] =	ssyncset.done $0x0  }
0x17: {  	s31 =	sand.u32 $0x7, s13;
	s15 =	sadd.s32 s8, s30;
	[sflag:s4] =	ssyncadd.s32 $0xFFFFF900  }
0x18: {  	[hbm4b:s15+s31] =	stream.linear.scatter [tilespmem:s14], [sflag:$0x3], $0x700, $0x38;
	[tilespmem:$0x1C00] =	vst v63  }
.LBB2_5:
0x19: {  	s15 =	sadd.s32 $0xE000, s11  }
0x1a: {  	p1 =	sgt.s32 s15, $0x187FF  }
0x1b: {  	s15 =	smov.u32 @p1 s5;
	p1 =	sne.s32 s12, s9  }
.Ltmp1:
0x1c: {  	p0 =	slt.u32 s12, $0x2;
	(pc) =	sbr.rel @!p1 .LBB2_6-.Ltmp1, $4  }
0x1d: {  	s14 =	simm.s32 @!p0 $0x3  }
0x1e: {  	_ =	swait.ge @!p0 [sflag:s14], $0x700  }
0x1f: {  	s16 =	sadd.s32 $0x1, s12;
	s13 =	smov.u32 s11;
	[sflag:s14] =	ssyncset.done @!p0 $0x0  }
0x20: {  	s12 =	smov.u32 s16;
	s11 =	smov.u32 s15;
	[sflag:s14] =	ssyncadd.s32 @!p0 $0xFFFFF900  }
.LBB2_1:
0x21: {  	p0 =	sge.u32 s12, s7  }
0x22: {  	s14 =	sxor.u32 @!p0 $0x1, s12  }
0x23: {  	s14 =	smul.u32 @!p0 $0x1C00, s14  }
0x24: {  	s31 =	sadd.s32 $0xFFFFFFFF, s12;
	s15 =	sshrl.u32 @!p0 s11, $0x3  }
0x25: {  	s16 =	sand.u32 @!p0 $0x7, s11;
	s15 =	sadd.s32 @!p0 s3, s15;
	s14 =	sshra.s32 @!p0 s14, $0x2  }
0x26: {  	[tilespmem:s14], [sflag:$0x2] =	stream.linear.gather @!p0 [hbm4b:s15+s16], $0x700, $0x38;
	[tilespmem:$0x1C00] =	vst v63  }
0x27: {  	p0 =	sge.u32 s31, s7  }
.Ltmp2:
0x28: {  	_ = 	snop;
	(pc) =	sbr.rel @p0 .LBB2_5-.Ltmp2, $1  }
0x29: {  	_ =	sdelay $0x3  }
0x2a: {  	s14 =	sand.u32 $0x1, s12  }
0x2b: {  	_ =	swait.ge [sflag:s6], $0x700;
	p0 =	seq.s32 s14, $0x1;
	s14 =	simm.s32 $0x700  }
0x2c: {  	[sflag:s6] =	ssyncset.done $0x0;
	s14 =	simm.s32 @!p0 $0x0  }
0x2d: {  	[sflag:s6] =	ssyncadd.s32 $0xFFFFF900;
	(ifvalue) =	ssetifvalue $0x7FFFFFFF;
	v0 =	vld.msk [tilespmem:s14+$0x0 ss:$0x1], $0xffff;
	_ =	sdelay $0x4  }
0x2e: {  	s15 =	sadd.s32 $0x10, s14;
	vm1 =	vgt.s32 v0, $0x0  }
0x2f: {  	v2 =	vld.msk [tilespmem:s15+$0x0 ss:$0x1], $0xffff;
	v1 =	vnsel vm1, $0x0, v0  }
0x30: {  	v1 =	vmin.u32 v1, $0xC7FF;
	_ =	sdelay $0x2  }
0x31: {  	s17 =	simm.s32 $0x20;
	s14 =	sadd.s32 $0xE00, s14;
	s16 =	sadd.s32 $0x10, s15  }
0x32: {  	s15 =	sadd.s32 $0x10, s14;
	s18 =	smov.u32 s14;
	v0 =	vld.msk [tilespmem:s16+$0x0 ss:$0x1], $0xffff;
	vm1 =	vgt.s32 v2, $0x0;
	(ifvalue) =	ssetifvalue $0x7FFFFFFF  }
.LBB2_3:
0x33: {  	[tilespmem:s18], [sflag:$0x1] =	stream.indirect_vreg.gather [hbm4b:s2+s10], $0x1, v1, vm0, $0x4038;
	[tilespmem:$0x1C00] =	vst v63  }
0x34: {  	s17 =	sadd.s32 $0x10, s17  }
0x35: {  	v2 =	vnsel vm1, $0x0, v2;
	p0 =	slt.u32 s17, $0x6F0  }
.Ltmp3:
0x36: {  	s18 =	smov.u32 s15;
	v1 =	vmin.u32 v2, $0xC7FF;
	(pc) =	sbr.rel @p0 .LBB2_3-.Ltmp3, $3  }
0x37: {  	_ =	sdelay $0x1  }
0x38: {  	s16 =	sadd.s32 $0x10, s16  }
0x39: {  	vm1 =	vgt.s32 v0, $0x0;
	s15 =	sadd.s32 $0x10, s15;
	v2 =	vmov v0;
	(ifvalue) =	ssetifvalue $0x7FFFFFFF;
	v0 =	vld.msk [tilespmem:s16+$0x0 ss:$0x1], $0xffff  }
.Ltmp4:
0x3a: {  	_ = 	snop;
	(pc) =	sbr.rel .LBB2_4-.Ltmp4, $1  }
0x3b: {  	_ =	sdelay $0x3  }
.LBB2_6:
0x3c: {  	_ =	sfence.sel $0x180000  }
0x3d: {  	s2 =	simm.s32 $0x2;
	[bflag:$0x0] =	sbarrier.arrive $0xFFFF  }
0x3e: {  	s30 =	simm.s32 $0x3;
	[sflag:s2] =	ssyncpa.u1 $0x1  }
0x3f: {  	s31 =	simm.s32 $0x1;
	[sflag:s30] =	ssyncpa.u1 $0x1  }
0x40: {  	[sflag:s31] =	ssyncpa.u1 $0x1  }
0x41: {  	p0 =	sne.s32 s1, $0x0;
	_ =	strace $0x9000004A  }
0x42: {  	s0 =	sadd.s32 @!p0 $0x100000, s0;
	[bflag:$0x2] =	sbarrier.arrive $0xFFFF  }
0x43: {  	[sflag:s0] =	ssyncadd.tile.s32 @!p0 $0x1;
	_ =	shalt  }
.Lfunc_end2:
_tile_overlayer_lowered:
.L_overlay_start_2:
0x44: {  	(tag) =	ssettag $0x2  }
0x45: {  	s0 =	rddreg [dreg:$0x0];
	s2 =	stileid.u32  }
0x46: {  	s1 =	rddreg [dreg:$0x1];
	p0 =	sne.s32 s2, $0x0  }
0x47: {  	s3 =	rddreg [dreg:$0x2];
	[bflag:$0x3] =	sbarrier.arrive $0xFFFF;
	s2 =	simm.s32 @!p0 $0x1C01  }
0x48: {  	[timem:s3], [sflag:s2] =	dma.local @!p0 [hbm:s0], s1  }
0x49: {  	s0 =	simm.s32 @!p0 $0x1  }
0x4a: {  	_ =	swait.ge @!p0 [sflag:s0], s1  }
0x4b: {  	s1 =	ssub.s32 @!p0 $0x0, s1;
	[sflag:s0] =	ssyncset.done @!p0 $0x0  }
0x4c: {  	[sflag:s0] =	ssyncadd.s32 @!p0 s1  }
0x4d: {  	[bflag:$0x3] =	sbarrier.arrive $0xFFFF  }
0x4e: {  	_ =	shalt  }

// kernel: gather_offload_async_start.9
scs
__scs_entry_jumppad:
0x0: {  	(pc) =	sbr.rel $0x88, $3  }
0x1: {  	(tag) =	ssettag $0x0;
	lr =	simm.s32 $0x1  }
0x2: {  	[smem:$0x3F9F] =	sst lr;
	_ =	strace $0xD0000000  }
0x3: {  	_ = 	snop  }
0x4: {  	_ = 	snop  }
0x5: {  	_ = 	snop  }
0x6: {  	_ = 	snop  }
0x7: {  	_ = 	snop  }
__scs_overlays_trampoline_lowered:
0x8: {  	[smem:$0x3FAE] =	sst s0  }
0x9: {  	[smem:$0x3FAF] =	sst s1  }
0xa: {  	[smem:$0x3FB0] =	sst s2  }
0xb: {  	[smem:$0x3FB1] =	sst s3  }
0xc: {  	[smem:$0x3FB2] =	sst s4  }
0xd: {  	[smem:$0x3FB3] =	sst s5  }
0xe: {  	[smem:$0x3FB4] =	sst s6  }
0xf: {  	[smem:$0x3FB5] =	sst s7  }
0x10: {  	[smem:$0x3FB6] =	sst s8  }
0x11: {  	[smem:$0x3FB7] =	sst s9;
	s0 =	simm.s32 @!p0 $0x0  }
0x12: {  	s1 =	sld [smem:$0x3F9D];
	s0 =	simm.s32 @p0 $0x1  }
0x13: {  	[smem:$0x3FB8] =	sst s0;
	s0 =	simm.s32 @!p1 $0x0  }
0x14: {  	s2 =	sld [smem:$0x3F9C];
	s0 =	simm.s32 @p1 $0x1  }
0x15: {  	[smem:$0x3FB9] =	sst s0;
	s0 =	simm.s32 @!p2 $0x0  }
0x16: {  	s3 =	sld [smem:$0x3FDB];
	s0 =	simm.s32 @p2 $0x1  }
0x17: {  	s4 =	simm.s32 $0x1BF5;
	[smem:$0x3FBB] =	sst s0  }
0x18: {  	s0 =	sld [smem:$0x3F9E];
	_ =	swait.ge [sflag:s4], $0x0  }
0x19: {  	s7 =	sld [smem:$0x3F9F]  }
0x1a: {  	s8 =	sadd.s32 $0xFFFFE003, lr  }
0x1b: {  	s9 =	sadd.s32 $0xFFFFFEF7, lr;
	s5 =	simm.s32 $0xFFFFFFFF;
	p2 =	slt.u32 s8, $0xFFFFF086  }
0x1c: {  	p1 =	slt.u32 s9, $0xF7A;
	s5 =	simm.s32 @!p2 $0x0  }
0x1d: {  	s5 =	simm.s32 @p1 $0x1;
	p0 =	seq.s32 s7, s2  }
0x1e: {  	s7 =	smul.u32 @!p0 $0xF7A, s2;
	p2 =	seq.s32 @!p0 s5, $0x0  }
0x1f: {  	s9 =	smul.u32 $0xF7A, s1;
	s8 =	simm.s32 @!p0 $0x1BF5;
	p2 =	por !p2, p0  }
0x20: {  	[sflag:s8] =	ssyncset.s32 @!p0 $0xFFFFF086;
	s6 =	sadd.s32 @!p0 s3, s7;
	s7 =	simm.s32 @!p0 $0x108  }
0x21: {  	s3 =	sadd.s32 s3, s9;
	s6 =	sadd.s32 @!p0 $0x88, s6;
	s7 =	simm.s32 @p2 $0x1082  }
0x22: {  	[simem:s7], [sflag:s8] =	dma.local @!p0 [hbm:s6], $0xF7A  }
0x23: {  	s9 =	sor.u32 $0xD0000000, s2;
	s6 =	simm.s32 $0x108;
	_ =	swait.ge @!p0 [sflag:s8], $0x0  }
0x24: {  	s3 =	sadd.s32 $0x88, s3;
	s6 =	simm.s32 @!p1 $0x1082;
	[sflag:s4] =	ssyncset.s32 $0xFFFFF086  }
0x25: {  	[simem:s6], [sflag:s4] =	dma.local [hbm:s3], $0xF7A  }
0x26: {  	[smem:$0x3F9F] =	sst s1;
	(tag) =	ssettag s2;
	_ =	strace s9  }
0x27: {  	s1 =	sld [smem:$0x3FAF]  }
0x28: {  	s2 =	sld [smem:$0x3FB0]  }
0x29: {  	s4 =	sld [smem:$0x3FB2]  }
0x2a: {  	p0 =	seq.s32 s5, $0x0;
	s5 =	sld [smem:$0x3FB3]  }
0x2b: {  	s6 =	sld [smem:$0x3FB4]  }
0x2c: {  	s7 =	sld [smem:$0x3FB5]  }
0x2d: {  	s3 =	simm.s32 $0x108;
	s8 =	sld [smem:$0x3FB6]  }
0x2e: {  	s3 =	simm.s32 @!p0 $0x1082;
	s9 =	sld [smem:$0x3FB7]  }
0x2f: {  	lr =	sadd.s32 s0, s3;
	s0 =	sld [smem:$0x3FAE]  }
0x30: {  	s3 =	sld [smem:$0x3FB1]  }
0x31: {  	[smem:$0x3FBA] =	sst s10  }
0x32: {  	s10 =	sld [smem:$0x3FB8];
	_ =	sdelay $0x3  }
0x33: {  	p0 =	seq.s32 s10, $0x1;
	s10 =	sld [smem:$0x3FBA];
	_ =	sdelay $0x3  }
0x34: {  	[smem:$0x3FBA] =	sst s10  }
0x35: {  	s10 =	sld [smem:$0x3FB9];
	_ =	sdelay $0x3  }
0x36: {  	p1 =	seq.s32 s10, $0x1;
	s10 =	sld [smem:$0x3FBA];
	_ =	sdelay $0x3  }
0x37: {  	[smem:$0x3FBA] =	sst s10  }
0x38: {  	s10 =	sld [smem:$0x3FBB]  }
0x39: {  	_ = 	snop;
	(pc) =	sbr.ind lr, $3  }
0x3a: {  	_ = 	snop  }
0x3b: {  	_ = 	snop  }
0x3c: {  	p2 =	seq.s32 s10, $0x1;
	s10 =	sld [smem:$0x3FBA]  }
0x3d: {  	_ =	shalt  }
0x3e: {  	_ =	shalt  }
0x3f: {  	_ =	shalt  }
0x40: {  	_ =	shalt  }
0x41: {  	_ =	shalt  }
0x42: {  	_ =	shalt  }
0x43: {  	_ =	shalt  }
0x44: {  	_ =	shalt  }
0x45: {  	_ =	shalt  }
0x46: {  	_ =	shalt  }
0x47: {  	_ =	shalt  }
0x48: {  	_ =	shalt  }
0x49: {  	_ =	shalt  }
0x4a: {  	_ =	shalt  }
0x4b: {  	_ =	shalt  }
0x4c: {  	_ =	shalt  }
0x4d: {  	_ =	shalt  }
0x4e: {  	_ =	shalt  }
0x4f: {  	_ =	shalt  }
0x50: {  	_ =	shalt  }
0x51: {  	_ =	shalt  }
0x52: {  	_ =	shalt  }
0x53: {  	_ =	shalt  }
0x54: {  	_ =	shalt  }
0x55: {  	_ =	shalt  }
0x56: {  	_ =	shalt  }
0x57: {  	_ =	shalt  }
0x58: {  	_ =	shalt  }
0x59: {  	_ =	shalt  }
0x5a: {  	_ =	shalt  }
0x5b: {  	_ =	shalt  }
0x5c: {  	_ =	shalt  }
0x5d: {  	_ =	shalt  }
0x5e: {  	_ =	shalt  }
0x5f: {  	_ =	shalt  }
0x60: {  	_ =	shalt  }
0x61: {  	_ =	shalt  }
0x62: {  	_ =	shalt  }
0x63: {  	_ =	shalt  }
0x64: {  	_ =	shalt  }
0x65: {  	_ =	shalt  }
0x66: {  	_ =	shalt  }
0x67: {  	_ =	shalt  }
0x68: {  	_ =	shalt  }
0x69: {  	_ =	shalt  }
0x6a: {  	_ =	shalt  }
0x6b: {  	_ =	shalt  }
0x6c: {  	_ =	shalt  }
0x6d: {  	_ =	shalt  }
0x6e: {  	_ =	shalt  }
0x6f: {  	_ =	shalt  }
0x70: {  	_ =	shalt  }
0x71: {  	_ =	shalt  }
0x72: {  	_ =	shalt  }
0x73: {  	_ =	shalt  }
0x74: {  	_ =	shalt  }
0x75: {  	_ =	shalt  }
0x76: {  	_ =	shalt  }
0x77: {  	_ =	shalt  }
0x78: {  	_ =	shalt  }
0x79: {  	_ =	shalt  }
0x7a: {  	_ =	shalt  }
0x7b: {  	_ =	shalt  }
0x7c: {  	_ =	shalt  }
0x7d: {  	_ =	shalt  }
0x7e: {  	_ =	shalt  }
0x7f: {  	_ =	shalt  }
0x80: {  	_ =	shalt  }
0x81: {  	_ =	shalt  }
0x82: {  	_ =	shalt  }
0x83: {  	_ =	shalt  }
0x84: {  	_ =	shalt  }
0x85: {  	_ =	shalt  }
0x86: {  	_ =	shalt  }
0x87: {  	_ =	shalt  }
.Lfunc_end0:
.L_simem_size_0:
called_computation.9_lowered:
.L_overlay_start_0:
0x88: {  	s2 =	sld [smem:$0x3FD9]  }
0x89: {  	s3 =	sld [smem:$0x3FFE];
	_ =	sdelay $0x1  }
0x8a: {  	s1 =	srdreg.scid  }
0x8b: {  	s0 =	sand.u32 $0x1, s1  }
0x8c: {  	s16 =	sshll.u32 s0, $0xA;
	s2 =	sadd.s32 s3, s2  }
0x8d: {  	s2 =	sadd.s32 s2, s16  }
0x8e: {  	[smem:$0x3FC6] =	sst s2  }
0x8f: {  	_ = 	snop  }
0x90: {  	(tm) =	ssettm $0x1  }
0x91: {  	s17 =	sld [smem:$0x3FFB];
	_ =	sdelay $0x3  }
0x92: {  	_ =	strace s17  }
0x93: {  	s2 =	sld [smem:$0x3FFC];
	_ =	sdelay $0x3  }
0x94: {  	_ =	strace s2  }
0x95: {  	s2 =	sld [smem:$0x3FFD];
	_ =	sdelay $0x3  }
0x96: {  	_ =	strace s2  }
0x97: {  	_ =	strace $0x8FFFFFFF  }
0x98: {  	s18 =	sld [smem:$0x3FDB];
	_ =	sdelay $0x1  }
0x99: {  	s19 =	simm.s32 $_scs_section_size  }
0x9a: {  	s4 =	simm.s32 $_size__tile_overlayer_lowered;
	s5 =	simm.s32 $_tile_overlayer_lowered  }
0x9b: {  	s22 =	simm.s32 $0x1BFF;
	s21 =	sshll.u32 s5, $0x1;
	s2 =	sadd.s32 s19, s18  }
0x9c: {  	s6 =	simm.s32 $0x0;
	s20 =	sshll.u32 s4, $0x1;
	s4 =	sadd.s32 s21, s2  }
0x9d: {  	[timem:s6], [sflag:s22] =	dma.local [hbm:s4], s20  }
0x9e: {  	_ =	swait.ge [sflag:s22], s20  }
0x9f: {  	s3 =	ssub.s32 $0x0, s20;
	[sflag:s22] =	ssyncset.done $0x0  }
0xa0: {  	[sflag:s22] =	ssyncadd.s32 s3;
	_ =	sdelay $0x1  }
0xa1: {  	s23 =	simm.s32 $0x1B8B  }
0xa2: {  	_ =	swait.ge [sflag:s23], $0x1  }
0xa3: {  	[sflag:s23] =	ssyncset.done $0x0  }
0xa4: {  	s25 =	simm.s32 $0x1B8E;
	s24 =	sld [smem:$0x3FFE];
	[sflag:s23] =	ssyncadd.s32 $0xFFFFFFFF  }
0xa5: {  	s26 =	simm.s32 $execute0_lowered;
	[smem:$0x3FD2] =	sst s25  }
0xa6: {  	s4 =	sshll.u32 s26, $0x1;
	_ =	strace $0x80000061;
	[dreg:$0x1] =	wrdreg $0xFFFFFFFF  }
0xa7: {  	s28 =	simm.s32 $_size_execute0_lowered;
	s2 =	sadd.s32 s2, s4;
	[dreg:$0x0] =	wrdreg $0x0  }
0xa8: {  	s4 =	sshll.u32 s28, $0x1;
	[dreg:$0x2] =	wrdreg s2  }
0xa9: {  	[dreg:$0x3] =	wrdreg s4  }
0xaa: {  	[dreg:$0x4] =	wrdreg $0xC0  }
0xab: {  	_ =	task [dreg:s6], $0x5FFFF  }
0xac: {  	[dreg:$0x1] =	wrdreg $0xFFFFFFFF  }
0xad: {  	[dreg:$0x0] =	wrdreg $0x60  }
0xae: {  	[dreg:$0x2] =	wrdreg s24  }
0xaf: {  	[dreg:$0x3] =	wrdreg $0x9  }
0xb0: {  	_ =	task.clear_ibuf [dreg:s6], $0x4FFFF;
	_ =	strace $0x90000061  }
0xb1: {  	s29 =	simm.s32 $0x9;
	_ =	strace $0x80000063  }
0xb2: {  	_ =	swait.ge [sflag:s29], $0x1  }
0xb3: {  	[sflag:s29] =	ssyncadd.s32 $0xFFFFFFFF  }
0xb4: {  	_ =	strace $0x90000063  }
0xb5: {  	_ =	sfence  }
0xb6: {  	s30 =	sld [smem:$0x0];
	_ =	sdelay $0x2  }
0xb7: {  	s31 =	sshll.u32 s1, $0xD;
	s1 =	sshrl.u32 s1, $0x2  }
0xb8: {  	s3 =	sand.u32 $0x4000, s31;
	s1 =	sadd.s32 s1, s30  }
0xb9: {  	s0 =	sor.u32 s3, s0;
	s1 =	sshll.u32 s1, $0x11  }
0xba: {  	s0 =	sor.u32 s1, s0  }
0xbb: {  	s0 =	sadd.s32 $0x8F2B, s0  }
0xbc: {  	[sflag:s0] =	ssyncadd.remote.s32 $0x1  }
0xbd: {  	_ =	sfence.sel $0xFFFF  }
0xbe: {  	[dreg:$0x0] =	wrdreg $0xFFFFFFFF;
	(pc) =	sbr.abs _section_cstart, $3  }
0xbf: {  	[dreg:$0x1] =	wrdreg $0xFFFFFFFF  }
0xc0: {  	_ =	task.clear_ibuf [dreg:s6], $0x2FFFF;
	_ =	strace $0x9FFFFFFF  }
0xc1: {  	(tm) =	ssettm $0x7FFFFFFF  }
tec
execute0_lowered:
.L_overlay_start_1:
0x0: {  	(tag) =	ssettag $0x1  }
0x1: {  	s8 =	rddreg [dreg:$0x0]  }
0x2: {  	s0 =	rddreg [dreg:$0x1];
	_ =	strace $0x80000062;
	s1 =	stileid.u32  }
0x3: {  	s3 =	srdreg.scid;
	s4 =	simm.s32 $0x1;
	s7 =	simm.s32 $0x1  }
0x4: {  	s9 =	simm.s32 $0x1;
	s10 =	simm.s32 $0x3;
	s13 =	simm.s32 $0x0  }
0x5: {  	s12 =	simm.s32 $0x0;
	s5 =	sand.u32 $0x1, s3;
	s6 =	sshll.u32 s1, $0x1  }
0x6: {  	s2 =	sadd.s32 $0x6400, s8;
	s3 =	sadd.s32 $0xF800, s8;
	s5 =	sor.u32 s6, s5  }
.Ltmp0:
0x7: {  	[sflag:s4] =	ssyncpa.u1 $0x0;
	p0 =	slt.u32 s5, $0xB;
	(pc) =	sbr.rel .LBB2_1-.Ltmp0, $4  }
0x8: {  	s6 =	simm.s32 $0x2;
	s7 =	simm.s32 @!p0 $0x0;
	p0 =	sne.s32 s5, $0xA  }
0x9: {  	[sflag:s6] =	ssyncpa.u1 $0x0;
	s5 =	smul.u32 $0x1C00, s5;
	s9 =	simm.s32 @!p0 $0x0  }
0xa: {  	s8 =	sadd.s32 $0x1BE00, s8;
	[sflag:s10] =	ssyncpa.u1 $0x0;
	s7 =	sadd.s32 s9, s7  }
0xb: {  	vm0 =	vmmov $0xffff;
	s10 =	simm.s32 $0x0;
	s11 =	smov.u32 s5;
	s9 =	sadd.s32 $0x1, s7  }
.LBB2_4:
0xc: {  	v2 =	vnsel vm1, $0x0, v2  }
0xd: {  	vm1 =	vgt.s32 v0, $0x0;
	v2 =	vmin.u32 v2, $0x497FF  }
0xe: {  	v0 =	vnsel vm1, $0x0, v0  }
0xf: {  	v0 =	vmin.u32 v0, $0x497FF  }
0x10: {  	[tilespmem:s18], [sflag:$0x1] =	stream.indirect_vreg.gather [hbm4b:s2+s10], $0x1, v1, vm0, $0x4038;
	[tilespmem:$0x7000] =	vst v63  }
0x11: {  	(ifvalue) =	ssetifvalue $0x7FFFFFFF  }
0x12: {  	[tilespmem:s15], [sflag:$0x1] =	stream.indirect_vreg.gather [hbm4b:s2+s10], $0x1, v2, vm0, $0x4038;
	[tilespmem:$0x7000] =	vst v63  }
0x13: {  	s29 =	sadd.s32 $0x10, s15;
	(ifvalue) =	ssetifvalue $0x7FFFFFFF  }
0x14: {  	[tilespmem:s29], [sflag:$0x1] =	stream.indirect_vreg.gather [hbm4b:s2+s10], $0x1, v0, vm0, $0x4038;
	[tilespmem:$0x7000] =	vst v63  }
0x15: {  	_ =	swait.ge [sflag:s4], $0x1C00  }
0x16: {  	s30 =	sshrl.u32 s13, $0x3;
	[sflag:s4] =	ssyncset.done $0x0  }
0x17: {  	s31 =	sand.u32 $0x7, s13;
	s15 =	sadd.s32 s8, s30;
	[sflag:s4] =	ssyncadd.s32 $0xFFFFE400  }
0x18: {  	[hbm4b:s15+s31] =	stream.linear.scatter [tilespmem:s14], [sflag:$0x3], $0x1C00, $0x38;
	[tilespmem:$0x7000] =	vst v63  }
.LBB2_5:
0x19: {  	s15 =	sadd.s32 $0x38000, s11  }
0x1a: {  	p1 =	sgt.s32 s15, $0x497FF  }
0x1b: {  	s15 =	smov.u32 @p1 s5;
	p1 =	sne.s32 s12, s9  }
.Ltmp1:
0x1c: {  	p0 =	slt.u32 s12, $0x2;
	(pc) =	sbr.rel @!p1 .LBB2_6-.Ltmp1, $4  }
0x1d: {  	s14 =	simm.s32 @!p0 $0x3  }
0x1e: {  	_ =	swait.ge @!p0 [sflag:s14], $0x1C00  }
0x1f: {  	s16 =	sadd.s32 $0x1, s12;
	s13 =	smov.u32 s11;
	[sflag:s14] =	ssyncset.done @!p0 $0x0  }
0x20: {  	s12 =	smov.u32 s16;
	s11 =	smov.u32 s15;
	[sflag:s14] =	ssyncadd.s32 @!p0 $0xFFFFE400  }
.LBB2_1:
0x21: {  	p0 =	sge.u32 s12, s7  }
0x22: {  	s14 =	sxor.u32 @!p0 $0x1, s12  }
0x23: {  	s14 =	smul.u32 @!p0 $0x7000, s14  }
0x24: {  	s31 =	sadd.s32 $0xFFFFFFFF, s12;
	s15 =	sshrl.u32 @!p0 s11, $0x3  }
0x25: {  	s16 =	sand.u32 @!p0 $0x7, s11;
	s15 =	sadd.s32 @!p0 s3, s15;
	s14 =	sshra.s32 @!p0 s14, $0x2  }
0x26: {  	[tilespmem:s14], [sflag:$0x2] =	stream.linear.gather @!p0 [hbm4b:s15+s16], $0x1C00, $0x38;
	[tilespmem:$0x7000] =	vst v63  }
0x27: {  	p0 =	sge.u32 s31, s7  }
.Ltmp2:
0x28: {  	_ = 	snop;
	(pc) =	sbr.rel @p0 .LBB2_5-.Ltmp2, $1  }
0x29: {  	_ =	sdelay $0x3  }
0x2a: {  	s14 =	sand.u32 $0x1, s12  }
0x2b: {  	_ =	swait.ge [sflag:s6], $0x1C00;
	p0 =	seq.s32 s14, $0x1;
	s14 =	simm.s32 $0x1C00  }
0x2c: {  	[sflag:s6] =	ssyncset.done $0x0;
	s14 =	simm.s32 @!p0 $0x0  }
0x2d: {  	[sflag:s6] =	ssyncadd.s32 $0xFFFFE400;
	(ifvalue) =	ssetifvalue $0x7FFFFFFF;
	v0 =	vld.msk [tilespmem:s14+$0x0 ss:$0x1], $0xffff;
	_ =	sdelay $0x4  }
0x2e: {  	s15 =	sadd.s32 $0x10, s14;
	vm1 =	vgt.s32 v0, $0x0  }
0x2f: {  	v2 =	vld.msk [tilespmem:s15+$0x0 ss:$0x1], $0xffff;
	v1 =	vnsel vm1, $0x0, v0  }
0x30: {  	v1 =	vmin.u32 v1, $0x497FF;
	_ =	sdelay $0x2  }
0x31: {  	s17 =	simm.s32 $0x20;
	s14 =	sadd.s32 $0x3800, s14;
	s16 =	sadd.s32 $0x10, s15  }
0x32: {  	s15 =	sadd.s32 $0x10, s14;
	s18 =	smov.u32 s14;
	v0 =	vld.msk [tilespmem:s16+$0x0 ss:$0x1], $0xffff;
	vm1 =	vgt.s32 v2, $0x0;
	(ifvalue) =	ssetifvalue $0x7FFFFFFF  }
.LBB2_3:
0x33: {  	[tilespmem:s18], [sflag:$0x1] =	stream.indirect_vreg.gather [hbm4b:s2+s10], $0x1, v1, vm0, $0x4038;
	[tilespmem:$0x7000] =	vst v63  }
0x34: {  	s17 =	sadd.s32 $0x10, s17  }
0x35: {  	v2 =	vnsel vm1, $0x0, v2;
	p0 =	slt.u32 s17, $0x1BF0  }
.Ltmp3:
0x36: {  	s18 =	smov.u32 s15;
	v1 =	vmin.u32 v2, $0x497FF;
	(pc) =	sbr.rel @p0 .LBB2_3-.Ltmp3, $3  }
0x37: {  	_ =	sdelay $0x1  }
0x38: {  	s16 =	sadd.s32 $0x10, s16  }
0x39: {  	vm1 =	vgt.s32 v0, $0x0;
	s15 =	sadd.s32 $0x10, s15;
	v2 =	vmov v0;
	(ifvalue) =	ssetifvalue $0x7FFFFFFF;
	v0 =	vld.msk [tilespmem:s16+$0x0 ss:$0x1], $0xffff  }
.Ltmp4:
0x3a: {  	_ = 	snop;
	(pc) =	sbr.rel .LBB2_4-.Ltmp4, $1  }
0x3b: {  	_ =	sdelay $0x3  }
.LBB2_6:
0x3c: {  	_ =	sfence.sel $0x180000  }
0x3d: {  	s2 =	simm.s32 $0x2;
	[bflag:$0x0] =	sbarrier.arrive $0xFFFF  }
0x3e: {  	s30 =	simm.s32 $0x3;
	[sflag:s2] =	ssyncpa.u1 $0x1  }
0x3f: {  	s31 =	simm.s32 $0x1;
	[sflag:s30] =	ssyncpa.u1 $0x1  }
0x40: {  	[sflag:s31] =	ssyncpa.u1 $0x1  }
0x41: {  	p0 =	sne.s32 s1, $0x0;
	_ =	strace $0x90000062  }
0x42: {  	s0 =	sadd.s32 @!p0 $0x100000, s0;
	[bflag:$0x2] =	sbarrier.arrive $0xFFFF  }
0x43: {  	[sflag:s0] =	ssyncadd.tile.s32 @!p0 $0x1;
	_ =	shalt  }
.Lfunc_end2:
_tile_overlayer_lowered:
.L_overlay_start_2:
0x44: {  	(tag) =	ssettag $0x2  }
0x45: {  	s0 =	rddreg [dreg:$0x0];
	s2 =	stileid.u32  }
0x46: {  	s1 =	rddreg [dreg:$0x1];
	p0 =	sne.s32 s2, $0x0  }
0x47: {  	s3 =	rddreg [dreg:$0x2];
	[bflag:$0x3] =	sbarrier.arrive $0xFFFF;
	s2 =	simm.s32 @!p0 $0x1C01  }
0x48: {  	[timem:s3], [sflag:s2] =	dma.local @!p0 [hbm:s0], s1  }
0x49: {  	s0 =	simm.s32 @!p0 $0x1  }
0x4a: {  	_ =	swait.ge @!p0 [sflag:s0], s1  }
0x4b: {  	s1 =	ssub.s32 @!p0 $0x0, s1;
	[sflag:s0] =	ssyncset.done @!p0 $0x0  }
0x4c: {  	[sflag:s0] =	ssyncadd.s32 @!p0 s1  }
0x4d: {  	[bflag:$0x3] =	sbarrier.arrive $0xFFFF  }
0x4e: {  	_ =	shalt  }

// kernel: gather_offload_async_start
scs
__scs_entry_jumppad:
0x0: {  	(pc) =	sbr.rel $0x88, $3  }
0x1: {  	(tag) =	ssettag $0x0;
	lr =	simm.s32 $0x1  }
0x2: {  	[smem:$0x3F9F] =	sst lr;
	_ =	strace $0xD0000000  }
0x3: {  	_ = 	snop  }
0x4: {  	_ = 	snop  }
0x5: {  	_ = 	snop  }
0x6: {  	_ = 	snop  }
0x7: {  	_ = 	snop  }
__scs_overlays_trampoline_lowered:
0x8: {  	[smem:$0x3FAE] =	sst s0  }
0x9: {  	[smem:$0x3FAF] =	sst s1  }
0xa: {  	[smem:$0x3FB0] =	sst s2  }
0xb: {  	[smem:$0x3FB1] =	sst s3  }
0xc: {  	[smem:$0x3FB2] =	sst s4  }
0xd: {  	[smem:$0x3FB3] =	sst s5  }
0xe: {  	[smem:$0x3FB4] =	sst s6  }
0xf: {  	[smem:$0x3FB5] =	sst s7  }
0x10: {  	[smem:$0x3FB6] =	sst s8  }
0x11: {  	[smem:$0x3FB7] =	sst s9;
	s0 =	simm.s32 @!p0 $0x0  }
0x12: {  	s1 =	sld [smem:$0x3F9D];
	s0 =	simm.s32 @p0 $0x1  }
0x13: {  	[smem:$0x3FB8] =	sst s0;
	s0 =	simm.s32 @!p1 $0x0  }
0x14: {  	s2 =	sld [smem:$0x3F9C];
	s0 =	simm.s32 @p1 $0x1  }
0x15: {  	[smem:$0x3FB9] =	sst s0;
	s0 =	simm.s32 @!p2 $0x0  }
0x16: {  	s3 =	sld [smem:$0x3FDB];
	s0 =	simm.s32 @p2 $0x1  }
0x17: {  	s4 =	simm.s32 $0x1BF5;
	[smem:$0x3FBB] =	sst s0  }
0x18: {  	s0 =	sld [smem:$0x3F9E];
	_ =	swait.ge [sflag:s4], $0x0  }
0x19: {  	s7 =	sld [smem:$0x3F9F]  }
0x1a: {  	s8 =	sadd.s32 $0xFFFFE003, lr  }
0x1b: {  	s9 =	sadd.s32 $0xFFFFFEF7, lr;
	s5 =	simm.s32 $0xFFFFFFFF;
	p2 =	slt.u32 s8, $0xFFFFF086  }
0x1c: {  	p1 =	slt.u32 s9, $0xF7A;
	s5 =	simm.s32 @!p2 $0x0  }
0x1d: {  	s5 =	simm.s32 @p1 $0x1;
	p0 =	seq.s32 s7, s2  }
0x1e: {  	s7 =	smul.u32 @!p0 $0xF7A, s2;
	p2 =	seq.s32 @!p0 s5, $0x0  }
0x1f: {  	s9 =	smul.u32 $0xF7A, s1;
	s8 =	simm.s32 @!p0 $0x1BF5;
	p2 =	por !p2, p0  }
0x20: {  	[sflag:s8] =	ssyncset.s32 @!p0 $0xFFFFF086;
	s6 =	sadd.s32 @!p0 s3, s7;
	s7 =	simm.s32 @!p0 $0x108  }
0x21: {  	s3 =	sadd.s32 s3, s9;
	s6 =	sadd.s32 @!p0 $0x88, s6;
	s7 =	simm.s32 @p2 $0x1082  }
0x22: {  	[simem:s7], [sflag:s8] =	dma.local @!p0 [hbm:s6], $0xF7A  }
0x23: {  	s9 =	sor.u32 $0xD0000000, s2;
	s6 =	simm.s32 $0x108;
	_ =	swait.ge @!p0 [sflag:s8], $0x0  }
0x24: {  	s3 =	sadd.s32 $0x88, s3;
	s6 =	simm.s32 @!p1 $0x1082;
	[sflag:s4] =	ssyncset.s32 $0xFFFFF086  }
0x25: {  	[simem:s6], [sflag:s4] =	dma.local [hbm:s3], $0xF7A  }
0x26: {  	[smem:$0x3F9F] =	sst s1;
	(tag) =	ssettag s2;
	_ =	strace s9  }
0x27: {  	s1 =	sld [smem:$0x3FAF]  }
0x28: {  	s2 =	sld [smem:$0x3FB0]  }
0x29: {  	s4 =	sld [smem:$0x3FB2]  }
0x2a: {  	p0 =	seq.s32 s5, $0x0;
	s5 =	sld [smem:$0x3FB3]  }
0x2b: {  	s6 =	sld [smem:$0x3FB4]  }
0x2c: {  	s7 =	sld [smem:$0x3FB5]  }
0x2d: {  	s3 =	simm.s32 $0x108;
	s8 =	sld [smem:$0x3FB6]  }
0x2e: {  	s3 =	simm.s32 @!p0 $0x1082;
	s9 =	sld [smem:$0x3FB7]  }
0x2f: {  	lr =	sadd.s32 s0, s3;
	s0 =	sld [smem:$0x3FAE]  }
0x30: {  	s3 =	sld [smem:$0x3FB1]  }
0x31: {  	[smem:$0x3FBA] =	sst s10  }
0x32: {  	s10 =	sld [smem:$0x3FB8];
	_ =	sdelay $0x3  }
0x33: {  	p0 =	seq.s32 s10, $0x1;
	s10 =	sld [smem:$0x3FBA];
	_ =	sdelay $0x3  }
0x34: {  	[smem:$0x3FBA] =	sst s10  }
0x35: {  	s10 =	sld [smem:$0x3FB9];
	_ =	sdelay $0x3  }
0x36: {  	p1 =	seq.s32 s10, $0x1;
	s10 =	sld [smem:$0x3FBA];
	_ =	sdelay $0x3  }
0x37: {  	[smem:$0x3FBA] =	sst s10  }
0x38: {  	s10 =	sld [smem:$0x3FBB]  }
0x39: {  	_ = 	snop;
	(pc) =	sbr.ind lr, $3  }
0x3a: {  	_ = 	snop  }
0x3b: {  	_ = 	snop  }
0x3c: {  	p2 =	seq.s32 s10, $0x1;
	s10 =	sld [smem:$0x3FBA]  }
0x3d: {  	_ =	shalt  }
0x3e: {  	_ =	shalt  }
0x3f: {  	_ =	shalt  }
0x40: {  	_ =	shalt  }
0x41: {  	_ =	shalt  }
0x42: {  	_ =	shalt  }
0x43: {  	_ =	shalt  }
0x44: {  	_ =	shalt  }
0x45: {  	_ =	shalt  }
0x46: {  	_ =	shalt  }
0x47: {  	_ =	shalt  }
0x48: {  	_ =	shalt  }
0x49: {  	_ =	shalt  }
0x4a: {  	_ =	shalt  }
0x4b: {  	_ =	shalt  }
0x4c: {  	_ =	shalt  }
0x4d: {  	_ =	shalt  }
0x4e: {  	_ =	shalt  }
0x4f: {  	_ =	shalt  }
0x50: {  	_ =	shalt  }
0x51: {  	_ =	shalt  }
0x52: {  	_ =	shalt  }
0x53: {  	_ =	shalt  }
0x54: {  	_ =	shalt  }
0x55: {  	_ =	shalt  }
0x56: {  	_ =	shalt  }
0x57: {  	_ =	shalt  }
0x58: {  	_ =	shalt  }
0x59: {  	_ =	shalt  }
0x5a: {  	_ =	shalt  }
0x5b: {  	_ =	shalt  }
0x5c: {  	_ =	shalt  }
0x5d: {  	_ =	shalt  }
0x5e: {  	_ =	shalt  }
0x5f: {  	_ =	shalt  }
0x60: {  	_ =	shalt  }
0x61: {  	_ =	shalt  }
0x62: {  	_ =	shalt  }
0x63: {  	_ =	shalt  }
0x64: {  	_ =	shalt  }
0x65: {  	_ =	shalt  }
0x66: {  	_ =	shalt  }
0x67: {  	_ =	shalt  }
0x68: {  	_ =	shalt  }
0x69: {  	_ =	shalt  }
0x6a: {  	_ =	shalt  }
0x6b: {  	_ =	shalt  }
0x6c: {  	_ =	shalt  }
0x6d: {  	_ =	shalt  }
0x6e: {  	_ =	shalt  }
0x6f: {  	_ =	shalt  }
0x70: {  	_ =	shalt  }
0x71: {  	_ =	shalt  }
0x72: {  	_ =	shalt  }
0x73: {  	_ =	shalt  }
0x74: {  	_ =	shalt  }
0x75: {  	_ =	shalt  }
0x76: {  	_ =	shalt  }
0x77: {  	_ =	shalt  }
0x78: {  	_ =	shalt  }
0x79: {  	_ =	shalt  }
0x7a: {  	_ =	shalt  }
0x7b: {  	_ =	shalt  }
0x7c: {  	_ =	shalt  }
0x7d: {  	_ =	shalt  }
0x7e: {  	_ =	shalt  }
0x7f: {  	_ =	shalt  }
0x80: {  	_ =	shalt  }
0x81: {  	_ =	shalt  }
0x82: {  	_ =	shalt  }
0x83: {  	_ =	shalt  }
0x84: {  	_ =	shalt  }
0x85: {  	_ =	shalt  }
0x86: {  	_ =	shalt  }
0x87: {  	_ =	shalt  }
.Lfunc_end0:
.L_simem_size_0:
called_computation_lowered:
.L_overlay_start_0:
0x88: {  	s2 =	sld [smem:$0x3FD9]  }
0x89: {  	s3 =	sld [smem:$0x3FFE];
	_ =	sdelay $0x1  }
0x8a: {  	s1 =	srdreg.scid  }
0x8b: {  	s0 =	sand.u32 $0x1, s1  }
0x8c: {  	s17 =	sshll.u32 s0, $0xA;
	s2 =	sadd.s32 s3, s2  }
0x8d: {  	s2 =	sadd.s32 s2, s17  }
0x8e: {  	[smem:$0x3FC6] =	sst s2  }
0x8f: {  	_ = 	snop  }
0x90: {  	(tm) =	ssettm $0x1  }
0x91: {  	s18 =	sld [smem:$0x3FFB];
	_ =	sdelay $0x3  }
0x92: {  	_ =	strace s18  }
0x93: {  	s2 =	sld [smem:$0x3FFC];
	_ =	sdelay $0x3  }
0x94: {  	_ =	strace s2  }
0x95: {  	s2 =	sld [smem:$0x3FFD];
	_ =	sdelay $0x3  }
0x96: {  	_ =	strace s2  }
0x97: {  	_ =	strace $0x8FFFFFFF  }
0x98: {  	s19 =	sld [smem:$0x3FDB];
	_ =	sdelay $0x1  }
0x99: {  	s20 =	simm.s32 $_scs_section_size  }
0x9a: {  	s4 =	simm.s32 $_size__tile_overlayer_lowered;
	s5 =	simm.s32 $_tile_overlayer_lowered  }
0x9b: {  	s6 =	simm.s32 $0x1BFF;
	s21 =	sshll.u32 s5, $0x1;
	s3 =	sadd.s32 s20, s19  }
0x9c: {  	s22 =	simm.s32 $0x0;
	s4 =	sshll.u32 s4, $0x1;
	s5 =	sadd.s32 s21, s3  }
0x9d: {  	[timem:s22], [sflag:s6] =	dma.local [hbm:s5], s4  }
0x9e: {  	_ =	swait.ge [sflag:s6], s4  }
0x9f: {  	s4 =	ssub.s32 $0x0, s4;
	[sflag:s6] =	ssyncset.done $0x0  }
0xa0: {  	[sflag:s6] =	ssyncadd.s32 s4;
	_ =	sdelay $0x1  }
0xa1: {  	s23 =	simm.s32 $0x1B8B  }
0xa2: {  	_ =	swait.ge [sflag:s23], $0x1  }
0xa3: {  	[sflag:s23] =	ssyncset.done $0x0  }
0xa4: {  	[sflag:s23] =	ssyncadd.s32 $0xFFFFFFFF  }
0xa5: {  	s4 =	sld [smem:$0x0]  }
0xa6: {  	s5 =	sand.u32 $0xFFFFFFFE, s1  }
0xa7: {  	p0 =	sne.s32 s1, s5  }
0xa8: {  	s5 =	sshll.u32 @p0 s5, $0xE  }
0xa9: {  	s5 =	sadd.s32 @p0 $0x11B8D, s5;
	s6 =	sshll.u32 @p0 s4, $0x11  }
0xaa: {  	s5 =	sor.u32 @p0 s6, s5  }
0xab: {  	[sflag:s5] =	ssyncadd.remote.s32 @p0 $0x1;
	_ =	sdelay $0x1  }
0xac: {  	s5 =	simm.s32 @p0 $0x1B8D  }
0xad: {  	_ =	swait.eq @p0 [sflag:s5], $0x1  }
0xae: {  	[sflag:s5] =	ssyncadd.s32 @p0 $0xFFFFFFFF  }
0xaf: {  	s6 =	sshll.u32 @!p0 s1, $0xE  }
0xb0: {  	s6 =	sor.u32 @!p0 $0x4000, s6;
	s5 =	simm.s32 @!p0 $0x1B8D  }
0xb1: {  	s4 =	sshll.u32 @!p0 s4, $0x11;
	s6 =	sadd.s32 @!p0 $0x11B8D, s6;
	_ =	swait.eq @!p0 [sflag:s5], $0x1  }
0xb2: {  	s4 =	sor.u32 @!p0 s4, s6;
	[sflag:s5] =	ssyncadd.s32 @!p0 $0xFFFFFFFF  }
0xb3: {  	s25 =	simm.s32 $0x1B8E;
	s24 =	sld [smem:$0x3FFE];
	[sflag:s4] =	ssyncadd.remote.s32 @!p0 $0x1  }
0xb4: {  	s26 =	simm.s32 $execute0_lowered;
	[smem:$0x3FD2] =	sst s25  }
0xb5: {  	s5 =	sshll.u32 s26, $0x1;
	_ =	strace $0x8000004F;
	[dreg:$0x1] =	wrdreg $0xFFFFFFFF  }
0xb6: {  	s28 =	simm.s32 $_size_execute0_lowered;
	s3 =	sadd.s32 s3, s5;
	[dreg:$0x0] =	wrdreg $0x0  }
0xb7: {  	s5 =	sshll.u32 s28, $0x1;
	[dreg:$0x2] =	wrdreg s3  }
0xb8: {  	[dreg:$0x3] =	wrdreg s5  }
0xb9: {  	[dreg:$0x4] =	wrdreg $0xC0  }
0xba: {  	_ =	task [dreg:s22], $0x5FFFF  }
0xbb: {  	[dreg:$0x1] =	wrdreg $0xFFFFFFFF  }
0xbc: {  	[dreg:$0x0] =	wrdreg $0x60  }
0xbd: {  	[dreg:$0x2] =	wrdreg s24  }
0xbe: {  	[dreg:$0x3] =	wrdreg $0xB  }
0xbf: {  	_ =	task.clear_ibuf [dreg:s22], $0x4FFFF;
	_ =	strace $0x9000004F  }
0xc0: {  	s29 =	simm.s32 $0xB;
	_ =	strace $0x80000051  }
0xc1: {  	_ =	swait.ge [sflag:s29], $0x1  }
0xc2: {  	[sflag:s29] =	ssyncadd.s32 $0xFFFFFFFF  }
0xc3: {  	_ =	strace $0x90000051  }
0xc4: {  	_ =	sfence  }
0xc5: {  	s30 =	sld [smem:$0x0];
	_ =	sdelay $0x2  }
0xc6: {  	s31 =	sshll.u32 s1, $0xD;
	s1 =	sshrl.u32 s1, $0x2  }
0xc7: {  	s4 =	sand.u32 $0x4000, s31;
	s1 =	sadd.s32 s1, s30  }
0xc8: {  	s0 =	sor.u32 s4, s0;
	s1 =	sshll.u32 s1, $0x11  }
0xc9: {  	s0 =	sor.u32 s1, s0  }
0xca: {  	s0 =	sadd.s32 $0x8F2B, s0  }
0xcb: {  	[sflag:s0] =	ssyncadd.remote.s32 $0x1  }
0xcc: {  	_ =	sfence.sel $0xFFFF  }
0xcd: {  	[dreg:$0x0] =	wrdreg $0xFFFFFFFF;
	(pc) =	sbr.abs _section_cstart, $3  }
0xce: {  	[dreg:$0x1] =	wrdreg $0xFFFFFFFF  }
0xcf: {  	_ =	task.clear_ibuf [dreg:s22], $0x2FFFF;
	_ =	strace $0x9FFFFFFF  }
0xd0: {  	(tm) =	ssettm $0x7FFFFFFF  }
0xd1: {  	_ =	shalt  }
tec
execute0_lowered:
.L_overlay_start_1:
0x0: {  	(tag) =	ssettag $0x1  }
0x1: {  	s8 =	rddreg [dreg:$0x0]  }
0x2: {  	s0 =	rddreg [dreg:$0x1];
	_ =	strace $0x80000050;
	s1 =	stileid.u32  }
0x3: {  	s3 =	srdreg.scid;
	s4 =	simm.s32 $0x1;
	s7 =	simm.s32 $0x1  }
0x4: {  	s9 =	simm.s32 $0x1;
	s10 =	simm.s32 $0x3;
	s13 =	simm.s32 $0x0  }
0x5: {  	s12 =	simm.s32 $0x0;
	s5 =	sand.u32 $0x1, s3;
	s6 =	sshll.u32 s1, $0x1  }
0x6: {  	s2 =	sadd.s32 $0x3C800, s8;
	s3 =	sadd.s32 $0x44A00, s8;
	s5 =	sor.u32 s6, s5  }
.Ltmp0:
0x7: {  	[sflag:s4] =	ssyncpa.u1 $0x0;
	p0 =	slt.u32 s5, $0x19;
	(pc) =	sbr.rel .LBB2_1-.Ltmp0, $4  }
0x8: {  	s6 =	simm.s32 $0x2;
	s7 =	simm.s32 @!p0 $0x0;
	p0 =	sne.s32 s5, $0x18  }
0x9: {  	[sflag:s6] =	ssyncpa.u1 $0x0;
	s5 =	smul.u32 $0x700, s5;
	s9 =	simm.s32 @!p0 $0x0  }
0xa: {  	s8 =	sadd.s32 $0x4E000, s8;
	[sflag:s10] =	ssyncpa.u1 $0x0;
	s7 =	sadd.s32 s9, s7  }
0xb: {  	vm0 =	vmmov $0xffff;
	s10 =	simm.s32 $0x0;
	s11 =	smov.u32 s5;
	s9 =	sadd.s32 $0x1, s7  }
.LBB2_4:
0xc: {  	v2 =	vnsel vm1, $0x0, v2  }
0xd: {  	vm1 =	vgt.s32 v0, $0x0;
	v2 =	vmin.u32 v2, $0xC7FF  }
0xe: {  	v0 =	vnsel vm1, $0x0, v0  }
0xf: {  	v0 =	vmin.u32 v0, $0xC7FF  }
0x10: {  	[tilespmem:s18], [sflag:$0x1] =	stream.indirect_vreg.gather [hbm4b:s2+s10], $0x1, v1, vm0, $0x4038;
	[tilespmem:$0x1C00] =	vst v63  }
0x11: {  	(ifvalue) =	ssetifvalue $0x7FFFFFFF  }
0x12: {  	[tilespmem:s15], [sflag:$0x1] =	stream.indirect_vreg.gather [hbm4b:s2+s10], $0x1, v2, vm0, $0x4038;
	[tilespmem:$0x1C00] =	vst v63  }
0x13: {  	s29 =	sadd.s32 $0x10, s15;
	(ifvalue) =	ssetifvalue $0x7FFFFFFF  }
0x14: {  	[tilespmem:s29], [sflag:$0x1] =	stream.indirect_vreg.gather [hbm4b:s2+s10], $0x1, v0, vm0, $0x4038;
	[tilespmem:$0x1C00] =	vst v63  }
0x15: {  	_ =	swait.ge [sflag:s4], $0x700  }
0x16: {  	s30 =	sshrl.u32 s13, $0x3;
	[sflag:s4] =	ssyncset.done $0x0  }
0x17: {  	s31 =	sand.u32 $0x7, s13;
	s15 =	sadd.s32 s8, s30;
	[sflag:s4] =	ssyncadd.s32 $0xFFFFF900  }
0x18: {  	[hbm4b:s15+s31] =	stream.linear.scatter [tilespmem:s14], [sflag:$0x3], $0x700, $0x38;
	[tilespmem:$0x1C00] =	vst v63  }
.LBB2_5:
0x19: {  	s15 =	sadd.s32 $0xE000, s11  }
0x1a: {  	p1 =	sgt.s32 s15, $0x187FF  }
0x1b: {  	s15 =	smov.u32 @p1 s5;
	p1 =	sne.s32 s12, s9  }
.Ltmp1:
0x1c: {  	p0 =	slt.u32 s12, $0x2;
	(pc) =	sbr.rel @!p1 .LBB2_6-.Ltmp1, $4  }
0x1d: {  	s14 =	simm.s32 @!p0 $0x3  }
0x1e: {  	_ =	swait.ge @!p0 [sflag:s14], $0x700  }
0x1f: {  	s16 =	sadd.s32 $0x1, s12;
	s13 =	smov.u32 s11;
	[sflag:s14] =	ssyncset.done @!p0 $0x0  }
0x20: {  	s12 =	smov.u32 s16;
	s11 =	smov.u32 s15;
	[sflag:s14] =	ssyncadd.s32 @!p0 $0xFFFFF900  }
.LBB2_1:
0x21: {  	p0 =	sge.u32 s12, s7  }
0x22: {  	s14 =	sxor.u32 @!p0 $0x1, s12  }
0x23: {  	s14 =	smul.u32 @!p0 $0x1C00, s14  }
0x24: {  	s31 =	sadd.s32 $0xFFFFFFFF, s12;
	s15 =	sshrl.u32 @!p0 s11, $0x3  }
0x25: {  	s16 =	sand.u32 @!p0 $0x7, s11;
	s15 =	sadd.s32 @!p0 s3, s15;
	s14 =	sshra.s32 @!p0 s14, $0x2  }
0x26: {  	[tilespmem:s14], [sflag:$0x2] =	stream.linear.gather @!p0 [hbm4b:s15+s16], $0x700, $0x38;
	[tilespmem:$0x1C00] =	vst v63  }
0x27: {  	p0 =	sge.u32 s31, s7  }
.Ltmp2:
0x28: {  	_ = 	snop;
	(pc) =	sbr.rel @p0 .LBB2_5-.Ltmp2, $1  }
0x29: {  	_ =	sdelay $0x3  }
0x2a: {  	s14 =	sand.u32 $0x1, s12  }
0x2b: {  	_ =	swait.ge [sflag:s6], $0x700;
	p0 =	seq.s32 s14, $0x1;
	s14 =	simm.s32 $0x700  }
0x2c: {  	[sflag:s6] =	ssyncset.done $0x0;
	s14 =	simm.s32 @!p0 $0x0  }
0x2d: {  	[sflag:s6] =	ssyncadd.s32 $0xFFFFF900;
	(ifvalue) =	ssetifvalue $0x7FFFFFFF;
	v0 =	vld.msk [tilespmem:s14+$0x0 ss:$0x1], $0xffff;
	_ =	sdelay $0x4  }
0x2e: {  	s15 =	sadd.s32 $0x10, s14;
	vm1 =	vgt.s32 v0, $0x0  }
0x2f: {  	v2 =	vld.msk [tilespmem:s15+$0x0 ss:$0x1], $0xffff;
	v1 =	vnsel vm1, $0x0, v0  }
0x30: {  	v1 =	vmin.u32 v1, $0xC7FF;
	_ =	sdelay $0x2  }
0x31: {  	s17 =	simm.s32 $0x20;
	s14 =	sadd.s32 $0xE00, s14;
	s16 =	sadd.s32 $0x10, s15  }
0x32: {  	s15 =	sadd.s32 $0x10, s14;
	s18 =	smov.u32 s14;
	v0 =	vld.msk [tilespmem:s16+$0x0 ss:$0x1], $0xffff;
	vm1 =	vgt.s32 v2, $0x0;
	(ifvalue) =	ssetifvalue $0x7FFFFFFF  }
.LBB2_3:
0x33: {  	[tilespmem:s18], [sflag:$0x1] =	stream.indirect_vreg.gather [hbm4b:s2+s10], $0x1, v1, vm0, $0x4038;
	[tilespmem:$0x1C00] =	vst v63  }
0x34: {  	s17 =	sadd.s32 $0x10, s17  }
0x35: {  	v2 =	vnsel vm1, $0x0, v2;
	p0 =	slt.u32 s17, $0x6F0  }
.Ltmp3:
0x36: {  	s18 =	smov.u32 s15;
	v1 =	vmin.u32 v2, $0xC7FF;
	(pc) =	sbr.rel @p0 .LBB2_3-.Ltmp3, $3  }
0x37: {  	_ =	sdelay $0x1  }
0x38: {  	s16 =	sadd.s32 $0x10, s16  }
0x39: {  	vm1 =	vgt.s32 v0, $0x0;
	s15 =	sadd.s32 $0x10, s15;
	v2 =	vmov v0;
	(ifvalue) =	ssetifvalue $0x7FFFFFFF;
	v0 =	vld.msk [tilespmem:s16+$0x0 ss:$0x1], $0xffff  }
.Ltmp4:
0x3a: {  	_ = 	snop;
	(pc) =	sbr.rel .LBB2_4-.Ltmp4, $1  }
0x3b: {  	_ =	sdelay $0x3  }
.LBB2_6:
0x3c: {  	_ =	sfence.sel $0x180000  }
0x3d: {  	s2 =	simm.s32 $0x2;
	[bflag:$0x0] =	sbarrier.arrive $0xFFFF  }
0x3e: {  	s30 =	simm.s32 $0x3;
	[sflag:s2] =	ssyncpa.u1 $0x1  }
0x3f: {  	s31 =	simm.s32 $0x1;
	[sflag:s30] =	ssyncpa.u1 $0x1  }
0x40: {  	[sflag:s31] =	ssyncpa.u1 $0x1  }
0x41: {  	p0 =	sne.s32 s1, $0x0;
	_ =	strace $0x90000050  }
0x42: {  	s0 =	sadd.s32 @!p0 $0x100000, s0;
	[bflag:$0x2] =	sbarrier.arrive $0xFFFF  }
0x43: {  	[sflag:s0] =	ssyncadd.tile.s32 @!p0 $0x1;
	_ =	shalt  }
.Lfunc_end2:
_tile_overlayer_lowered:
.L_overlay_start_2:
0x44: {  	(tag) =	ssettag $0x2  }
0x45: {  	s0 =	rddreg [dreg:$0x0];
	s2 =	stileid.u32  }
0x46: {  	s1 =	rddreg [dreg:$0x1];
	p0 =	sne.s32 s2, $0x0  }
0x47: {  	s3 =	rddreg [dreg:$0x2];
	[bflag:$0x3] =	sbarrier.arrive $0xFFFF;
	s2 =	simm.s32 @!p0 $0x1C01  }
0x48: {  	[timem:s3], [sflag:s2] =	dma.local @!p0 [hbm:s0], s1  }
0x49: {  	s0 =	simm.s32 @!p0 $0x1  }
0x4a: {  	_ =	swait.ge @!p0 [sflag:s0], s1  }
0x4b: {  	s1 =	ssub.s32 @!p0 $0x0, s1;
	[sflag:s0] =	ssyncset.done @!p0 $0x0  }
0x4c: {  	[sflag:s0] =	ssyncadd.s32 @!p0 s1  }
0x4d: {  	[bflag:$0x3] =	sbarrier.arrive $0xFFFF  }
0x4e: {  	_ =	shalt  }

</sc_bundles>
